<compile_context>
chip_gen: v7x
topology: tpu7x:2x2x1
jax: 0.10.2.dev20260603
libtpu: 0.0.44.dev20260713+nightly
codegen_flags: <defaults>
</compile_context>

<pallas_src>
import functools

import jax
import jax.numpy as jnp
from jax import lax
from jax.experimental import pallas as pl
from jax.experimental.pallas import tpu as pltpu
from jax.experimental.pallas import tpu_sc as plsc

_INFO = plsc.get_sparse_core_info()
_NC = _INFO.num_cores
_NS = _INFO.num_subcores
_NW = _NC * _NS


def _project_table(emb, W, b2d):
    V, D = emb.shape[0], W.shape[1]

    def body(emb_ref, w_ref, b_ref, out_ref):
        out_ref[...] = (
            jnp.dot(emb_ref[...], w_ref[...], preferred_element_type=jnp.float32)
            + b_ref[...]
        )

    return pl.pallas_call(
        body,
        out_shape=jax.ShapeDtypeStruct((V, D), jnp.float32),
    )(emb, W, b2d)


def _make_gather(B, D, V, chunk):
    b_per_w = B // _NW
    n_ch = b_per_w // chunk
    n_pairs = n_ch // 2
    mesh = plsc.VectorSubcoreMesh(core_axis_name="c", subcore_axis_name="s")

    @functools.partial(
        pl.kernel,
        mesh=mesh,
        out_type=jax.ShapeDtypeStruct((B, D), jnp.float32),
        scratch_types=[
            pltpu.VMEM_SHARED((V, D), jnp.float32),
            pltpu.VMEM((b_per_w,), jnp.int32),
            pltpu.VMEM((chunk, D), jnp.float32),
            pltpu.VMEM((chunk, D), jnp.float32),
            pltpu.SemaphoreType.DMA,
            pltpu.SemaphoreType.DMA,
            pltpu.SemaphoreType.DMA,
            pltpu.SemaphoreType.DMA,
        ],
    )
    def gather_kernel(table_hbm, idx_hbm, out_hbm, table_sp, idx_all,
                      rows0, rows1, gsem0, gsem1, wsem0, wsem1):
        wid = lax.axis_index("s") * _NC + lax.axis_index("c")
        base = wid * b_per_w

        rows = (rows0, rows1)
        gsem = (gsem0, gsem1)
        wsem = (wsem0, wsem1)

        @pl.when(lax.axis_index("s") == 0)
        def _stage_table():
            pltpu.sync_copy(table_hbm, table_sp)

        pltpu.sync_copy(idx_hbm.at[pl.ds(base, b_per_w)], idx_all)
        plsc.subcore_barrier()

        def gather_issue(c, bf):
            for g in range(chunk // 16):
                vec = idx_all[pl.ds(c * chunk + g * 16, 16)]
                for j in range(16):
                    pltpu.async_copy(
                        table_sp.at[vec[j]], rows[bf].at[g * 16 + j],
                        gsem[bf])

        def gather_wait(bf):
            pltpu.make_async_copy(
                out_hbm.at[pl.ds(0, chunk)], rows[bf], gsem[bf]).wait()

        def write_issue(c, bf):
            pltpu.async_copy(
                rows[bf], out_hbm.at[pl.ds(base + c * chunk, chunk)], wsem[bf])

        def write_wait(bf):
            pltpu.make_async_copy(
                rows[bf], out_hbm.at[pl.ds(0, chunk)], wsem[bf]).wait()

        gather_issue(0, 0)
        gather_issue(1, 1)

        def body(p, carry):
            c0 = 2 * p
            gather_wait(0)
            write_issue(c0, 0)
            gather_wait(1)
            write_issue(c0 + 1, 1)

            @pl.when(p < n_pairs - 1)
            def _prefetch():
                write_wait(0)
                gather_issue(c0 + 2, 0)
                write_wait(1)
                gather_issue(c0 + 3, 1)

            return carry

        lax.fori_loop(0, n_pairs, body, 0)
        write_wait(0)
        write_wait(1)

    return gather_kernel


def kernel(actions, embedding_table, W, b):
    Bb, L = actions.shape
    D = W.shape[1]
    B = Bb * L
    V = embedding_table.shape[0]

    table = _project_table(embedding_table, W, b.reshape(1, D))
    idx = actions.T.reshape(B)

    chunk = 16
    out = _make_gather(B, D, V, chunk)(table, idx)
    return out.reshape(L, Bb, D).transpose(1, 0, 2)

# --- scband reference (transcript-rebuilt; emitter-appended) ---
"""Pipeline reference for scband-action-encoder-discrete-20787641713111 (READ-ONLY COPY).

The authoritative reference and input builder live on the scoring server;
editing this copy changes nothing except your own understanding.
"""

import jax, jax.numpy as jnp
import numpy as np


def setup_inputs(seed: int = 0) -> dict:
    key = jax.random.key(seed)
    k1, k2, k3 = jax.random.split(key, 3)
    actions = jax.random.randint(k1, (16384, 20), 0, 1000)
    embedding_table = jax.random.normal(k2, (1000, 128), dtype=jnp.float32) * 0.02
    W = jax.random.normal(k3, (128, 512), dtype=jnp.float32) * (1.0 / np.sqrt(128.0))
    b = jnp.zeros((512,), dtype=jnp.float32)
    return {"actions": actions, "embedding_table": embedding_table, "W": W, "b": b}


def reference(actions, embedding_table, W, b):
    # nn.Embedding: gather rows of the table by action id
    embedded_actions = jnp.take(embedding_table, actions, axis=0)  # [B, L, embed_dim]
    # nn.Linear: affine projection embed_dim -> hidden_dim
    encoded_actions = embedded_actions @ W + b  # [B, L, hidden_dim]
    return encoded_actions

if __name__ == "__main__":
    import jax
    _d = setup_inputs()
    print(jax.jit(kernel)(*tuple(_d.values())))

</pallas_src>

<mosaic_0001>
#map = affine_map<(d0, d1) -> (0, 0)>
#map1 = affine_map<(d0, d1) -> (0)>
module attributes {stable_mosaic.version = 14 : i64} {
  func.func @gather_kernel(%arg0: i32, %arg1: i32, %arg2: memref<1000x512xf32, #tpu.memory_space<hbm>>, %arg3: memref<327680xi32, #tpu.memory_space<hbm>>, %arg4: memref<327680x512xf32, #tpu.memory_space<hbm>>, %arg5: memref<1000x512xf32, #tpu.memory_space<vmem_shared>>, %arg6: memref<10240xi32, #tpu.memory_space<vmem>>, %arg7: memref<16x512xf32, #tpu.memory_space<vmem>>, %arg8: memref<16x512xf32, #tpu.memory_space<vmem>>, %arg9: memref<!tpu.dma_semaphore, #tpu.memory_space<semaphore_mem>>, %arg10: memref<!tpu.dma_semaphore, #tpu.memory_space<semaphore_mem>>, %arg11: memref<!tpu.dma_semaphore, #tpu.memory_space<semaphore_mem>>, %arg12: memref<!tpu.dma_semaphore, #tpu.memory_space<semaphore_mem>>) attributes {dimension_semantics = [#tpu.dimension_semantics<core_parallel>, #tpu.dimension_semantics<subcore_parallel>], iteration_bounds = array<i64: 2, 16>, scalar_prefetch = 0 : i64, scratch_operands = 8 : i64, tpu.core_type = #tpu.core_type<sc_vector_subcore>, window_params = [{transform_indices = #map}, {transform_indices = #map1}, {transform_indices = #map}]} {
    %mul3A = arith.constant 2 : i32
    %mul3A_0 = arith.muli %arg1, %mul3A : i32
    %add3A = arith.addi %mul3A_0, %arg0 : i32
    %mul3A_1 = arith.constant 10240 : i32
    %mul3A_2 = arith.muli %add3A, %mul3A_1 : i32
    %eq3A = arith.constant 0 : i32
    %eq3A_3 = arith.cmpi eq, %arg1, %eq3A : i32
    %convert_element_type3A = arith.extui %eq3A_3 : i1 to i32
    %cond3A = arith.constant 0 : i32
    %cond3A_4 = arith.cmpi ne, %convert_element_type3A, %cond3A : i32
    scf.if %cond3A_4 {
      "tpu.region"() ({
        %run_scoped3A = tpu.sem_alloc : memref<!tpu.dma_semaphore, #tpu.memory_space<semaphore_mem>>
        tpu.enqueue_dma source(%arg2 : memref<1000x512xf32, #tpu.memory_space<hbm>>) target(%arg5 : memref<1000x512xf32, #tpu.memory_space<vmem_shared>>) target_semaphore(%run_scoped3A : memref<!tpu.dma_semaphore, #tpu.memory_space<semaphore_mem>>)
        tpu.wait_dma2 semaphore(%run_scoped3A : memref<!tpu.dma_semaphore, #tpu.memory_space<semaphore_mem>>) src(%arg2 : memref<1000x512xf32, #tpu.memory_space<hbm>>) dst(%arg5 : memref<1000x512xf32, #tpu.memory_space<vmem_shared>>)
        tpu.yield
      }) : () -> ()
    } else {
    }
    "tpu.region"() ({
      %run_scoped3A = tpu.sem_alloc : memref<!tpu.dma_semaphore, #tpu.memory_space<semaphore_mem>>
      %dma_start3A_503 = tpu.memref_slice %arg3[%mul3A_2] : memref<327680xi32, #tpu.memory_space<hbm>> -> memref<10240xi32, #tpu.memory_space<hbm>>
      %dma_start3A_504 = tpu.memref_slice %arg3[%mul3A_2] : memref<327680xi32, #tpu.memory_space<hbm>> -> memref<10240xi32, #tpu.memory_space<hbm>>
      tpu.enqueue_dma source(%dma_start3A_504 : memref<10240xi32, #tpu.memory_space<hbm>>) target(%arg6 : memref<10240xi32, #tpu.memory_space<vmem>>) target_semaphore(%run_scoped3A : memref<!tpu.dma_semaphore, #tpu.memory_space<semaphore_mem>>)
      %dma_wait3A_505 = tpu.memref_slice %arg3[%mul3A_2] : memref<327680xi32, #tpu.memory_space<hbm>> -> memref<10240xi32, #tpu.memory_space<hbm>>
      %dma_wait3A_506 = tpu.memref_slice %arg3[%mul3A_2] : memref<327680xi32, #tpu.memory_space<hbm>> -> memref<10240xi32, #tpu.memory_space<hbm>>
      tpu.wait_dma2 semaphore(%run_scoped3A : memref<!tpu.dma_semaphore, #tpu.memory_space<semaphore_mem>>) src(%dma_wait3A_506 : memref<10240xi32, #tpu.memory_space<hbm>>) dst(%arg6 : memref<10240xi32, #tpu.memory_space<vmem>>)
      tpu.yield
    }) : () -> ()
    %barrier3A = arith.constant 0 : index
    tpu.barrier barrier_id(%barrier3A)
    %get3A = arith.constant 0 : index
    %get3A_5 = tpu.vector_load %arg6[%get3A] {strides = array<i32>} : memref<10240xi32, #tpu.memory_space<vmem>>, vector<16xi32>,
    %get3A_6 = vector.shape_cast %get3A_5 : vector<16xi32> to vector<16xi32>
    %slice3A = vector.extract_strided_slice %get3A_6 {offsets = [0], sizes = [1], strides = [1]} : vector<16xi32> to vector<1xi32>
    %squeeze3A = vector.extract %slice3A[0] : i32 from vector<1xi32>
    %dma_start3A = arith.constant 0 : i32
    %dma_start3A_7 = arith.constant 0 : i32
    %dma_start3A_8 = tpu.memref_slice %arg7[%dma_start3A, %dma_start3A_7] : memref<16x512xf32, #tpu.memory_space<vmem>> -> memref<1x512xf32, #tpu.memory_space<vmem>>
    %dma_start3A_9 = tpu.memref_squeeze %dma_start3A_8 : memref<1x512xf32, #tpu.memory_space<vmem>> -> memref<512xf32, #tpu.memory_space<vmem>>
    %dma_start3A_10 = arith.constant 0 : i32
    %dma_start3A_11 = tpu.memref_slice %arg5[%squeeze3A, %dma_start3A_10] : memref<1000x512xf32, #tpu.memory_space<vmem_shared>> -> memref<1x512xf32, #tpu.memory_space<vmem_shared>>
    %dma_start3A_12 = tpu.memref_squeeze %dma_start3A_11 : memref<1x512xf32, #tpu.memory_space<vmem_shared>> -> memref<512xf32, #tpu.memory_space<vmem_shared>>
    %dma_start3A_13 = arith.constant 0 : i32
    %dma_start3A_14 = tpu.memref_slice %arg7[%dma_start3A, %dma_start3A_13] : memref<16x512xf32, #tpu.memory_space<vmem>> -> memref<1x512xf32, #tpu.memory_space<vmem>>
    %dma_start3A_15 = tpu.memref_squeeze %dma_start3A_14 : memref<1x512xf32, #tpu.memory_space<vmem>> -> memref<512xf32, #tpu.memory_space<vmem>>
    %dma_start3A_16 = arith.constant 0 : i32
    %dma_start3A_17 = tpu.memref_slice %arg5[%squeeze3A, %dma_start3A_16] : memref<1000x512xf32, #tpu.memory_space<vmem_shared>> -> memref<1x512xf32, #tpu.memory_space<vmem_shared>>
    %dma_start3A_18 = tpu.memref_squeeze %dma_start3A_17 : memref<1x512xf32, #tpu.memory_space<vmem_shared>> -> memref<512xf32, #tpu.memory_space<vmem_shared>>
    tpu.enqueue_dma source(%dma_start3A_18 : memref<512xf32, #tpu.memory_space<vmem_shared>>) target(%dma_start3A_15 : memref<512xf32, #tpu.memory_space<vmem>>) target_semaphore(%arg9 : memref<!tpu.dma_semaphore, #tpu.memory_space<semaphore_mem>>)
    %slice3A_19 = vector.extract_strided_slice %get3A_6 {offsets = [1], sizes = [1], strides = [1]} : vector<16xi32> to vector<1xi32>
    %squeeze3A_20 = vector.extract %slice3A_19[0] : i32 from vector<1xi32>
    %dma_start3A_21 = arith.constant 1 : i32
    %dma_start3A_22 = arith.constant 0 : i32
    %dma_start3A_23 = tpu.memref_slice %arg7[%dma_start3A_21, %dma_start3A_22] : memref<16x512xf32, #tpu.memory_space<vmem>> -> memref<1x512xf32, #tpu.memory_space<vmem>>
    %dma_start3A_24 = tpu.memref_squeeze %dma_start3A_23 : memref<1x512xf32, #tpu.memory_space<vmem>> -> memref<512xf32, #tpu.memory_space<vmem>>
    %dma_start3A_25 = arith.constant 0 : i32
    %dma_start3A_26 = tpu.memref_slice %arg5[%squeeze3A_20, %dma_start3A_25] : memref<1000x512xf32, #tpu.memory_space<vmem_shared>> -> memref<1x512xf32, #tpu.memory_space<vmem_shared>>
    %dma_start3A_27 = tpu.memref_squeeze %dma_start3A_26 : memref<1x512xf32, #tpu.memory_space<vmem_shared>> -> memref<512xf32, #tpu.memory_space<vmem_shared>>
    %dma_start3A_28 = arith.constant 0 : i32
    %dma_start3A_29 = tpu.memref_slice %arg7[%dma_start3A_21, %dma_start3A_28] : memref<16x512xf32, #tpu.memory_space<vmem>> -> memref<1x512xf32, #tpu.memory_space<vmem>>
    %dma_start3A_30 = tpu.memref_squeeze %dma_start3A_29 : memref<1x512xf32, #tpu.memory_space<vmem>> -> memref<512xf32, #tpu.memory_space<vmem>>
    %dma_start3A_31 = arith.constant 0 : i32
    %dma_start3A_32 = tpu.memref_slice %arg5[%squeeze3A_20, %dma_start3A_31] : memref<1000x512xf32, #tpu.memory_space<vmem_shared>> -> memref<1x512xf32, #tpu.memory_space<vmem_shared>>
    %dma_start3A_33 = tpu.memref_squeeze %dma_start3A_32 : memref<1x512xf32, #tpu.memory_space<vmem_shared>> -> memref<512xf32, #tpu.memory_space<vmem_shared>>
    tpu.enqueue_dma source(%dma_start3A_33 : memref<512xf32, #tpu.memory_space<vmem_shared>>) target(%dma_start3A_30 : memref<512xf32, #tpu.memory_space<vmem>>) target_semaphore(%arg9 : memref<!tpu.dma_semaphore, #tpu.memory_space<semaphore_mem>>)
    %slice3A_34 = vector.extract_strided_slice %get3A_6 {offsets = [2], sizes = [1], strides = [1]} : vector<16xi32> to vector<1xi32>
    %squeeze3A_35 = vector.extract %slice3A_34[0] : i32 from vector<1xi32>
    %dma_start3A_36 = arith.constant 2 : i32
    %dma_start3A_37 = arith.constant 0 : i32
    %dma_start3A_38 = tpu.memref_slice %arg7[%dma_start3A_36, %dma_start3A_37] : memref<16x512xf32, #tpu.memory_space<vmem>> -> memref<1x512xf32, #tpu.memory_space<vmem>>
    %dma_start3A_39 = tpu.memref_squeeze %dma_start3A_38 : memref<1x512xf32, #tpu.memory_space<vmem>> -> memref<512xf32, #tpu.memory_space<vmem>>
    %dma_start3A_40 = arith.constant 0 : i32
    %dma_start3A_41 = tpu.memref_slice %arg5[%squeeze3A_35, %dma_start3A_40] : memref<1000x512xf32, #tpu.memory_space<vmem_shared>> -> memref<1x512xf32, #tpu.memory_space<vmem_shared>>
    %dma_start3A_42 = tpu.memref_squeeze %dma_start3A_41 : memref<1x512xf32, #tpu.memory_space<vmem_shared>> -> memref<512xf32, #tpu.memory_space<vmem_shared>>
    %dma_start3A_43 = arith.constant 0 : i32
    %dma_start3A_44 = tpu.memref_slice %arg7[%dma_start3A_36, %dma_start3A_43] : memref<16x512xf32, #tpu.memory_space<vmem>> -> memref<1x512xf32, #tpu.memory_space<vmem>>
    %dma_start3A_45 = tpu.memref_squeeze %dma_start3A_44 : memref<1x512xf32, #tpu.memory_space<vmem>> -> memref<512xf32, #tpu.memory_space<vmem>>
    %dma_start3A_46 = arith.constant 0 : i32
    %dma_start3A_47 = tpu.memref_slice %arg5[%squeeze3A_35, %dma_start3A_46] : memref<1000x512xf32, #tpu.memory_space<vmem_shared>> -> memref<1x512xf32, #tpu.memory_space<vmem_shared>>
    %dma_start3A_48 = tpu.memref_squeeze %dma_start3A_47 : memref<1x512xf32, #tpu.memory_space<vmem_shared>> -> memref<512xf32, #tpu.memory_space<vmem_shared>>
    tpu.enqueue_dma source(%dma_start3A_48 : memref<512xf32, #tpu.memory_space<vmem_shared>>) target(%dma_start3A_45 : memref<512xf32, #tpu.memory_space<vmem>>) target_semaphore(%arg9 : memref<!tpu.dma_semaphore, #tpu.memory_space<semaphore_mem>>)
    %slice3A_49 = vector.extract_strided_slice %get3A_6 {offsets = [3], sizes = [1], strides = [1]} : vector<16xi32> to vector<1xi32>
    %squeeze3A_50 = vector.extract %slice3A_49[0] : i32 from vector<1xi32>
    %dma_start3A_51 = arith.constant 3 : i32
    %dma_start3A_52 = arith.constant 0 : i32
    %dma_start3A_53 = tpu.memref_slice %arg7[%dma_start3A_51, %dma_start3A_52] : memref<16x512xf32, #tpu.memory_space<vmem>> -> memref<1x512xf32, #tpu.memory_space<vmem>>
    %dma_start3A_54 = tpu.memref_squeeze %dma_start3A_53 : memref<1x512xf32, #tpu.memory_space<vmem>> -> memref<512xf32, #tpu.memory_space<vmem>>
    %dma_start3A_55 = arith.constant 0 : i32
    %dma_start3A_56 = tpu.memref_slice %arg5[%squeeze3A_50, %dma_start3A_55] : memref<1000x512xf32, #tpu.memory_space<vmem_shared>> -> memref<1x512xf32, #tpu.memory_space<vmem_shared>>
    %dma_start3A_57 = tpu.memref_squeeze %dma_start3A_56 : memref<1x512xf32, #tpu.memory_space<vmem_shared>> -> memref<512xf32, #tpu.memory_space<vmem_shared>>
    %dma_start3A_58 = arith.constant 0 : i32
    %dma_start3A_59 = tpu.memref_slice %arg7[%dma_start3A_51, %dma_start3A_58] : memref<16x512xf32, #tpu.memory_space<vmem>> -> memref<1x512xf32, #tpu.memory_space<vmem>>
    %dma_start3A_60 = tpu.memref_squeeze %dma_start3A_59 : memref<1x512xf32, #tpu.memory_space<vmem>> -> memref<512xf32, #tpu.memory_space<vmem>>
    %dma_start3A_61 = arith.constant 0 : i32
    %dma_start3A_62 = tpu.memref_slice %arg5[%squeeze3A_50, %dma_start3A_61] : memref<1000x512xf32, #tpu.memory_space<vmem_shared>> -> memref<1x512xf32, #tpu.memory_space<vmem_shared>>
    %dma_start3A_63 = tpu.memref_squeeze %dma_start3A_62 : memref<1x512xf32, #tpu.memory_space<vmem_shared>> -> memref<512xf32, #tpu.memory_space<vmem_shared>>
    tpu.enqueue_dma source(%dma_start3A_63 : memref<512xf32, #tpu.memory_space<vmem_shared>>) target(%dma_start3A_60 : memref<512xf32, #tpu.memory_space<vmem>>) target_semaphore(%arg9 : memref<!tpu.dma_semaphore, #tpu.memory_space<semaphore_mem>>)
    %slice3A_64 = vector.extract_strided_slice %get3A_6 {offsets = [4], sizes = [1], strides = [1]} : vector<16xi32> to vector<1xi32>
    %squeeze3A_65 = vector.extract %slice3A_64[0] : i32 from vector<1xi32>
    %dma_start3A_66 = arith.constant 4 : i32
    %dma_start3A_67 = arith.constant 0 : i32
    %dma_start3A_68 = tpu.memref_slice %arg7[%dma_start3A_66, %dma_start3A_67] : memref<16x512xf32, #tpu.memory_space<vmem>> -> memref<1x512xf32, #tpu.memory_space<vmem>>
    %dma_start3A_69 = tpu.memref_squeeze %dma_start3A_68 : memref<1x512xf32, #tpu.memory_space<vmem>> -> memref<512xf32, #tpu.memory_space<vmem>>
    %dma_start3A_70 = arith.constant 0 : i32
    %dma_start3A_71 = tpu.memref_slice %arg5[%squeeze3A_65, %dma_start3A_70] : memref<1000x512xf32, #tpu.memory_space<vmem_shared>> -> memref<1x512xf32, #tpu.memory_space<vmem_shared>>
    %dma_start3A_72 = tpu.memref_squeeze %dma_start3A_71 : memref<1x512xf32, #tpu.memory_space<vmem_shared>> -> memref<512xf32, #tpu.memory_space<vmem_shared>>
    %dma_start3A_73 = arith.constant 0 : i32
    %dma_start3A_74 = tpu.memref_slice %arg7[%dma_start3A_66, %dma_start3A_73] : memref<16x512xf32, #tpu.memory_space<vmem>> -> memref<1x512xf32, #tpu.memory_space<vmem>>
    %dma_start3A_75 = tpu.memref_squeeze %dma_start3A_74 : memref<1x512xf32, #tpu.memory_space<vmem>> -> memref<512xf32, #tpu.memory_space<vmem>>
    %dma_start3A_76 = arith.constant 0 : i32
    %dma_start3A_77 = tpu.memref_slice %arg5[%squeeze3A_65, %dma_start3A_76] : memref<1000x512xf32, #tpu.memory_space<vmem_shared>> -> memref<1x512xf32, #tpu.memory_space<vmem_shared>>
    %dma_start3A_78 = tpu.memref_squeeze %dma_start3A_77 : memref<1x512xf32, #tpu.memory_space<vmem_shared>> -> memref<512xf32, #tpu.memory_space<vmem_shared>>
    tpu.enqueue_dma source(%dma_start3A_78 : memref<512xf32, #tpu.memory_space<vmem_shared>>) target(%dma_start3A_75 : memref<512xf32, #tpu.memory_space<vmem>>) target_semaphore(%arg9 : memref<!tpu.dma_semaphore, #tpu.memory_space<semaphore_mem>>)
    %slice3A_79 = vector.extract_strided_slice %get3A_6 {offsets = [5], sizes = [1], strides = [1]} : vector<16xi32> to vector<1xi32>
    %squeeze3A_80 = vector.extract %slice3A_79[0] : i32 from vector<1xi32>
    %dma_start3A_81 = arith.constant 5 : i32
    %dma_start3A_82 = arith.constant 0 : i32
    %dma_start3A_83 = tpu.memref_slice %arg7[%dma_start3A_81, %dma_start3A_82] : memref<16x512xf32, #tpu.memory_space<vmem>> -> memref<1x512xf32, #tpu.memory_space<vmem>>
    %dma_start3A_84 = tpu.memref_squeeze %dma_start3A_83 : memref<1x512xf32, #tpu.memory_space<vmem>> -> memref<512xf32, #tpu.memory_space<vmem>>
    %dma_start3A_85 = arith.constant 0 : i32
    %dma_start3A_86 = tpu.memref_slice %arg5[%squeeze3A_80, %dma_start3A_85] : memref<1000x512xf32, #tpu.memory_space<vmem_shared>> -> memref<1x512xf32, #tpu.memory_space<vmem_shared>>
    %dma_start3A_87 = tpu.memref_squeeze %dma_start3A_86 : memref<1x512xf32, #tpu.memory_space<vmem_shared>> -> memref<512xf32, #tpu.memory_space<vmem_shared>>
    %dma_start3A_88 = arith.constant 0 : i32
    %dma_start3A_89 = tpu.memref_slice %arg7[%dma_start3A_81, %dma_start3A_88] : memref<16x512xf32, #tpu.memory_space<vmem>> -> memref<1x512xf32, #tpu.memory_space<vmem>>
    %dma_start3A_90 = tpu.memref_squeeze %dma_start3A_89 : memref<1x512xf32, #tpu.memory_space<vmem>> -> memref<512xf32, #tpu.memory_space<vmem>>
    %dma_start3A_91 = arith.constant 0 : i32
    %dma_start3A_92 = tpu.memref_slice %arg5[%squeeze3A_80, %dma_start3A_91] : memref<1000x512xf32, #tpu.memory_space<vmem_shared>> -> memref<1x512xf32, #tpu.memory_space<vmem_shared>>
    %dma_start3A_93 = tpu.memref_squeeze %dma_start3A_92 : memref<1x512xf32, #tpu.memory_space<vmem_shared>> -> memref<512xf32, #tpu.memory_space<vmem_shared>>
    tpu.enqueue_dma source(%dma_start3A_93 : memref<512xf32, #tpu.memory_space<vmem_shared>>) target(%dma_start3A_90 : memref<512xf32, #tpu.memory_space<vmem>>) target_semaphore(%arg9 : memref<!tpu.dma_semaphore, #tpu.memory_space<semaphore_mem>>)
    %slice3A_94 = vector.extract_strided_slice %get3A_6 {offsets = [6], sizes = [1], strides = [1]} : vector<16xi32> to vector<1xi32>
    %squeeze3A_95 = vector.extract %slice3A_94[0] : i32 from vector<1xi32>
    %dma_start3A_96 = arith.constant 6 : i32
    %dma_start3A_97 = arith.constant 0 : i32
    %dma_start3A_98 = tpu.memref_slice %arg7[%dma_start3A_96, %dma_start3A_97] : memref<16x512xf32, #tpu.memory_space<vmem>> -> memref<1x512xf32, #tpu.memory_space<vmem>>
    %dma_start3A_99 = tpu.memref_squeeze %dma_start3A_98 : memref<1x512xf32, #tpu.memory_space<vmem>> -> memref<512xf32, #tpu.memory_space<vmem>>
    %dma_start3A_100 = arith.constant 0 : i32
    %dma_start3A_101 = tpu.memref_slice %arg5[%squeeze3A_95, %dma_start3A_100] : memref<1000x512xf32, #tpu.memory_space<vmem_shared>> -> memref<1x512xf32, #tpu.memory_space<vmem_shared>>
    %dma_start3A_102 = tpu.memref_squeeze %dma_start3A_101 : memref<1x512xf32, #tpu.memory_space<vmem_shared>> -> memref<512xf32, #tpu.memory_space<vmem_shared>>
    %dma_start3A_103 = arith.constant 0 : i32
    %dma_start3A_104 = tpu.memref_slice %arg7[%dma_start3A_96, %dma_start3A_103] : memref<16x512xf32, #tpu.memory_space<vmem>> -> memref<1x512xf32, #tpu.memory_space<vmem>>
    %dma_start3A_105 = tpu.memref_squeeze %dma_start3A_104 : memref<1x512xf32, #tpu.memory_space<vmem>> -> memref<512xf32, #tpu.memory_space<vmem>>
    %dma_start3A_106 = arith.constant 0 : i32
    %dma_start3A_107 = tpu.memref_slice %arg5[%squeeze3A_95, %dma_start3A_106] : memref<1000x512xf32, #tpu.memory_space<vmem_shared>> -> memref<1x512xf32, #tpu.memory_space<vmem_shared>>
    %dma_start3A_108 = tpu.memref_squeeze %dma_start3A_107 : memref<1x512xf32, #tpu.memory_space<vmem_shared>> -> memref<512xf32, #tpu.memory_space<vmem_shared>>
    tpu.enqueue_dma source(%dma_start3A_108 : memref<512xf32, #tpu.memory_space<vmem_shared>>) target(%dma_start3A_105 : memref<512xf32, #tpu.memory_space<vmem>>) target_semaphore(%arg9 : memref<!tpu.dma_semaphore, #tpu.memory_space<semaphore_mem>>)
    %slice3A_109 = vector.extract_strided_slice %get3A_6 {offsets = [7], sizes = [1], strides = [1]} : vector<16xi32> to vector<1xi32>
    %squeeze3A_110 = vector.extract %slice3A_109[0] : i32 from vector<1xi32>
    %dma_start3A_111 = arith.constant 7 : i32
    %dma_start3A_112 = arith.constant 0 : i32
    %dma_start3A_113 = tpu.memref_slice %arg7[%dma_start3A_111, %dma_start3A_112] : memref<16x512xf32, #tpu.memory_space<vmem>> -> memref<1x512xf32, #tpu.memory_space<vmem>>
    %dma_start3A_114 = tpu.memref_squeeze %dma_start3A_113 : memref<1x512xf32, #tpu.memory_space<vmem>> -> memref<512xf32, #tpu.memory_space<vmem>>
    %dma_start3A_115 = arith.constant 0 : i32
    %dma_start3A_116 = tpu.memref_slice %arg5[%squeeze3A_110, %dma_start3A_115] : memref<1000x512xf32, #tpu.memory_space<vmem_shared>> -> memref<1x512xf32, #tpu.memory_space<vmem_shared>>
    %dma_start3A_117 = tpu.memref_squeeze %dma_start3A_116 : memref<1x512xf32, #tpu.memory_space<vmem_shared>> -> memref<512xf32, #tpu.memory_space<vmem_shared>>
    %dma_start3A_118 = arith.constant 0 : i32
    %dma_start3A_119 = tpu.memref_slice %arg7[%dma_start3A_111, %dma_start3A_118] : memref<16x512xf32, #tpu.memory_space<vmem>> -> memref<1x512xf32, #tpu.memory_space<vmem>>
    %dma_start3A_120 = tpu.memref_squeeze %dma_start3A_119 : memref<1x512xf32, #tpu.memory_space<vmem>> -> memref<512xf32, #tpu.memory_space<vmem>>
    %dma_start3A_121 = arith.constant 0 : i32
    %dma_start3A_122 = tpu.memref_slice %arg5[%squeeze3A_110, %dma_start3A_121] : memref<1000x512xf32, #tpu.memory_space<vmem_shared>> -> memref<1x512xf32, #tpu.memory_space<vmem_shared>>
    %dma_start3A_123 = tpu.memref_squeeze %dma_start3A_122 : memref<1x512xf32, #tpu.memory_space<vmem_shared>> -> memref<512xf32, #tpu.memory_space<vmem_shared>>
    tpu.enqueue_dma source(%dma_start3A_123 : memref<512xf32, #tpu.memory_space<vmem_shared>>) target(%dma_start3A_120 : memref<512xf32, #tpu.memory_space<vmem>>) target_semaphore(%arg9 : memref<!tpu.dma_semaphore, #tpu.memory_space<semaphore_mem>>)
    %slice3A_124 = vector.extract_strided_slice %get3A_6 {offsets = [8], sizes = [1], strides = [1]} : vector<16xi32> to vector<1xi32>
    %squeeze3A_125 = vector.extract %slice3A_124[0] : i32 from vector<1xi32>
    %dma_start3A_126 = arith.constant 8 : i32
    %dma_start3A_127 = arith.constant 0 : i32
    %dma_start3A_128 = tpu.memref_slice %arg7[%dma_start3A_126, %dma_start3A_127] : memref<16x512xf32, #tpu.memory_space<vmem>> -> memref<1x512xf32, #tpu.memory_space<vmem>>
    %dma_start3A_129 = tpu.memref_squeeze %dma_start3A_128 : memref<1x512xf32, #tpu.memory_space<vmem>> -> memref<512xf32, #tpu.memory_space<vmem>>
    %dma_start3A_130 = arith.constant 0 : i32
    %dma_start3A_131 = tpu.memref_slice %arg5[%squeeze3A_125, %dma_start3A_130] : memref<1000x512xf32, #tpu.memory_space<vmem_shared>> -> memref<1x512xf32, #tpu.memory_space<vmem_shared>>
    %dma_start3A_132 = tpu.memref_squeeze %dma_start3A_131 : memref<1x512xf32, #tpu.memory_space<vmem_shared>> -> memref<512xf32, #tpu.memory_space<vmem_shared>>
    %dma_start3A_133 = arith.constant 0 : i32
    %dma_start3A_134 = tpu.memref_slice %arg7[%dma_start3A_126, %dma_start3A_133] : memref<16x512xf32, #tpu.memory_space<vmem>> -> memref<1x512xf32, #tpu.memory_space<vmem>>
    %dma_start3A_135 = tpu.memref_squeeze %dma_start3A_134 : memref<1x512xf32, #tpu.memory_space<vmem>> -> memref<512xf32, #tpu.memory_space<vmem>>
    %dma_start3A_136 = arith.constant 0 : i32
    %dma_start3A_137 = tpu.memref_slice %arg5[%squeeze3A_125, %dma_start3A_136] : memref<1000x512xf32, #tpu.memory_space<vmem_shared>> -> memref<1x512xf32, #tpu.memory_space<vmem_shared>>
    %dma_start3A_138 = tpu.memref_squeeze %dma_start3A_137 : memref<1x512xf32, #tpu.memory_space<vmem_shared>> -> memref<512xf32, #tpu.memory_space<vmem_shared>>
    tpu.enqueue_dma source(%dma_start3A_138 : memref<512xf32, #tpu.memory_space<vmem_shared>>) target(%dma_start3A_135 : memref<512xf32, #tpu.memory_space<vmem>>) target_semaphore(%arg9 : memref<!tpu.dma_semaphore, #tpu.memory_space<semaphore_mem>>)
    %slice3A_139 = vector.extract_strided_slice %get3A_6 {offsets = [9], sizes = [1], strides = [1]} : vector<16xi32> to vector<1xi32>
    %squeeze3A_140 = vector.extract %slice3A_139[0] : i32 from vector<1xi32>
    %dma_start3A_141 = arith.constant 9 : i32
    %dma_start3A_142 = arith.constant 0 : i32
    %dma_start3A_143 = tpu.memref_slice %arg7[%dma_start3A_141, %dma_start3A_142] : memref<16x512xf32, #tpu.memory_space<vmem>> -> memref<1x512xf32, #tpu.memory_space<vmem>>
    %dma_start3A_144 = tpu.memref_squeeze %dma_start3A_143 : memref<1x512xf32, #tpu.memory_space<vmem>> -> memref<512xf32, #tpu.memory_space<vmem>>
    %dma_start3A_145 = arith.constant 0 : i32
    %dma_start3A_146 = tpu.memref_slice %arg5[%squeeze3A_140, %dma_start3A_145] : memref<1000x512xf32, #tpu.memory_space<vmem_shared>> -> memref<1x512xf32, #tpu.memory_space<vmem_shared>>
    %dma_start3A_147 = tpu.memref_squeeze %dma_start3A_146 : memref<1x512xf32, #tpu.memory_space<vmem_shared>> -> memref<512xf32, #tpu.memory_space<vmem_shared>>
    %dma_start3A_148 = arith.constant 0 : i32
    %dma_start3A_149 = tpu.memref_slice %arg7[%dma_start3A_141, %dma_start3A_148] : memref<16x512xf32, #tpu.memory_space<vmem>> -> memref<1x512xf32, #tpu.memory_space<vmem>>
    %dma_start3A_150 = tpu.memref_squeeze %dma_start3A_149 : memref<1x512xf32, #tpu.memory_space<vmem>> -> memref<512xf32, #tpu.memory_space<vmem>>
    %dma_start3A_151 = arith.constant 0 : i32
    %dma_start3A_152 = tpu.memref_slice %arg5[%squeeze3A_140, %dma_start3A_151] : memref<1000x512xf32, #tpu.memory_space<vmem_shared>> -> memref<1x512xf32, #tpu.memory_space<vmem_shared>>
    %dma_start3A_153 = tpu.memref_squeeze %dma_start3A_152 : memref<1x512xf32, #tpu.memory_space<vmem_shared>> -> memref<512xf32, #tpu.memory_space<vmem_shared>>
    tpu.enqueue_dma source(%dma_start3A_153 : memref<512xf32, #tpu.memory_space<vmem_shared>>) target(%dma_start3A_150 : memref<512xf32, #tpu.memory_space<vmem>>) target_semaphore(%arg9 : memref<!tpu.dma_semaphore, #tpu.memory_space<semaphore_mem>>)
    %slice3A_154 = vector.extract_strided_slice %get3A_6 {offsets = [10], sizes = [1], strides = [1]} : vector<16xi32> to vector<1xi32>
    %squeeze3A_155 = vector.extract %slice3A_154[0] : i32 from vector<1xi32>
    %dma_start3A_156 = arith.constant 10 : i32
    %dma_start3A_157 = arith.constant 0 : i32
    %dma_start3A_158 = tpu.memref_slice %arg7[%dma_start3A_156, %dma_start3A_157] : memref<16x512xf32, #tpu.memory_space<vmem>> -> memref<1x512xf32, #tpu.memory_space<vmem>>
    %dma_start3A_159 = tpu.memref_squeeze %dma_start3A_158 : memref<1x512xf32, #tpu.memory_space<vmem>> -> memref<512xf32, #tpu.memory_space<vmem>>
    %dma_start3A_160 = arith.constant 0 : i32
    %dma_start3A_161 = tpu.memref_slice %arg5[%squeeze3A_155, %dma_start3A_160] : memref<1000x512xf32, #tpu.memory_space<vmem_shared>> -> memref<1x512xf32, #tpu.memory_space<vmem_shared>>
    %dma_start3A_162 = tpu.memref_squeeze %dma_start3A_161 : memref<1x512xf32, #tpu.memory_space<vmem_shared>> -> memref<512xf32, #tpu.memory_space<vmem_shared>>
    %dma_start3A_163 = arith.constant 0 : i32
    %dma_start3A_164 = tpu.memref_slice %arg7[%dma_start3A_156, %dma_start3A_163] : memref<16x512xf32, #tpu.memory_space<vmem>> -> memref<1x512xf32, #tpu.memory_space<vmem>>
    %dma_start3A_165 = tpu.memref_squeeze %dma_start3A_164 : memref<1x512xf32, #tpu.memory_space<vmem>> -> memref<512xf32, #tpu.memory_space<vmem>>
    %dma_start3A_166 = arith.constant 0 : i32
    %dma_start3A_167 = tpu.memref_slice %arg5[%squeeze3A_155, %dma_start3A_166] : memref<1000x512xf32, #tpu.memory_space<vmem_shared>> -> memref<1x512xf32, #tpu.memory_space<vmem_shared>>
    %dma_start3A_168 = tpu.memref_squeeze %dma_start3A_167 : memref<1x512xf32, #tpu.memory_space<vmem_shared>> -> memref<512xf32, #tpu.memory_space<vmem_shared>>
    tpu.enqueue_dma source(%dma_start3A_168 : memref<512xf32, #tpu.memory_space<vmem_shared>>) target(%dma_start3A_165 : memref<512xf32, #tpu.memory_space<vmem>>) target_semaphore(%arg9 : memref<!tpu.dma_semaphore, #tpu.memory_space<semaphore_mem>>)
    %slice3A_169 = vector.extract_strided_slice %get3A_6 {offsets = [11], sizes = [1], strides = [1]} : vector<16xi32> to vector<1xi32>
    %squeeze3A_170 = vector.extract %slice3A_169[0] : i32 from vector<1xi32>
    %dma_start3A_171 = arith.constant 11 : i32
    %dma_start3A_172 = arith.constant 0 : i32
    %dma_start3A_173 = tpu.memref_slice %arg7[%dma_start3A_171, %dma_start3A_172] : memref<16x512xf32, #tpu.memory_space<vmem>> -> memref<1x512xf32, #tpu.memory_space<vmem>>
    %dma_start3A_174 = tpu.memref_squeeze %dma_start3A_173 : memref<1x512xf32, #tpu.memory_space<vmem>> -> memref<512xf32, #tpu.memory_space<vmem>>
    %dma_start3A_175 = arith.constant 0 : i32
    %dma_start3A_176 = tpu.memref_slice %arg5[%squeeze3A_170, %dma_start3A_175] : memref<1000x512xf32, #tpu.memory_space<vmem_shared>> -> memref<1x512xf32, #tpu.memory_space<vmem_shared>>
    %dma_start3A_177 = tpu.memref_squeeze %dma_start3A_176 : memref<1x512xf32, #tpu.memory_space<vmem_shared>> -> memref<512xf32, #tpu.memory_space<vmem_shared>>
    %dma_start3A_178 = arith.constant 0 : i32
    %dma_start3A_179 = tpu.memref_slice %arg7[%dma_start3A_171, %dma_start3A_178] : memref<16x512xf32, #tpu.memory_space<vmem>> -> memref<1x512xf32, #tpu.memory_space<vmem>>
    %dma_start3A_180 = tpu.memref_squeeze %dma_start3A_179 : memref<1x512xf32, #tpu.memory_space<vmem>> -> memref<512xf32, #tpu.memory_space<vmem>>
    %dma_start3A_181 = arith.constant 0 : i32
    %dma_start3A_182 = tpu.memref_slice %arg5[%squeeze3A_170, %dma_start3A_181] : memref<1000x512xf32, #tpu.memory_space<vmem_shared>> -> memref<1x512xf32, #tpu.memory_space<vmem_shared>>
    %dma_start3A_183 = tpu.memref_squeeze %dma_start3A_182 : memref<1x512xf32, #tpu.memory_space<vmem_shared>> -> memref<512xf32, #tpu.memory_space<vmem_shared>>
    tpu.enqueue_dma source(%dma_start3A_183 : memref<512xf32, #tpu.memory_space<vmem_shared>>) target(%dma_start3A_180 : memref<512xf32, #tpu.memory_space<vmem>>) target_semaphore(%arg9 : memref<!tpu.dma_semaphore, #tpu.memory_space<semaphore_mem>>)
    %slice3A_184 = vector.extract_strided_slice %get3A_6 {offsets = [12], sizes = [1], strides = [1]} : vector<16xi32> to vector<1xi32>
    %squeeze3A_185 = vector.extract %slice3A_184[0] : i32 from vector<1xi32>
    %dma_start3A_186 = arith.constant 12 : i32
    %dma_start3A_187 = arith.constant 0 : i32
    %dma_start3A_188 = tpu.memref_slice %arg7[%dma_start3A_186, %dma_start3A_187] : memref<16x512xf32, #tpu.memory_space<vmem>> -> memref<1x512xf32, #tpu.memory_space<vmem>>
    %dma_start3A_189 = tpu.memref_squeeze %dma_start3A_188 : memref<1x512xf32, #tpu.memory_space<vmem>> -> memref<512xf32, #tpu.memory_space<vmem>>
    %dma_start3A_190 = arith.constant 0 : i32
    %dma_start3A_191 = tpu.memref_slice %arg5[%squeeze3A_185, %dma_start3A_190] : memref<1000x512xf32, #tpu.memory_space<vmem_shared>> -> memref<1x512xf32, #tpu.memory_space<vmem_shared>>
    %dma_start3A_192 = tpu.memref_squeeze %dma_start3A_191 : memref<1x512xf32, #tpu.memory_space<vmem_shared>> -> memref<512xf32, #tpu.memory_space<vmem_shared>>
    %dma_start3A_193 = arith.constant 0 : i32
    %dma_start3A_194 = tpu.memref_slice %arg7[%dma_start3A_186, %dma_start3A_193] : memref<16x512xf32, #tpu.memory_space<vmem>> -> memref<1x512xf32, #tpu.memory_space<vmem>>
    %dma_start3A_195 = tpu.memref_squeeze %dma_start3A_194 : memref<1x512xf32, #tpu.memory_space<vmem>> -> memref<512xf32, #tpu.memory_space<vmem>>
    %dma_start3A_196 = arith.constant 0 : i32
    %dma_start3A_197 = tpu.memref_slice %arg5[%squeeze3A_185, %dma_start3A_196] : memref<1000x512xf32, #tpu.memory_space<vmem_shared>> -> memref<1x512xf32, #tpu.memory_space<vmem_shared>>
    %dma_start3A_198 = tpu.memref_squeeze %dma_start3A_197 : memref<1x512xf32, #tpu.memory_space<vmem_shared>> -> memref<512xf32, #tpu.memory_space<vmem_shared>>
    tpu.enqueue_dma source(%dma_start3A_198 : memref<512xf32, #tpu.memory_space<vmem_shared>>) target(%dma_start3A_195 : memref<512xf32, #tpu.memory_space<vmem>>) target_semaphore(%arg9 : memref<!tpu.dma_semaphore, #tpu.memory_space<semaphore_mem>>)
    %slice3A_199 = vector.extract_strided_slice %get3A_6 {offsets = [13], sizes = [1], strides = [1]} : vector<16xi32> to vector<1xi32>
    %squeeze3A_200 = vector.extract %slice3A_199[0] : i32 from vector<1xi32>
    %dma_start3A_201 = arith.constant 13 : i32
    %dma_start3A_202 = arith.constant 0 : i32
    %dma_start3A_203 = tpu.memref_slice %arg7[%dma_start3A_201, %dma_start3A_202] : memref<16x512xf32, #tpu.memory_space<vmem>> -> memref<1x512xf32, #tpu.memory_space<vmem>>
    %dma_start3A_204 = tpu.memref_squeeze %dma_start3A_203 : memref<1x512xf32, #tpu.memory_space<vmem>> -> memref<512xf32, #tpu.memory_space<vmem>>
    %dma_start3A_205 = arith.constant 0 : i32
    %dma_start3A_206 = tpu.memref_slice %arg5[%squeeze3A_200, %dma_start3A_205] : memref<1000x512xf32, #tpu.memory_space<vmem_shared>> -> memref<1x512xf32, #tpu.memory_space<vmem_shared>>
    %dma_start3A_207 = tpu.memref_squeeze %dma_start3A_206 : memref<1x512xf32, #tpu.memory_space<vmem_shared>> -> memref<512xf32, #tpu.memory_space<vmem_shared>>
    %dma_start3A_208 = arith.constant 0 : i32
    %dma_start3A_209 = tpu.memref_slice %arg7[%dma_start3A_201, %dma_start3A_208] : memref<16x512xf32, #tpu.memory_space<vmem>> -> memref<1x512xf32, #tpu.memory_space<vmem>>
    %dma_start3A_210 = tpu.memref_squeeze %dma_start3A_209 : memref<1x512xf32, #tpu.memory_space<vmem>> -> memref<512xf32, #tpu.memory_space<vmem>>
    %dma_start3A_211 = arith.constant 0 : i32
    %dma_start3A_212 = tpu.memref_slice %arg5[%squeeze3A_200, %dma_start3A_211] : memref<1000x512xf32, #tpu.memory_space<vmem_shared>> -> memref<1x512xf32, #tpu.memory_space<vmem_shared>>
    %dma_start3A_213 = tpu.memref_squeeze %dma_start3A_212 : memref<1x512xf32, #tpu.memory_space<vmem_shared>> -> memref<512xf32, #tpu.memory_space<vmem_shared>>
    tpu.enqueue_dma source(%dma_start3A_213 : memref<512xf32, #tpu.memory_space<vmem_shared>>) target(%dma_start3A_210 : memref<512xf32, #tpu.memory_space<vmem>>) target_semaphore(%arg9 : memref<!tpu.dma_semaphore, #tpu.memory_space<semaphore_mem>>)
    %slice3A_214 = vector.extract_strided_slice %get3A_6 {offsets = [14], sizes = [1], strides = [1]} : vector<16xi32> to vector<1xi32>
    %squeeze3A_215 = vector.extract %slice3A_214[0] : i32 from vector<1xi32>
    %dma_start3A_216 = arith.constant 14 : i32
    %dma_start3A_217 = arith.constant 0 : i32
    %dma_start3A_218 = tpu.memref_slice %arg7[%dma_start3A_216, %dma_start3A_217] : memref<16x512xf32, #tpu.memory_space<vmem>> -> memref<1x512xf32, #tpu.memory_space<vmem>>
    %dma_start3A_219 = tpu.memref_squeeze %dma_start3A_218 : memref<1x512xf32, #tpu.memory_space<vmem>> -> memref<512xf32, #tpu.memory_space<vmem>>
    %dma_start3A_220 = arith.constant 0 : i32
    %dma_start3A_221 = tpu.memref_slice %arg5[%squeeze3A_215, %dma_start3A_220] : memref<1000x512xf32, #tpu.memory_space<vmem_shared>> -> memref<1x512xf32, #tpu.memory_space<vmem_shared>>
    %dma_start3A_222 = tpu.memref_squeeze %dma_start3A_221 : memref<1x512xf32, #tpu.memory_space<vmem_shared>> -> memref<512xf32, #tpu.memory_space<vmem_shared>>
    %dma_start3A_223 = arith.constant 0 : i32
    %dma_start3A_224 = tpu.memref_slice %arg7[%dma_start3A_216, %dma_start3A_223] : memref<16x512xf32, #tpu.memory_space<vmem>> -> memref<1x512xf32, #tpu.memory_space<vmem>>
    %dma_start3A_225 = tpu.memref_squeeze %dma_start3A_224 : memref<1x512xf32, #tpu.memory_space<vmem>> -> memref<512xf32, #tpu.memory_space<vmem>>
    %dma_start3A_226 = arith.constant 0 : i32
    %dma_start3A_227 = tpu.memref_slice %arg5[%squeeze3A_215, %dma_start3A_226] : memref<1000x512xf32, #tpu.memory_space<vmem_shared>> -> memref<1x512xf32, #tpu.memory_space<vmem_shared>>
    %dma_start3A_228 = tpu.memref_squeeze %dma_start3A_227 : memref<1x512xf32, #tpu.memory_space<vmem_shared>> -> memref<512xf32, #tpu.memory_space<vmem_shared>>
    tpu.enqueue_dma source(%dma_start3A_228 : memref<512xf32, #tpu.memory_space<vmem_shared>>) target(%dma_start3A_225 : memref<512xf32, #tpu.memory_space<vmem>>) target_semaphore(%arg9 : memref<!tpu.dma_semaphore, #tpu.memory_space<semaphore_mem>>)
    %slice3A_229 = vector.extract_strided_slice %get3A_6 {offsets = [15], sizes = [1], strides = [1]} : vector<16xi32> to vector<1xi32>
    %squeeze3A_230 = vector.extract %slice3A_229[0] : i32 from vector<1xi32>
    %dma_start3A_231 = arith.constant 15 : i32
    %dma_start3A_232 = arith.constant 0 : i32
    %dma_start3A_233 = tpu.memref_slice %arg7[%dma_start3A_231, %dma_start3A_232] : memref<16x512xf32, #tpu.memory_space<vmem>> -> memref<1x512xf32, #tpu.memory_space<vmem>>
    %dma_start3A_234 = tpu.memref_squeeze %dma_start3A_233 : memref<1x512xf32, #tpu.memory_space<vmem>> -> memref<512xf32, #tpu.memory_space<vmem>>
    %dma_start3A_235 = arith.constant 0 : i32
    %dma_start3A_236 = tpu.memref_slice %arg5[%squeeze3A_230, %dma_start3A_235] : memref<1000x512xf32, #tpu.memory_space<vmem_shared>> -> memref<1x512xf32, #tpu.memory_space<vmem_shared>>
    %dma_start3A_237 = tpu.memref_squeeze %dma_start3A_236 : memref<1x512xf32, #tpu.memory_space<vmem_shared>> -> memref<512xf32, #tpu.memory_space<vmem_shared>>
    %dma_start3A_238 = arith.constant 0 : i32
    %dma_start3A_239 = tpu.memref_slice %arg7[%dma_start3A_231, %dma_start3A_238] : memref<16x512xf32, #tpu.memory_space<vmem>> -> memref<1x512xf32, #tpu.memory_space<vmem>>
    %dma_start3A_240 = tpu.memref_squeeze %dma_start3A_239 : memref<1x512xf32, #tpu.memory_space<vmem>> -> memref<512xf32, #tpu.memory_space<vmem>>
    %dma_start3A_241 = arith.constant 0 : i32
    %dma_start3A_242 = tpu.memref_slice %arg5[%squeeze3A_230, %dma_start3A_241] : memref<1000x512xf32, #tpu.memory_space<vmem_shared>> -> memref<1x512xf32, #tpu.memory_space<vmem_shared>>
    %dma_start3A_243 = tpu.memref_squeeze %dma_start3A_242 : memref<1x512xf32, #tpu.memory_space<vmem_shared>> -> memref<512xf32, #tpu.memory_space<vmem_shared>>
    tpu.enqueue_dma source(%dma_start3A_243 : memref<512xf32, #tpu.memory_space<vmem_shared>>) target(%dma_start3A_240 : memref<512xf32, #tpu.memory_space<vmem>>) target_semaphore(%arg9 : memref<!tpu.dma_semaphore, #tpu.memory_space<semaphore_mem>>)
    %get3A_244 = arith.constant 16 : index
    %get3A_245 = tpu.vector_load %arg6[%get3A_244] {strides = array<i32>} : memref<10240xi32, #tpu.memory_space<vmem>>, vector<16xi32>,
    %get3A_246 = vector.shape_cast %get3A_245 : vector<16xi32> to vector<16xi32>
    %slice3A_247 = vector.extract_strided_slice %get3A_246 {offsets = [0], sizes = [1], strides = [1]} : vector<16xi32> to vector<1xi32>
    %squeeze3A_248 = vector.extract %slice3A_247[0] : i32 from vector<1xi32>
    %dma_start3A_249 = arith.constant 0 : i32
    %dma_start3A_250 = arith.constant 0 : i32
    %dma_start3A_251 = tpu.memref_slice %arg8[%dma_start3A_249, %dma_start3A_250] : memref<16x512xf32, #tpu.memory_space<vmem>> -> memref<1x512xf32, #tpu.memory_space<vmem>>
    %dma_start3A_252 = tpu.memref_squeeze %dma_start3A_251 : memref<1x512xf32, #tpu.memory_space<vmem>> -> memref<512xf32, #tpu.memory_space<vmem>>
    %dma_start3A_253 = arith.constant 0 : i32
    %dma_start3A_254 = tpu.memref_slice %arg5[%squeeze3A_248, %dma_start3A_253] : memref<1000x512xf32, #tpu.memory_space<vmem_shared>> -> memref<1x512xf32, #tpu.memory_space<vmem_shared>>
    %dma_start3A_255 = tpu.memref_squeeze %dma_start3A_254 : memref<1x512xf32, #tpu.memory_space<vmem_shared>> -> memref<512xf32, #tpu.memory_space<vmem_shared>>
    %dma_start3A_256 = arith.constant 0 : i32
    %dma_start3A_257 = tpu.memref_slice %arg8[%dma_start3A_249, %dma_start3A_256] : memref<16x512xf32, #tpu.memory_space<vmem>> -> memref<1x512xf32, #tpu.memory_space<vmem>>
    %dma_start3A_258 = tpu.memref_squeeze %dma_start3A_257 : memref<1x512xf32, #tpu.memory_space<vmem>> -> memref<512xf32, #tpu.memory_space<vmem>>
    %dma_start3A_259 = arith.constant 0 : i32
    %dma_start3A_260 = tpu.memref_slice %arg5[%squeeze3A_248, %dma_start3A_259] : memref<1000x512xf32, #tpu.memory_space<vmem_shared>> -> memref<1x512xf32, #tpu.memory_space<vmem_shared>>
    %dma_start3A_261 = tpu.memref_squeeze %dma_start3A_260 : memref<1x512xf32, #tpu.memory_space<vmem_shared>> -> memref<512xf32, #tpu.memory_space<vmem_shared>>
    tpu.enqueue_dma source(%dma_start3A_261 : memref<512xf32, #tpu.memory_space<vmem_shared>>) target(%dma_start3A_258 : memref<512xf32, #tpu.memory_space<vmem>>) target_semaphore(%arg10 : memref<!tpu.dma_semaphore, #tpu.memory_space<semaphore_mem>>)
    %slice3A_262 = vector.extract_strided_slice %get3A_246 {offsets = [1], sizes = [1], strides = [1]} : vector<16xi32> to vector<1xi32>
    %squeeze3A_263 = vector.extract %slice3A_262[0] : i32 from vector<1xi32>
    %dma_start3A_264 = arith.constant 1 : i32
    %dma_start3A_265 = arith.constant 0 : i32
    %dma_start3A_266 = tpu.memref_slice %arg8[%dma_start3A_264, %dma_start3A_265] : memref<16x512xf32, #tpu.memory_space<vmem>> -> memref<1x512xf32, #tpu.memory_space<vmem>>
    %dma_start3A_267 = tpu.memref_squeeze %dma_start3A_266 : memref<1x512xf32, #tpu.memory_space<vmem>> -> memref<512xf32, #tpu.memory_space<vmem>>
    %dma_start3A_268 = arith.constant 0 : i32
    %dma_start3A_269 = tpu.memref_slice %arg5[%squeeze3A_263, %dma_start3A_268] : memref<1000x512xf32, #tpu.memory_space<vmem_shared>> -> memref<1x512xf32, #tpu.memory_space<vmem_shared>>
    %dma_start3A_270 = tpu.memref_squeeze %dma_start3A_269 : memref<1x512xf32, #tpu.memory_space<vmem_shared>> -> memref<512xf32, #tpu.memory_space<vmem_shared>>
    %dma_start3A_271 = arith.constant 0 : i32
    %dma_start3A_272 = tpu.memref_slice %arg8[%dma_start3A_264, %dma_start3A_271] : memref<16x512xf32, #tpu.memory_space<vmem>> -> memref<1x512xf32, #tpu.memory_space<vmem>>
    %dma_start3A_273 = tpu.memref_squeeze %dma_start3A_272 : memref<1x512xf32, #tpu.memory_space<vmem>> -> memref<512xf32, #tpu.memory_space<vmem>>
    %dma_start3A_274 = arith.constant 0 : i32
    %dma_start3A_275 = tpu.memref_slice %arg5[%squeeze3A_263, %dma_start3A_274] : memref<1000x512xf32, #tpu.memory_space<vmem_shared>> -> memref<1x512xf32, #tpu.memory_space<vmem_shared>>
    %dma_start3A_276 = tpu.memref_squeeze %dma_start3A_275 : memref<1x512xf32, #tpu.memory_space<vmem_shared>> -> memref<512xf32, #tpu.memory_space<vmem_shared>>
    tpu.enqueue_dma source(%dma_start3A_276 : memref<512xf32, #tpu.memory_space<vmem_shared>>) target(%dma_start3A_273 : memref<512xf32, #tpu.memory_space<vmem>>) target_semaphore(%arg10 : memref<!tpu.dma_semaphore, #tpu.memory_space<semaphore_mem>>)
    %slice3A_277 = vector.extract_strided_slice %get3A_246 {offsets = [2], sizes = [1], strides = [1]} : vector<16xi32> to vector<1xi32>
    %squeeze3A_278 = vector.extract %slice3A_277[0] : i32 from vector<1xi32>
    %dma_start3A_279 = arith.constant 2 : i32
    %dma_start3A_280 = arith.constant 0 : i32
    %dma_start3A_281 = tpu.memref_slice %arg8[%dma_start3A_279, %dma_start3A_280] : memref<16x512xf32, #tpu.memory_space<vmem>> -> memref<1x512xf32, #tpu.memory_space<vmem>>
    %dma_start3A_282 = tpu.memref_squeeze %dma_start3A_281 : memref<1x512xf32, #tpu.memory_space<vmem>> -> memref<512xf32, #tpu.memory_space<vmem>>
    %dma_start3A_283 = arith.constant 0 : i32
    %dma_start3A_284 = tpu.memref_slice %arg5[%squeeze3A_278, %dma_start3A_283] : memref<1000x512xf32, #tpu.memory_space<vmem_shared>> -> memref<1x512xf32, #tpu.memory_space<vmem_shared>>
    %dma_start3A_285 = tpu.memref_squeeze %dma_start3A_284 : memref<1x512xf32, #tpu.memory_space<vmem_shared>> -> memref<512xf32, #tpu.memory_space<vmem_shared>>
    %dma_start3A_286 = arith.constant 0 : i32
    %dma_start3A_287 = tpu.memref_slice %arg8[%dma_start3A_279, %dma_start3A_286] : memref<16x512xf32, #tpu.memory_space<vmem>> -> memref<1x512xf32, #tpu.memory_space<vmem>>
    %dma_start3A_288 = tpu.memref_squeeze %dma_start3A_287 : memref<1x512xf32, #tpu.memory_space<vmem>> -> memref<512xf32, #tpu.memory_space<vmem>>
    %dma_start3A_289 = arith.constant 0 : i32
    %dma_start3A_290 = tpu.memref_slice %arg5[%squeeze3A_278, %dma_start3A_289] : memref<1000x512xf32, #tpu.memory_space<vmem_shared>> -> memref<1x512xf32, #tpu.memory_space<vmem_shared>>
    %dma_start3A_291 = tpu.memref_squeeze %dma_start3A_290 : memref<1x512xf32, #tpu.memory_space<vmem_shared>> -> memref<512xf32, #tpu.memory_space<vmem_shared>>
    tpu.enqueue_dma source(%dma_start3A_291 : memref<512xf32, #tpu.memory_space<vmem_shared>>) target(%dma_start3A_288 : memref<512xf32, #tpu.memory_space<vmem>>) target_semaphore(%arg10 : memref<!tpu.dma_semaphore, #tpu.memory_space<semaphore_mem>>)
    %slice3A_292 = vector.extract_strided_slice %get3A_246 {offsets = [3], sizes = [1], strides = [1]} : vector<16xi32> to vector<1xi32>
    %squeeze3A_293 = vector.extract %slice3A_292[0] : i32 from vector<1xi32>
    %dma_start3A_294 = arith.constant 3 : i32
    %dma_start3A_295 = arith.constant 0 : i32
    %dma_start3A_296 = tpu.memref_slice %arg8[%dma_start3A_294, %dma_start3A_295] : memref<16x512xf32, #tpu.memory_space<vmem>> -> memref<1x512xf32, #tpu.memory_space<vmem>>
    %dma_start3A_297 = tpu.memref_squeeze %dma_start3A_296 : memref<1x512xf32, #tpu.memory_space<vmem>> -> memref<512xf32, #tpu.memory_space<vmem>>
    %dma_start3A_298 = arith.constant 0 : i32
    %dma_start3A_299 = tpu.memref_slice %arg5[%squeeze3A_293, %dma_start3A_298] : memref<1000x512xf32, #tpu.memory_space<vmem_shared>> -> memref<1x512xf32, #tpu.memory_space<vmem_shared>>
    %dma_start3A_300 = tpu.memref_squeeze %dma_start3A_299 : memref<1x512xf32, #tpu.memory_space<vmem_shared>> -> memref<512xf32, #tpu.memory_space<vmem_shared>>
    %dma_start3A_301 = arith.constant 0 : i32
    %dma_start3A_302 = tpu.memref_slice %arg8[%dma_start3A_294, %dma_start3A_301] : memref<16x512xf32, #tpu.memory_space<vmem>> -> memref<1x512xf32, #tpu.memory_space<vmem>>
    %dma_start3A_303 = tpu.memref_squeeze %dma_start3A_302 : memref<1x512xf32, #tpu.memory_space<vmem>> -> memref<512xf32, #tpu.memory_space<vmem>>
    %dma_start3A_304 = arith.constant 0 : i32
    %dma_start3A_305 = tpu.memref_slice %arg5[%squeeze3A_293, %dma_start3A_304] : memref<1000x512xf32, #tpu.memory_space<vmem_shared>> -> memref<1x512xf32, #tpu.memory_space<vmem_shared>>
    %dma_start3A_306 = tpu.memref_squeeze %dma_start3A_305 : memref<1x512xf32, #tpu.memory_space<vmem_shared>> -> memref<512xf32, #tpu.memory_space<vmem_shared>>
    tpu.enqueue_dma source(%dma_start3A_306 : memref<512xf32, #tpu.memory_space<vmem_shared>>) target(%dma_start3A_303 : memref<512xf32, #tpu.memory_space<vmem>>) target_semaphore(%arg10 : memref<!tpu.dma_semaphore, #tpu.memory_space<semaphore_mem>>)
    %slice3A_307 = vector.extract_strided_slice %get3A_246 {offsets = [4], sizes = [1], strides = [1]} : vector<16xi32> to vector<1xi32>
    %squeeze3A_308 = vector.extract %slice3A_307[0] : i32 from vector<1xi32>
    %dma_start3A_309 = arith.constant 4 : i32
    %dma_start3A_310 = arith.constant 0 : i32
    %dma_start3A_311 = tpu.memref_slice %arg8[%dma_start3A_309, %dma_start3A_310] : memref<16x512xf32, #tpu.memory_space<vmem>> -> memref<1x512xf32, #tpu.memory_space<vmem>>
    %dma_start3A_312 = tpu.memref_squeeze %dma_start3A_311 : memref<1x512xf32, #tpu.memory_space<vmem>> -> memref<512xf32, #tpu.memory_space<vmem>>
    %dma_start3A_313 = arith.constant 0 : i32
    %dma_start3A_314 = tpu.memref_slice %arg5[%squeeze3A_308, %dma_start3A_313] : memref<1000x512xf32, #tpu.memory_space<vmem_shared>> -> memref<1x512xf32, #tpu.memory_space<vmem_shared>>
    %dma_start3A_315 = tpu.memref_squeeze %dma_start3A_314 : memref<1x512xf32, #tpu.memory_space<vmem_shared>> -> memref<512xf32, #tpu.memory_space<vmem_shared>>
    %dma_start3A_316 = arith.constant 0 : i32
    %dma_start3A_317 = tpu.memref_slice %arg8[%dma_start3A_309, %dma_start3A_316] : memref<16x512xf32, #tpu.memory_space<vmem>> -> memref<1x512xf32, #tpu.memory_space<vmem>>
    %dma_start3A_318 = tpu.memref_squeeze %dma_start3A_317 : memref<1x512xf32, #tpu.memory_space<vmem>> -> memref<512xf32, #tpu.memory_space<vmem>>
    %dma_start3A_319 = arith.constant 0 : i32
    %dma_start3A_320 = tpu.memref_slice %arg5[%squeeze3A_308, %dma_start3A_319] : memref<1000x512xf32, #tpu.memory_space<vmem_shared>> -> memref<1x512xf32, #tpu.memory_space<vmem_shared>>
    %dma_start3A_321 = tpu.memref_squeeze %dma_start3A_320 : memref<1x512xf32, #tpu.memory_space<vmem_shared>> -> memref<512xf32, #tpu.memory_space<vmem_shared>>
    tpu.enqueue_dma source(%dma_start3A_321 : memref<512xf32, #tpu.memory_space<vmem_shared>>) target(%dma_start3A_318 : memref<512xf32, #tpu.memory_space<vmem>>) target_semaphore(%arg10 : memref<!tpu.dma_semaphore, #tpu.memory_space<semaphore_mem>>)
    %slice3A_322 = vector.extract_strided_slice %get3A_246 {offsets = [5], sizes = [1], strides = [1]} : vector<16xi32> to vector<1xi32>
    %squeeze3A_323 = vector.extract %slice3A_322[0] : i32 from vector<1xi32>
    %dma_start3A_324 = arith.constant 5 : i32
    %dma_start3A_325 = arith.constant 0 : i32
    %dma_start3A_326 = tpu.memref_slice %arg8[%dma_start3A_324, %dma_start3A_325] : memref<16x512xf32, #tpu.memory_space<vmem>> -> memref<1x512xf32, #tpu.memory_space<vmem>>
    %dma_start3A_327 = tpu.memref_squeeze %dma_start3A_326 : memref<1x512xf32, #tpu.memory_space<vmem>> -> memref<512xf32, #tpu.memory_space<vmem>>
    %dma_start3A_328 = arith.constant 0 : i32
    %dma_start3A_329 = tpu.memref_slice %arg5[%squeeze3A_323, %dma_start3A_328] : memref<1000x512xf32, #tpu.memory_space<vmem_shared>> -> memref<1x512xf32, #tpu.memory_space<vmem_shared>>
    %dma_start3A_330 = tpu.memref_squeeze %dma_start3A_329 : memref<1x512xf32, #tpu.memory_space<vmem_shared>> -> memref<512xf32, #tpu.memory_space<vmem_shared>>
    %dma_start3A_331 = arith.constant 0 : i32
    %dma_start3A_332 = tpu.memref_slice %arg8[%dma_start3A_324, %dma_start3A_331] : memref<16x512xf32, #tpu.memory_space<vmem>> -> memref<1x512xf32, #tpu.memory_space<vmem>>
    %dma_start3A_333 = tpu.memref_squeeze %dma_start3A_332 : memref<1x512xf32, #tpu.memory_space<vmem>> -> memref<512xf32, #tpu.memory_space<vmem>>
    %dma_start3A_334 = arith.constant 0 : i32
    %dma_start3A_335 = tpu.memref_slice %arg5[%squeeze3A_323, %dma_start3A_334] : memref<1000x512xf32, #tpu.memory_space<vmem_shared>> -> memref<1x512xf32, #tpu.memory_space<vmem_shared>>
    %dma_start3A_336 = tpu.memref_squeeze %dma_start3A_335 : memref<1x512xf32, #tpu.memory_space<vmem_shared>> -> memref<512xf32, #tpu.memory_space<vmem_shared>>
    tpu.enqueue_dma source(%dma_start3A_336 : memref<512xf32, #tpu.memory_space<vmem_shared>>) target(%dma_start3A_333 : memref<512xf32, #tpu.memory_space<vmem>>) target_semaphore(%arg10 : memref<!tpu.dma_semaphore, #tpu.memory_space<semaphore_mem>>)
    %slice3A_337 = vector.extract_strided_slice %get3A_246 {offsets = [6], sizes = [1], strides = [1]} : vector<16xi32> to vector<1xi32>
    %squeeze3A_338 = vector.extract %slice3A_337[0] : i32 from vector<1xi32>
    %dma_start3A_339 = arith.constant 6 : i32
    %dma_start3A_340 = arith.constant 0 : i32
    %dma_start3A_341 = tpu.memref_slice %arg8[%dma_start3A_339, %dma_start3A_340] : memref<16x512xf32, #tpu.memory_space<vmem>> -> memref<1x512xf32, #tpu.memory_space<vmem>>
    %dma_start3A_342 = tpu.memref_squeeze %dma_start3A_341 : memref<1x512xf32, #tpu.memory_space<vmem>> -> memref<512xf32, #tpu.memory_space<vmem>>
    %dma_start3A_343 = arith.constant 0 : i32
    %dma_start3A_344 = tpu.memref_slice %arg5[%squeeze3A_338, %dma_start3A_343] : memref<1000x512xf32, #tpu.memory_space<vmem_shared>> -> memref<1x512xf32, #tpu.memory_space<vmem_shared>>
    %dma_start3A_345 = tpu.memref_squeeze %dma_start3A_344 : memref<1x512xf32, #tpu.memory_space<vmem_shared>> -> memref<512xf32, #tpu.memory_space<vmem_shared>>
    %dma_start3A_346 = arith.constant 0 : i32
    %dma_start3A_347 = tpu.memref_slice %arg8[%dma_start3A_339, %dma_start3A_346] : memref<16x512xf32, #tpu.memory_space<vmem>> -> memref<1x512xf32, #tpu.memory_space<vmem>>
    %dma_start3A_348 = tpu.memref_squeeze %dma_start3A_347 : memref<1x512xf32, #tpu.memory_space<vmem>> -> memref<512xf32, #tpu.memory_space<vmem>>
    %dma_start3A_349 = arith.constant 0 : i32
    %dma_start3A_350 = tpu.memref_slice %arg5[%squeeze3A_338, %dma_start3A_349] : memref<1000x512xf32, #tpu.memory_space<vmem_shared>> -> memref<1x512xf32, #tpu.memory_space<vmem_shared>>
    %dma_start3A_351 = tpu.memref_squeeze %dma_start3A_350 : memref<1x512xf32, #tpu.memory_space<vmem_shared>> -> memref<512xf32, #tpu.memory_space<vmem_shared>>
    tpu.enqueue_dma source(%dma_start3A_351 : memref<512xf32, #tpu.memory_space<vmem_shared>>) target(%dma_start3A_348 : memref<512xf32, #tpu.memory_space<vmem>>) target_semaphore(%arg10 : memref<!tpu.dma_semaphore, #tpu.memory_space<semaphore_mem>>)
    %slice3A_352 = vector.extract_strided_slice %get3A_246 {offsets = [7], sizes = [1], strides = [1]} : vector<16xi32> to vector<1xi32>
    %squeeze3A_353 = vector.extract %slice3A_352[0] : i32 from vector<1xi32>
    %dma_start3A_354 = arith.constant 7 : i32
    %dma_start3A_355 = arith.constant 0 : i32
    %dma_start3A_356 = tpu.memref_slice %arg8[%dma_start3A_354, %dma_start3A_355] : memref<16x512xf32, #tpu.memory_space<vmem>> -> memref<1x512xf32, #tpu.memory_space<vmem>>
    %dma_start3A_357 = tpu.memref_squeeze %dma_start3A_356 : memref<1x512xf32, #tpu.memory_space<vmem>> -> memref<512xf32, #tpu.memory_space<vmem>>
    %dma_start3A_358 = arith.constant 0 : i32
    %dma_start3A_359 = tpu.memref_slice %arg5[%squeeze3A_353, %dma_start3A_358] : memref<1000x512xf32, #tpu.memory_space<vmem_shared>> -> memref<1x512xf32, #tpu.memory_space<vmem_shared>>
    %dma_start3A_360 = tpu.memref_squeeze %dma_start3A_359 : memref<1x512xf32, #tpu.memory_space<vmem_shared>> -> memref<512xf32, #tpu.memory_space<vmem_shared>>
    %dma_start3A_361 = arith.constant 0 : i32
    %dma_start3A_362 = tpu.memref_slice %arg8[%dma_start3A_354, %dma_start3A_361] : memref<16x512xf32, #tpu.memory_space<vmem>> -> memref<1x512xf32, #tpu.memory_space<vmem>>
    %dma_start3A_363 = tpu.memref_squeeze %dma_start3A_362 : memref<1x512xf32, #tpu.memory_space<vmem>> -> memref<512xf32, #tpu.memory_space<vmem>>
    %dma_start3A_364 = arith.constant 0 : i32
    %dma_start3A_365 = tpu.memref_slice %arg5[%squeeze3A_353, %dma_start3A_364] : memref<1000x512xf32, #tpu.memory_space<vmem_shared>> -> memref<1x512xf32, #tpu.memory_space<vmem_shared>>
    %dma_start3A_366 = tpu.memref_squeeze %dma_start3A_365 : memref<1x512xf32, #tpu.memory_space<vmem_shared>> -> memref<512xf32, #tpu.memory_space<vmem_shared>>
    tpu.enqueue_dma source(%dma_start3A_366 : memref<512xf32, #tpu.memory_space<vmem_shared>>) target(%dma_start3A_363 : memref<512xf32, #tpu.memory_space<vmem>>) target_semaphore(%arg10 : memref<!tpu.dma_semaphore, #tpu.memory_space<semaphore_mem>>)
    %slice3A_367 = vector.extract_strided_slice %get3A_246 {offsets = [8], sizes = [1], strides = [1]} : vector<16xi32> to vector<1xi32>
    %squeeze3A_368 = vector.extract %slice3A_367[0] : i32 from vector<1xi32>
    %dma_start3A_369 = arith.constant 8 : i32
    %dma_start3A_370 = arith.constant 0 : i32
    %dma_start3A_371 = tpu.memref_slice %arg8[%dma_start3A_369, %dma_start3A_370] : memref<16x512xf32, #tpu.memory_space<vmem>> -> memref<1x512xf32, #tpu.memory_space<vmem>>
    %dma_start3A_372 = tpu.memref_squeeze %dma_start3A_371 : memref<1x512xf32, #tpu.memory_space<vmem>> -> memref<512xf32, #tpu.memory_space<vmem>>
    %dma_start3A_373 = arith.constant 0 : i32
    %dma_start3A_374 = tpu.memref_slice %arg5[%squeeze3A_368, %dma_start3A_373] : memref<1000x512xf32, #tpu.memory_space<vmem_shared>> -> memref<1x512xf32, #tpu.memory_space<vmem_shared>>
    %dma_start3A_375 = tpu.memref_squeeze %dma_start3A_374 : memref<1x512xf32, #tpu.memory_space<vmem_shared>> -> memref<512xf32, #tpu.memory_space<vmem_shared>>
    %dma_start3A_376 = arith.constant 0 : i32
    %dma_start3A_377 = tpu.memref_slice %arg8[%dma_start3A_369, %dma_start3A_376] : memref<16x512xf32, #tpu.memory_space<vmem>> -> memref<1x512xf32, #tpu.memory_space<vmem>>
    %dma_start3A_378 = tpu.memref_squeeze %dma_start3A_377 : memref<1x512xf32, #tpu.memory_space<vmem>> -> memref<512xf32, #tpu.memory_space<vmem>>
    %dma_start3A_379 = arith.constant 0 : i32
    %dma_start3A_380 = tpu.memref_slice %arg5[%squeeze3A_368, %dma_start3A_379] : memref<1000x512xf32, #tpu.memory_space<vmem_shared>> -> memref<1x512xf32, #tpu.memory_space<vmem_shared>>
    %dma_start3A_381 = tpu.memref_squeeze %dma_start3A_380 : memref<1x512xf32, #tpu.memory_space<vmem_shared>> -> memref<512xf32, #tpu.memory_space<vmem_shared>>
    tpu.enqueue_dma source(%dma_start3A_381 : memref<512xf32, #tpu.memory_space<vmem_shared>>) target(%dma_start3A_378 : memref<512xf32, #tpu.memory_space<vmem>>) target_semaphore(%arg10 : memref<!tpu.dma_semaphore, #tpu.memory_space<semaphore_mem>>)
    %slice3A_382 = vector.extract_strided_slice %get3A_246 {offsets = [9], sizes = [1], strides = [1]} : vector<16xi32> to vector<1xi32>
    %squeeze3A_383 = vector.extract %slice3A_382[0] : i32 from vector<1xi32>
    %dma_start3A_384 = arith.constant 9 : i32
    %dma_start3A_385 = arith.constant 0 : i32
    %dma_start3A_386 = tpu.memref_slice %arg8[%dma_start3A_384, %dma_start3A_385] : memref<16x512xf32, #tpu.memory_space<vmem>> -> memref<1x512xf32, #tpu.memory_space<vmem>>
    %dma_start3A_387 = tpu.memref_squeeze %dma_start3A_386 : memref<1x512xf32, #tpu.memory_space<vmem>> -> memref<512xf32, #tpu.memory_space<vmem>>
    %dma_start3A_388 = arith.constant 0 : i32
    %dma_start3A_389 = tpu.memref_slice %arg5[%squeeze3A_383, %dma_start3A_388] : memref<1000x512xf32, #tpu.memory_space<vmem_shared>> -> memref<1x512xf32, #tpu.memory_space<vmem_shared>>
    %dma_start3A_390 = tpu.memref_squeeze %dma_start3A_389 : memref<1x512xf32, #tpu.memory_space<vmem_shared>> -> memref<512xf32, #tpu.memory_space<vmem_shared>>
    %dma_start3A_391 = arith.constant 0 : i32
    %dma_start3A_392 = tpu.memref_slice %arg8[%dma_start3A_384, %dma_start3A_391] : memref<16x512xf32, #tpu.memory_space<vmem>> -> memref<1x512xf32, #tpu.memory_space<vmem>>
    %dma_start3A_393 = tpu.memref_squeeze %dma_start3A_392 : memref<1x512xf32, #tpu.memory_space<vmem>> -> memref<512xf32, #tpu.memory_space<vmem>>
    %dma_start3A_394 = arith.constant 0 : i32
    %dma_start3A_395 = tpu.memref_slice %arg5[%squeeze3A_383, %dma_start3A_394] : memref<1000x512xf32, #tpu.memory_space<vmem_shared>> -> memref<1x512xf32, #tpu.memory_space<vmem_shared>>
    %dma_start3A_396 = tpu.memref_squeeze %dma_start3A_395 : memref<1x512xf32, #tpu.memory_space<vmem_shared>> -> memref<512xf32, #tpu.memory_space<vmem_shared>>
    tpu.enqueue_dma source(%dma_start3A_396 : memref<512xf32, #tpu.memory_space<vmem_shared>>) target(%dma_start3A_393 : memref<512xf32, #tpu.memory_space<vmem>>) target_semaphore(%arg10 : memref<!tpu.dma_semaphore, #tpu.memory_space<semaphore_mem>>)
    %slice3A_397 = vector.extract_strided_slice %get3A_246 {offsets = [10], sizes = [1], strides = [1]} : vector<16xi32> to vector<1xi32>
    %squeeze3A_398 = vector.extract %slice3A_397[0] : i32 from vector<1xi32>
    %dma_start3A_399 = arith.constant 10 : i32
    %dma_start3A_400 = arith.constant 0 : i32
    %dma_start3A_401 = tpu.memref_slice %arg8[%dma_start3A_399, %dma_start3A_400] : memref<16x512xf32, #tpu.memory_space<vmem>> -> memref<1x512xf32, #tpu.memory_space<vmem>>
    %dma_start3A_402 = tpu.memref_squeeze %dma_start3A_401 : memref<1x512xf32, #tpu.memory_space<vmem>> -> memref<512xf32, #tpu.memory_space<vmem>>
    %dma_start3A_403 = arith.constant 0 : i32
    %dma_start3A_404 = tpu.memref_slice %arg5[%squeeze3A_398, %dma_start3A_403] : memref<1000x512xf32, #tpu.memory_space<vmem_shared>> -> memref<1x512xf32, #tpu.memory_space<vmem_shared>>
    %dma_start3A_405 = tpu.memref_squeeze %dma_start3A_404 : memref<1x512xf32, #tpu.memory_space<vmem_shared>> -> memref<512xf32, #tpu.memory_space<vmem_shared>>
    %dma_start3A_406 = arith.constant 0 : i32
    %dma_start3A_407 = tpu.memref_slice %arg8[%dma_start3A_399, %dma_start3A_406] : memref<16x512xf32, #tpu.memory_space<vmem>> -> memref<1x512xf32, #tpu.memory_space<vmem>>
    %dma_start3A_408 = tpu.memref_squeeze %dma_start3A_407 : memref<1x512xf32, #tpu.memory_space<vmem>> -> memref<512xf32, #tpu.memory_space<vmem>>
    %dma_start3A_409 = arith.constant 0 : i32
    %dma_start3A_410 = tpu.memref_slice %arg5[%squeeze3A_398, %dma_start3A_409] : memref<1000x512xf32, #tpu.memory_space<vmem_shared>> -> memref<1x512xf32, #tpu.memory_space<vmem_shared>>
    %dma_start3A_411 = tpu.memref_squeeze %dma_start3A_410 : memref<1x512xf32, #tpu.memory_space<vmem_shared>> -> memref<512xf32, #tpu.memory_space<vmem_shared>>
    tpu.enqueue_dma source(%dma_start3A_411 : memref<512xf32, #tpu.memory_space<vmem_shared>>) target(%dma_start3A_408 : memref<512xf32, #tpu.memory_space<vmem>>) target_semaphore(%arg10 : memref<!tpu.dma_semaphore, #tpu.memory_space<semaphore_mem>>)
    %slice3A_412 = vector.extract_strided_slice %get3A_246 {offsets = [11], sizes = [1], strides = [1]} : vector<16xi32> to vector<1xi32>
    %squeeze3A_413 = vector.extract %slice3A_412[0] : i32 from vector<1xi32>
    %dma_start3A_414 = arith.constant 11 : i32
    %dma_start3A_415 = arith.constant 0 : i32
    %dma_start3A_416 = tpu.memref_slice %arg8[%dma_start3A_414, %dma_start3A_415] : memref<16x512xf32, #tpu.memory_space<vmem>> -> memref<1x512xf32, #tpu.memory_space<vmem>>
    %dma_start3A_417 = tpu.memref_squeeze %dma_start3A_416 : memref<1x512xf32, #tpu.memory_space<vmem>> -> memref<512xf32, #tpu.memory_space<vmem>>
    %dma_start3A_418 = arith.constant 0 : i32
    %dma_start3A_419 = tpu.memref_slice %arg5[%squeeze3A_413, %dma_start3A_418] : memref<1000x512xf32, #tpu.memory_space<vmem_shared>> -> memref<1x512xf32, #tpu.memory_space<vmem_shared>>
    %dma_start3A_420 = tpu.memref_squeeze %dma_start3A_419 : memref<1x512xf32, #tpu.memory_space<vmem_shared>> -> memref<512xf32, #tpu.memory_space<vmem_shared>>
    %dma_start3A_421 = arith.constant 0 : i32
    %dma_start3A_422 = tpu.memref_slice %arg8[%dma_start3A_414, %dma_start3A_421] : memref<16x512xf32, #tpu.memory_space<vmem>> -> memref<1x512xf32, #tpu.memory_space<vmem>>
    %dma_start3A_423 = tpu.memref_squeeze %dma_start3A_422 : memref<1x512xf32, #tpu.memory_space<vmem>> -> memref<512xf32, #tpu.memory_space<vmem>>
    %dma_start3A_424 = arith.constant 0 : i32
    %dma_start3A_425 = tpu.memref_slice %arg5[%squeeze3A_413, %dma_start3A_424] : memref<1000x512xf32, #tpu.memory_space<vmem_shared>> -> memref<1x512xf32, #tpu.memory_space<vmem_shared>>
    %dma_start3A_426 = tpu.memref_squeeze %dma_start3A_425 : memref<1x512xf32, #tpu.memory_space<vmem_shared>> -> memref<512xf32, #tpu.memory_space<vmem_shared>>
    tpu.enqueue_dma source(%dma_start3A_426 : memref<512xf32, #tpu.memory_space<vmem_shared>>) target(%dma_start3A_423 : memref<512xf32, #tpu.memory_space<vmem>>) target_semaphore(%arg10 : memref<!tpu.dma_semaphore, #tpu.memory_space<semaphore_mem>>)
    %slice3A_427 = vector.extract_strided_slice %get3A_246 {offsets = [12], sizes = [1], strides = [1]} : vector<16xi32> to vector<1xi32>
    %squeeze3A_428 = vector.extract %slice3A_427[0] : i32 from vector<1xi32>
    %dma_start3A_429 = arith.constant 12 : i32
    %dma_start3A_430 = arith.constant 0 : i32
    %dma_start3A_431 = tpu.memref_slice %arg8[%dma_start3A_429, %dma_start3A_430] : memref<16x512xf32, #tpu.memory_space<vmem>> -> memref<1x512xf32, #tpu.memory_space<vmem>>
    %dma_start3A_432 = tpu.memref_squeeze %dma_start3A_431 : memref<1x512xf32, #tpu.memory_space<vmem>> -> memref<512xf32, #tpu.memory_space<vmem>>
    %dma_start3A_433 = arith.constant 0 : i32
    %dma_start3A_434 = tpu.memref_slice %arg5[%squeeze3A_428, %dma_start3A_433] : memref<1000x512xf32, #tpu.memory_space<vmem_shared>> -> memref<1x512xf32, #tpu.memory_space<vmem_shared>>
    %dma_start3A_435 = tpu.memref_squeeze %dma_start3A_434 : memref<1x512xf32, #tpu.memory_space<vmem_shared>> -> memref<512xf32, #tpu.memory_space<vmem_shared>>
    %dma_start3A_436 = arith.constant 0 : i32
    %dma_start3A_437 = tpu.memref_slice %arg8[%dma_start3A_429, %dma_start3A_436] : memref<16x512xf32, #tpu.memory_space<vmem>> -> memref<1x512xf32, #tpu.memory_space<vmem>>
    %dma_start3A_438 = tpu.memref_squeeze %dma_start3A_437 : memref<1x512xf32, #tpu.memory_space<vmem>> -> memref<512xf32, #tpu.memory_space<vmem>>
    %dma_start3A_439 = arith.constant 0 : i32
    %dma_start3A_440 = tpu.memref_slice %arg5[%squeeze3A_428, %dma_start3A_439] : memref<1000x512xf32, #tpu.memory_space<vmem_shared>> -> memref<1x512xf32, #tpu.memory_space<vmem_shared>>
    %dma_start3A_441 = tpu.memref_squeeze %dma_start3A_440 : memref<1x512xf32, #tpu.memory_space<vmem_shared>> -> memref<512xf32, #tpu.memory_space<vmem_shared>>
    tpu.enqueue_dma source(%dma_start3A_441 : memref<512xf32, #tpu.memory_space<vmem_shared>>) target(%dma_start3A_438 : memref<512xf32, #tpu.memory_space<vmem>>) target_semaphore(%arg10 : memref<!tpu.dma_semaphore, #tpu.memory_space<semaphore_mem>>)
    %slice3A_442 = vector.extract_strided_slice %get3A_246 {offsets = [13], sizes = [1], strides = [1]} : vector<16xi32> to vector<1xi32>
    %squeeze3A_443 = vector.extract %slice3A_442[0] : i32 from vector<1xi32>
    %dma_start3A_444 = arith.constant 13 : i32
    %dma_start3A_445 = arith.constant 0 : i32
    %dma_start3A_446 = tpu.memref_slice %arg8[%dma_start3A_444, %dma_start3A_445] : memref<16x512xf32, #tpu.memory_space<vmem>> -> memref<1x512xf32, #tpu.memory_space<vmem>>
    %dma_start3A_447 = tpu.memref_squeeze %dma_start3A_446 : memref<1x512xf32, #tpu.memory_space<vmem>> -> memref<512xf32, #tpu.memory_space<vmem>>
    %dma_start3A_448 = arith.constant 0 : i32
    %dma_start3A_449 = tpu.memref_slice %arg5[%squeeze3A_443, %dma_start3A_448] : memref<1000x512xf32, #tpu.memory_space<vmem_shared>> -> memref<1x512xf32, #tpu.memory_space<vmem_shared>>
    %dma_start3A_450 = tpu.memref_squeeze %dma_start3A_449 : memref<1x512xf32, #tpu.memory_space<vmem_shared>> -> memref<512xf32, #tpu.memory_space<vmem_shared>>
    %dma_start3A_451 = arith.constant 0 : i32
    %dma_start3A_452 = tpu.memref_slice %arg8[%dma_start3A_444, %dma_start3A_451] : memref<16x512xf32, #tpu.memory_space<vmem>> -> memref<1x512xf32, #tpu.memory_space<vmem>>
    %dma_start3A_453 = tpu.memref_squeeze %dma_start3A_452 : memref<1x512xf32, #tpu.memory_space<vmem>> -> memref<512xf32, #tpu.memory_space<vmem>>
    %dma_start3A_454 = arith.constant 0 : i32
    %dma_start3A_455 = tpu.memref_slice %arg5[%squeeze3A_443, %dma_start3A_454] : memref<1000x512xf32, #tpu.memory_space<vmem_shared>> -> memref<1x512xf32, #tpu.memory_space<vmem_shared>>
    %dma_start3A_456 = tpu.memref_squeeze %dma_start3A_455 : memref<1x512xf32, #tpu.memory_space<vmem_shared>> -> memref<512xf32, #tpu.memory_space<vmem_shared>>
    tpu.enqueue_dma source(%dma_start3A_456 : memref<512xf32, #tpu.memory_space<vmem_shared>>) target(%dma_start3A_453 : memref<512xf32, #tpu.memory_space<vmem>>) target_semaphore(%arg10 : memref<!tpu.dma_semaphore, #tpu.memory_space<semaphore_mem>>)
    %slice3A_457 = vector.extract_strided_slice %get3A_246 {offsets = [14], sizes = [1], strides = [1]} : vector<16xi32> to vector<1xi32>
    %squeeze3A_458 = vector.extract %slice3A_457[0] : i32 from vector<1xi32>
    %dma_start3A_459 = arith.constant 14 : i32
    %dma_start3A_460 = arith.constant 0 : i32
    %dma_start3A_461 = tpu.memref_slice %arg8[%dma_start3A_459, %dma_start3A_460] : memref<16x512xf32, #tpu.memory_space<vmem>> -> memref<1x512xf32, #tpu.memory_space<vmem>>
    %dma_start3A_462 = tpu.memref_squeeze %dma_start3A_461 : memref<1x512xf32, #tpu.memory_space<vmem>> -> memref<512xf32, #tpu.memory_space<vmem>>
    %dma_start3A_463 = arith.constant 0 : i32
    %dma_start3A_464 = tpu.memref_slice %arg5[%squeeze3A_458, %dma_start3A_463] : memref<1000x512xf32, #tpu.memory_space<vmem_shared>> -> memref<1x512xf32, #tpu.memory_space<vmem_shared>>
    %dma_start3A_465 = tpu.memref_squeeze %dma_start3A_464 : memref<1x512xf32, #tpu.memory_space<vmem_shared>> -> memref<512xf32, #tpu.memory_space<vmem_shared>>
    %dma_start3A_466 = arith.constant 0 : i32
    %dma_start3A_467 = tpu.memref_slice %arg8[%dma_start3A_459, %dma_start3A_466] : memref<16x512xf32, #tpu.memory_space<vmem>> -> memref<1x512xf32, #tpu.memory_space<vmem>>
    %dma_start3A_468 = tpu.memref_squeeze %dma_start3A_467 : memref<1x512xf32, #tpu.memory_space<vmem>> -> memref<512xf32, #tpu.memory_space<vmem>>
    %dma_start3A_469 = arith.constant 0 : i32
    %dma_start3A_470 = tpu.memref_slice %arg5[%squeeze3A_458, %dma_start3A_469] : memref<1000x512xf32, #tpu.memory_space<vmem_shared>> -> memref<1x512xf32, #tpu.memory_space<vmem_shared>>
    %dma_start3A_471 = tpu.memref_squeeze %dma_start3A_470 : memref<1x512xf32, #tpu.memory_space<vmem_shared>> -> memref<512xf32, #tpu.memory_space<vmem_shared>>
    tpu.enqueue_dma source(%dma_start3A_471 : memref<512xf32, #tpu.memory_space<vmem_shared>>) target(%dma_start3A_468 : memref<512xf32, #tpu.memory_space<vmem>>) target_semaphore(%arg10 : memref<!tpu.dma_semaphore, #tpu.memory_space<semaphore_mem>>)
    %slice3A_472 = vector.extract_strided_slice %get3A_246 {offsets = [15], sizes = [1], strides = [1]} : vector<16xi32> to vector<1xi32>
    %squeeze3A_473 = vector.extract %slice3A_472[0] : i32 from vector<1xi32>
    %dma_start3A_474 = arith.constant 15 : i32
    %dma_start3A_475 = arith.constant 0 : i32
    %dma_start3A_476 = tpu.memref_slice %arg8[%dma_start3A_474, %dma_start3A_475] : memref<16x512xf32, #tpu.memory_space<vmem>> -> memref<1x512xf32, #tpu.memory_space<vmem>>
    %dma_start3A_477 = tpu.memref_squeeze %dma_start3A_476 : memref<1x512xf32, #tpu.memory_space<vmem>> -> memref<512xf32, #tpu.memory_space<vmem>>
    %dma_start3A_478 = arith.constant 0 : i32
    %dma_start3A_479 = tpu.memref_slice %arg5[%squeeze3A_473, %dma_start3A_478] : memref<1000x512xf32, #tpu.memory_space<vmem_shared>> -> memref<1x512xf32, #tpu.memory_space<vmem_shared>>
    %dma_start3A_480 = tpu.memref_squeeze %dma_start3A_479 : memref<1x512xf32, #tpu.memory_space<vmem_shared>> -> memref<512xf32, #tpu.memory_space<vmem_shared>>
    %dma_start3A_481 = arith.constant 0 : i32
    %dma_start3A_482 = tpu.memref_slice %arg8[%dma_start3A_474, %dma_start3A_481] : memref<16x512xf32, #tpu.memory_space<vmem>> -> memref<1x512xf32, #tpu.memory_space<vmem>>
    %dma_start3A_483 = tpu.memref_squeeze %dma_start3A_482 : memref<1x512xf32, #tpu.memory_space<vmem>> -> memref<512xf32, #tpu.memory_space<vmem>>
    %dma_start3A_484 = arith.constant 0 : i32
    %dma_start3A_485 = tpu.memref_slice %arg5[%squeeze3A_473, %dma_start3A_484] : memref<1000x512xf32, #tpu.memory_space<vmem_shared>> -> memref<1x512xf32, #tpu.memory_space<vmem_shared>>
    %dma_start3A_486 = tpu.memref_squeeze %dma_start3A_485 : memref<1x512xf32, #tpu.memory_space<vmem_shared>> -> memref<512xf32, #tpu.memory_space<vmem_shared>>
    tpu.enqueue_dma source(%dma_start3A_486 : memref<512xf32, #tpu.memory_space<vmem_shared>>) target(%dma_start3A_483 : memref<512xf32, #tpu.memory_space<vmem>>) target_semaphore(%arg10 : memref<!tpu.dma_semaphore, #tpu.memory_space<semaphore_mem>>)
    %scan3A = arith.constant 0 : i32
    %scan3A_487 = arith.constant 0 : i32
    %scan3A_488 = arith.constant 320 : i32
    %scan3A_489 = arith.addi %scan3A_487, %scan3A_488 : i32
    %scan3A_490 = arith.constant 1 : i32
    scf.for %scan3A_503 = %scan3A_487 to %scan3A_489 step %scan3A_490  : i32 {
      %mul3A_504 = arith.constant 2 : i32
      %mul3A_505 = arith.muli %mul3A_504, %scan3A_503 : i32
      %dma_wait3A_506 = arith.constant 0 : i32
      %dma_wait3A_507 = arith.constant 0 : i32
      %dma_wait3A_508 = tpu.memref_slice %arg4[%dma_wait3A_506, %dma_wait3A_507] : memref<327680x512xf32, #tpu.memory_space<hbm>> -> memref<16x512xf32, #tpu.memory_space<hbm>>
      %dma_wait3A_509 = arith.constant 0 : i32
      %dma_wait3A_510 = arith.constant 0 : i32
      %dma_wait3A_511 = tpu.memref_slice %arg4[%dma_wait3A_509, %dma_wait3A_510] : memref<327680x512xf32, #tpu.memory_space<hbm>> -> memref<16x512xf32, #tpu.memory_space<hbm>>
      tpu.wait_dma2 semaphore(%arg9 : memref<!tpu.dma_semaphore, #tpu.memory_space<semaphore_mem>>) src(%dma_wait3A_511 : memref<16x512xf32, #tpu.memory_space<hbm>>) dst(%arg7 : memref<16x512xf32, #tpu.memory_space<vmem>>)
      %mul3A_512 = arith.constant 16 : i32
      %mul3A_513 = arith.muli %mul3A_505, %mul3A_512 : i32
      %add3A_514 = arith.addi %mul3A_2, %mul3A_513 : i32
      %dma_start3A_515 = arith.constant 0 : i32
      %dma_start3A_516 = tpu.memref_slice %arg4[%add3A_514, %dma_start3A_515] : memref<327680x512xf32, #tpu.memory_space<hbm>> -> memref<16x512xf32, #tpu.memory_space<hbm>>
      %dma_start3A_517 = arith.constant 0 : i32
      %dma_start3A_518 = tpu.memref_slice %arg4[%add3A_514, %dma_start3A_517] : memref<327680x512xf32, #tpu.memory_space<hbm>> -> memref<16x512xf32, #tpu.memory_space<hbm>>
      tpu.enqueue_dma source(%arg7 : memref<16x512xf32, #tpu.memory_space<vmem>>) target(%dma_start3A_518 : memref<16x512xf32, #tpu.memory_space<hbm>>) target_semaphore(%arg11 : memref<!tpu.dma_semaphore, #tpu.memory_space<semaphore_mem>>)
      %dma_wait3A_519 = arith.constant 0 : i32
      %dma_wait3A_520 = arith.constant 0 : i32
      %dma_wait3A_521 = tpu.memref_slice %arg4[%dma_wait3A_519, %dma_wait3A_520] : memref<327680x512xf32, #tpu.memory_space<hbm>> -> memref<16x512xf32, #tpu.memory_space<hbm>>
      %dma_wait3A_522 = arith.constant 0 : i32
      %dma_wait3A_523 = arith.constant 0 : i32
      %dma_wait3A_524 = tpu.memref_slice %arg4[%dma_wait3A_522, %dma_wait3A_523] : memref<327680x512xf32, #tpu.memory_space<hbm>> -> memref<16x512xf32, #tpu.memory_space<hbm>>
      tpu.wait_dma2 semaphore(%arg10 : memref<!tpu.dma_semaphore, #tpu.memory_space<semaphore_mem>>) src(%dma_wait3A_524 : memref<16x512xf32, #tpu.memory_space<hbm>>) dst(%arg8 : memref<16x512xf32, #tpu.memory_space<vmem>>)
      %add3A_525 = arith.constant 1 : i32
      %add3A_526 = arith.addi %mul3A_505, %add3A_525 : i32
      %mul3A_527 = arith.constant 16 : i32
      %mul3A_528 = arith.muli %add3A_526, %mul3A_527 : i32
      %add3A_529 = arith.addi %mul3A_2, %mul3A_528 : i32
      %dma_start3A_530 = arith.constant 0 : i32
      %dma_start3A_531 = tpu.memref_slice %arg4[%add3A_529, %dma_start3A_530] : memref<327680x512xf32, #tpu.memory_space<hbm>> -> memref<16x512xf32, #tpu.memory_space<hbm>>
      %dma_start3A_532 = arith.constant 0 : i32
      %dma_start3A_533 = tpu.memref_slice %arg4[%add3A_529, %dma_start3A_532] : memref<327680x512xf32, #tpu.memory_space<hbm>> -> memref<16x512xf32, #tpu.memory_space<hbm>>
      tpu.enqueue_dma source(%arg8 : memref<16x512xf32, #tpu.memory_space<vmem>>) target(%dma_start3A_533 : memref<16x512xf32, #tpu.memory_space<hbm>>) target_semaphore(%arg12 : memref<!tpu.dma_semaphore, #tpu.memory_space<semaphore_mem>>)
      %lt3A = arith.constant 319 : i32
      %lt3A_534 = arith.cmpi slt, %scan3A_503, %lt3A : i32
      %convert_element_type3A_535 = arith.extui %lt3A_534 : i1 to i32
      %cond3A_536 = arith.constant 0 : i32
      %cond3A_537 = arith.cmpi ne, %convert_element_type3A_535, %cond3A_536 : i32
      scf.if %cond3A_537 {
        %dma_wait3A_538 = arith.constant 0 : i32
        %dma_wait3A_539 = arith.constant 0 : i32
        %dma_wait3A_540 = tpu.memref_slice %arg4[%dma_wait3A_538, %dma_wait3A_539] : memref<327680x512xf32, #tpu.memory_space<hbm>> -> memref<16x512xf32, #tpu.memory_space<hbm>>
        %dma_wait3A_541 = arith.constant 0 : i32
        %dma_wait3A_542 = arith.constant 0 : i32
        %dma_wait3A_543 = tpu.memref_slice %arg4[%dma_wait3A_541, %dma_wait3A_542] : memref<327680x512xf32, #tpu.memory_space<hbm>> -> memref<16x512xf32, #tpu.memory_space<hbm>>
        tpu.wait_dma2 semaphore(%arg11 : memref<!tpu.dma_semaphore, #tpu.memory_space<semaphore_mem>>) src(%arg7 : memref<16x512xf32, #tpu.memory_space<vmem>>) dst(%dma_wait3A_543 : memref<16x512xf32, #tpu.memory_space<hbm>>)
        %add3A_544 = arith.constant 2 : i32
        %add3A_545 = arith.addi %mul3A_505, %add3A_544 : i32
        %mul3A_546 = arith.constant 16 : i32
        %mul3A_547 = arith.muli %add3A_545, %mul3A_546 : i32
        %add3A_548 = arith.constant 0 : i32
        %add3A_549 = arith.addi %mul3A_547, %add3A_548 : i32
        %get3A_550 = arith.index_cast %add3A_549 : i32 to index
        %get3A_551 = tpu.vector_load %arg6[%get3A_550] {strides = array<i32>} : memref<10240xi32, #tpu.memory_space<vmem>>, vector<16xi32>,
        %get3A_552 = vector.shape_cast %get3A_551 : vector<16xi32> to vector<16xi32>
        %slice3A_553 = vector.extract_strided_slice %get3A_552 {offsets = [0], sizes = [1], strides = [1]} : vector<16xi32> to vector<1xi32>
        %squeeze3A_554 = vector.extract %slice3A_553[0] : i32 from vector<1xi32>
        %dma_start3A_555 = arith.constant 0 : i32
        %dma_start3A_556 = arith.constant 0 : i32
        %dma_start3A_557 = tpu.memref_slice %arg7[%dma_start3A_555, %dma_start3A_556] : memref<16x512xf32, #tpu.memory_space<vmem>> -> memref<1x512xf32, #tpu.memory_space<vmem>>
        %dma_start3A_558 = tpu.memref_squeeze %dma_start3A_557 : memref<1x512xf32, #tpu.memory_space<vmem>> -> memref<512xf32, #tpu.memory_space<vmem>>
        %dma_start3A_559 = arith.constant 0 : i32
        %dma_start3A_560 = tpu.memref_slice %arg5[%squeeze3A_554, %dma_start3A_559] : memref<1000x512xf32, #tpu.memory_space<vmem_shared>> -> memref<1x512xf32, #tpu.memory_space<vmem_shared>>
        %dma_start3A_561 = tpu.memref_squeeze %dma_start3A_560 : memref<1x512xf32, #tpu.memory_space<vmem_shared>> -> memref<512xf32, #tpu.memory_space<vmem_shared>>
        %dma_start3A_562 = arith.constant 0 : i32
        %dma_start3A_563 = tpu.memref_slice %arg7[%dma_start3A_555, %dma_start3A_562] : memref<16x512xf32, #tpu.memory_space<vmem>> -> memref<1x512xf32, #tpu.memory_space<vmem>>
        %dma_start3A_564 = tpu.memref_squeeze %dma_start3A_563 : memref<1x512xf32, #tpu.memory_space<vmem>> -> memref<512xf32, #tpu.memory_space<vmem>>
        %dma_start3A_565 = arith.constant 0 : i32
        %dma_start3A_566 = tpu.memref_slice %arg5[%squeeze3A_554, %dma_start3A_565] : memref<1000x512xf32, #tpu.memory_space<vmem_shared>> -> memref<1x512xf32, #tpu.memory_space<vmem_shared>>
        %dma_start3A_567 = tpu.memref_squeeze %dma_start3A_566 : memref<1x512xf32, #tpu.memory_space<vmem_shared>> -> memref<512xf32, #tpu.memory_space<vmem_shared>>
        tpu.enqueue_dma source(%dma_start3A_567 : memref<512xf32, #tpu.memory_space<vmem_shared>>) target(%dma_start3A_564 : memref<512xf32, #tpu.memory_space<vmem>>) target_semaphore(%arg9 : memref<!tpu.dma_semaphore, #tpu.memory_space<semaphore_mem>>)
        %slice3A_568 = vector.extract_strided_slice %get3A_552 {offsets = [1], sizes = [1], strides = [1]} : vector<16xi32> to vector<1xi32>
        %squeeze3A_569 = vector.extract %slice3A_568[0] : i32 from vector<1xi32>
        %dma_start3A_570 = arith.constant 1 : i32
        %dma_start3A_571 = arith.constant 0 : i32
        %dma_start3A_572 = tpu.memref_slice %arg7[%dma_start3A_570, %dma_start3A_571] : memref<16x512xf32, #tpu.memory_space<vmem>> -> memref<1x512xf32, #tpu.memory_space<vmem>>
        %dma_start3A_573 = tpu.memref_squeeze %dma_start3A_572 : memref<1x512xf32, #tpu.memory_space<vmem>> -> memref<512xf32, #tpu.memory_space<vmem>>
        %dma_start3A_574 = arith.constant 0 : i32
        %dma_start3A_575 = tpu.memref_slice %arg5[%squeeze3A_569, %dma_start3A_574] : memref<1000x512xf32, #tpu.memory_space<vmem_shared>> -> memref<1x512xf32, #tpu.memory_space<vmem_shared>>
        %dma_start3A_576 = tpu.memref_squeeze %dma_start3A_575 : memref<1x512xf32, #tpu.memory_space<vmem_shared>> -> memref<512xf32, #tpu.memory_space<vmem_shared>>
        %dma_start3A_577 = arith.constant 0 : i32
        %dma_start3A_578 = tpu.memref_slice %arg7[%dma_start3A_570, %dma_start3A_577] : memref<16x512xf32, #tpu.memory_space<vmem>> -> memref<1x512xf32, #tpu.memory_space<vmem>>
        %dma_start3A_579 = tpu.memref_squeeze %dma_start3A_578 : memref<1x512xf32, #tpu.memory_space<vmem>> -> memref<512xf32, #tpu.memory_space<vmem>>
        %dma_start3A_580 = arith.constant 0 : i32
        %dma_start3A_581 = tpu.memref_slice %arg5[%squeeze3A_569, %dma_start3A_580] : memref<1000x512xf32, #tpu.memory_space<vmem_shared>> -> memref<1x512xf32, #tpu.memory_space<vmem_shared>>
        %dma_start3A_582 = tpu.memref_squeeze %dma_start3A_581 : memref<1x512xf32, #tpu.memory_space<vmem_shared>> -> memref<512xf32, #tpu.memory_space<vmem_shared>>
        tpu.enqueue_dma source(%dma_start3A_582 : memref<512xf32, #tpu.memory_space<vmem_shared>>) target(%dma_start3A_579 : memref<512xf32, #tpu.memory_space<vmem>>) target_semaphore(%arg9 : memref<!tpu.dma_semaphore, #tpu.memory_space<semaphore_mem>>)
        %slice3A_583 = vector.extract_strided_slice %get3A_552 {offsets = [2], sizes = [1], strides = [1]} : vector<16xi32> to vector<1xi32>
        %squeeze3A_584 = vector.extract %slice3A_583[0] : i32 from vector<1xi32>
        %dma_start3A_585 = arith.constant 2 : i32
        %dma_start3A_586 = arith.constant 0 : i32
        %dma_start3A_587 = tpu.memref_slice %arg7[%dma_start3A_585, %dma_start3A_586] : memref<16x512xf32, #tpu.memory_space<vmem>> -> memref<1x512xf32, #tpu.memory_space<vmem>>
        %dma_start3A_588 = tpu.memref_squeeze %dma_start3A_587 : memref<1x512xf32, #tpu.memory_space<vmem>> -> memref<512xf32, #tpu.memory_space<vmem>>
        %dma_start3A_589 = arith.constant 0 : i32
        %dma_start3A_590 = tpu.memref_slice %arg5[%squeeze3A_584, %dma_start3A_589] : memref<1000x512xf32, #tpu.memory_space<vmem_shared>> -> memref<1x512xf32, #tpu.memory_space<vmem_shared>>
        %dma_start3A_591 = tpu.memref_squeeze %dma_start3A_590 : memref<1x512xf32, #tpu.memory_space<vmem_shared>> -> memref<512xf32, #tpu.memory_space<vmem_shared>>
        %dma_start3A_592 = arith.constant 0 : i32
        %dma_start3A_593 = tpu.memref_slice %arg7[%dma_start3A_585, %dma_start3A_592] : memref<16x512xf32, #tpu.memory_space<vmem>> -> memref<1x512xf32, #tpu.memory_space<vmem>>
        %dma_start3A_594 = tpu.memref_squeeze %dma_start3A_593 : memref<1x512xf32, #tpu.memory_space<vmem>> -> memref<512xf32, #tpu.memory_space<vmem>>
        %dma_start3A_595 = arith.constant 0 : i32
        %dma_start3A_596 = tpu.memref_slice %arg5[%squeeze3A_584, %dma_start3A_595] : memref<1000x512xf32, #tpu.memory_space<vmem_shared>> -> memref<1x512xf32, #tpu.memory_space<vmem_shared>>
        %dma_start3A_597 = tpu.memref_squeeze %dma_start3A_596 : memref<1x512xf32, #tpu.memory_space<vmem_shared>> -> memref<512xf32, #tpu.memory_space<vmem_shared>>
        tpu.enqueue_dma source(%dma_start3A_597 : memref<512xf32, #tpu.memory_space<vmem_shared>>) target(%dma_start3A_594 : memref<512xf32, #tpu.memory_space<vmem>>) target_semaphore(%arg9 : memref<!tpu.dma_semaphore, #tpu.memory_space<semaphore_mem>>)
        %slice3A_598 = vector.extract_strided_slice %get3A_552 {offsets = [3], sizes = [1], strides = [1]} : vector<16xi32> to vector<1xi32>
        %squeeze3A_599 = vector.extract %slice3A_598[0] : i32 from vector<1xi32>
        %dma_start3A_600 = arith.constant 3 : i32
        %dma_start3A_601 = arith.constant 0 : i32
        %dma_start3A_602 = tpu.memref_slice %arg7[%dma_start3A_600, %dma_start3A_601] : memref<16x512xf32, #tpu.memory_space<vmem>> -> memref<1x512xf32, #tpu.memory_space<vmem>>
        %dma_start3A_603 = tpu.memref_squeeze %dma_start3A_602 : memref<1x512xf32, #tpu.memory_space<vmem>> -> memref<512xf32, #tpu.memory_space<vmem>>
        %dma_start3A_604 = arith.constant 0 : i32
        %dma_start3A_605 = tpu.memref_slice %arg5[%squeeze3A_599, %dma_start3A_604] : memref<1000x512xf32, #tpu.memory_space<vmem_shared>> -> memref<1x512xf32, #tpu.memory_space<vmem_shared>>
        %dma_start3A_606 = tpu.memref_squeeze %dma_start3A_605 : memref<1x512xf32, #tpu.memory_space<vmem_shared>> -> memref<512xf32, #tpu.memory_space<vmem_shared>>
        %dma_start3A_607 = arith.constant 0 : i32
        %dma_start3A_608 = tpu.memref_slice %arg7[%dma_start3A_600, %dma_start3A_607] : memref<16x512xf32, #tpu.memory_space<vmem>> -> memref<1x512xf32, #tpu.memory_space<vmem>>
        %dma_start3A_609 = tpu.memref_squeeze %dma_start3A_608 : memref<1x512xf32, #tpu.memory_space<vmem>> -> memref<512xf32, #tpu.memory_space<vmem>>
        %dma_start3A_610 = arith.constant 0 : i32
        %dma_start3A_611 = tpu.memref_slice %arg5[%squeeze3A_599, %dma_start3A_610] : memref<1000x512xf32, #tpu.memory_space<vmem_shared>> -> memref<1x512xf32, #tpu.memory_space<vmem_shared>>
        %dma_start3A_612 = tpu.memref_squeeze %dma_start3A_611 : memref<1x512xf32, #tpu.memory_space<vmem_shared>> -> memref<512xf32, #tpu.memory_space<vmem_shared>>
        tpu.enqueue_dma source(%dma_start3A_612 : memref<512xf32, #tpu.memory_space<vmem_shared>>) target(%dma_start3A_609 : memref<512xf32, #tpu.memory_space<vmem>>) target_semaphore(%arg9 : memref<!tpu.dma_semaphore, #tpu.memory_space<semaphore_mem>>)
        %slice3A_613 = vector.extract_strided_slice %get3A_552 {offsets = [4], sizes = [1], strides = [1]} : vector<16xi32> to vector<1xi32>
        %squeeze3A_614 = vector.extract %slice3A_613[0] : i32 from vector<1xi32>
        %dma_start3A_615 = arith.constant 4 : i32
        %dma_start3A_616 = arith.constant 0 : i32
        %dma_start3A_617 = tpu.memref_slice %arg7[%dma_start3A_615, %dma_start3A_616] : memref<16x512xf32, #tpu.memory_space<vmem>> -> memref<1x512xf32, #tpu.memory_space<vmem>>
        %dma_start3A_618 = tpu.memref_squeeze %dma_start3A_617 : memref<1x512xf32, #tpu.memory_space<vmem>> -> memref<512xf32, #tpu.memory_space<vmem>>
        %dma_start3A_619 = arith.constant 0 : i32
        %dma_start3A_620 = tpu.memref_slice %arg5[%squeeze3A_614, %dma_start3A_619] : memref<1000x512xf32, #tpu.memory_space<vmem_shared>> -> memref<1x512xf32, #tpu.memory_space<vmem_shared>>
        %dma_start3A_621 = tpu.memref_squeeze %dma_start3A_620 : memref<1x512xf32, #tpu.memory_space<vmem_shared>> -> memref<512xf32, #tpu.memory_space<vmem_shared>>
        %dma_start3A_622 = arith.constant 0 : i32
        %dma_start3A_623 = tpu.memref_slice %arg7[%dma_start3A_615, %dma_start3A_622] : memref<16x512xf32, #tpu.memory_space<vmem>> -> memref<1x512xf32, #tpu.memory_space<vmem>>
        %dma_start3A_624 = tpu.memref_squeeze %dma_start3A_623 : memref<1x512xf32, #tpu.memory_space<vmem>> -> memref<512xf32, #tpu.memory_space<vmem>>
        %dma_start3A_625 = arith.constant 0 : i32
        %dma_start3A_626 = tpu.memref_slice %arg5[%squeeze3A_614, %dma_start3A_625] : memref<1000x512xf32, #tpu.memory_space<vmem_shared>> -> memref<1x512xf32, #tpu.memory_space<vmem_shared>>
        %dma_start3A_627 = tpu.memref_squeeze %dma_start3A_626 : memref<1x512xf32, #tpu.memory_space<vmem_shared>> -> memref<512xf32, #tpu.memory_space<vmem_shared>>
        tpu.enqueue_dma source(%dma_start3A_627 : memref<512xf32, #tpu.memory_space<vmem_shared>>) target(%dma_start3A_624 : memref<512xf32, #tpu.memory_space<vmem>>) target_semaphore(%arg9 : memref<!tpu.dma_semaphore, #tpu.memory_space<semaphore_mem>>)
        %slice3A_628 = vector.extract_strided_slice %get3A_552 {offsets = [5], sizes = [1], strides = [1]} : vector<16xi32> to vector<1xi32>
        %squeeze3A_629 = vector.extract %slice3A_628[0] : i32 from vector<1xi32>
        %dma_start3A_630 = arith.constant 5 : i32
        %dma_start3A_631 = arith.constant 0 : i32
        %dma_start3A_632 = tpu.memref_slice %arg7[%dma_start3A_630, %dma_start3A_631] : memref<16x512xf32, #tpu.memory_space<vmem>> -> memref<1x512xf32, #tpu.memory_space<vmem>>
        %dma_start3A_633 = tpu.memref_squeeze %dma_start3A_632 : memref<1x512xf32, #tpu.memory_space<vmem>> -> memref<512xf32, #tpu.memory_space<vmem>>
        %dma_start3A_634 = arith.constant 0 : i32
        %dma_start3A_635 = tpu.memref_slice %arg5[%squeeze3A_629, %dma_start3A_634] : memref<1000x512xf32, #tpu.memory_space<vmem_shared>> -> memref<1x512xf32, #tpu.memory_space<vmem_shared>>
        %dma_start3A_636 = tpu.memref_squeeze %dma_start3A_635 : memref<1x512xf32, #tpu.memory_space<vmem_shared>> -> memref<512xf32, #tpu.memory_space<vmem_shared>>
        %dma_start3A_637 = arith.constant 0 : i32
        %dma_start3A_638 = tpu.memref_slice %arg7[%dma_start3A_630, %dma_start3A_637] : memref<16x512xf32, #tpu.memory_space<vmem>> -> memref<1x512xf32, #tpu.memory_space<vmem>>
        %dma_start3A_639 = tpu.memref_squeeze %dma_start3A_638 : memref<1x512xf32, #tpu.memory_space<vmem>> -> memref<512xf32, #tpu.memory_space<vmem>>
        %dma_start3A_640 = arith.constant 0 : i32
        %dma_start3A_641 = tpu.memref_slice %arg5[%squeeze3A_629, %dma_start3A_640] : memref<1000x512xf32, #tpu.memory_space<vmem_shared>> -> memref<1x512xf32, #tpu.memory_space<vmem_shared>>
        %dma_start3A_642 = tpu.memref_squeeze %dma_start3A_641 : memref<1x512xf32, #tpu.memory_space<vmem_shared>> -> memref<512xf32, #tpu.memory_space<vmem_shared>>
        tpu.enqueue_dma source(%dma_start3A_642 : memref<512xf32, #tpu.memory_space<vmem_shared>>) target(%dma_start3A_639 : memref<512xf32, #tpu.memory_space<vmem>>) target_semaphore(%arg9 : memref<!tpu.dma_semaphore, #tpu.memory_space<semaphore_mem>>)
        %slice3A_643 = vector.extract_strided_slice %get3A_552 {offsets = [6], sizes = [1], strides = [1]} : vector<16xi32> to vector<1xi32>
        %squeeze3A_644 = vector.extract %slice3A_643[0] : i32 from vector<1xi32>
        %dma_start3A_645 = arith.constant 6 : i32
        %dma_start3A_646 = arith.constant 0 : i32
        %dma_start3A_647 = tpu.memref_slice %arg7[%dma_start3A_645, %dma_start3A_646] : memref<16x512xf32, #tpu.memory_space<vmem>> -> memref<1x512xf32, #tpu.memory_space<vmem>>
        %dma_start3A_648 = tpu.memref_squeeze %dma_start3A_647 : memref<1x512xf32, #tpu.memory_space<vmem>> -> memref<512xf32, #tpu.memory_space<vmem>>
        %dma_start3A_649 = arith.constant 0 : i32
        %dma_start3A_650 = tpu.memref_slice %arg5[%squeeze3A_644, %dma_start3A_649] : memref<1000x512xf32, #tpu.memory_space<vmem_shared>> -> memref<1x512xf32, #tpu.memory_space<vmem_shared>>
        %dma_start3A_651 = tpu.memref_squeeze %dma_start3A_650 : memref<1x512xf32, #tpu.memory_space<vmem_shared>> -> memref<512xf32, #tpu.memory_space<vmem_shared>>
        %dma_start3A_652 = arith.constant 0 : i32
        %dma_start3A_653 = tpu.memref_slice %arg7[%dma_start3A_645, %dma_start3A_652] : memref<16x512xf32, #tpu.memory_space<vmem>> -> memref<1x512xf32, #tpu.memory_space<vmem>>
        %dma_start3A_654 = tpu.memref_squeeze %dma_start3A_653 : memref<1x512xf32, #tpu.memory_space<vmem>> -> memref<512xf32, #tpu.memory_space<vmem>>
        %dma_start3A_655 = arith.constant 0 : i32
        %dma_start3A_656 = tpu.memref_slice %arg5[%squeeze3A_644, %dma_start3A_655] : memref<1000x512xf32, #tpu.memory_space<vmem_shared>> -> memref<1x512xf32, #tpu.memory_space<vmem_shared>>
        %dma_start3A_657 = tpu.memref_squeeze %dma_start3A_656 : memref<1x512xf32, #tpu.memory_space<vmem_shared>> -> memref<512xf32, #tpu.memory_space<vmem_shared>>
        tpu.enqueue_dma source(%dma_start3A_657 : memref<512xf32, #tpu.memory_space<vmem_shared>>) target(%dma_start3A_654 : memref<512xf32, #tpu.memory_space<vmem>>) target_semaphore(%arg9 : memref<!tpu.dma_semaphore, #tpu.memory_space<semaphore_mem>>)
        %slice3A_658 = vector.extract_strided_slice %get3A_552 {offsets = [7], sizes = [1], strides = [1]} : vector<16xi32> to vector<1xi32>
        %squeeze3A_659 = vector.extract %slice3A_658[0] : i32 from vector<1xi32>
        %dma_start3A_660 = arith.constant 7 : i32
        %dma_start3A_661 = arith.constant 0 : i32
        %dma_start3A_662 = tpu.memref_slice %arg7[%dma_start3A_660, %dma_start3A_661] : memref<16x512xf32, #tpu.memory_space<vmem>> -> memref<1x512xf32, #tpu.memory_space<vmem>>
        %dma_start3A_663 = tpu.memref_squeeze %dma_start3A_662 : memref<1x512xf32, #tpu.memory_space<vmem>> -> memref<512xf32, #tpu.memory_space<vmem>>
        %dma_start3A_664 = arith.constant 0 : i32
        %dma_start3A_665 = tpu.memref_slice %arg5[%squeeze3A_659, %dma_start3A_664] : memref<1000x512xf32, #tpu.memory_space<vmem_shared>> -> memref<1x512xf32, #tpu.memory_space<vmem_shared>>
        %dma_start3A_666 = tpu.memref_squeeze %dma_start3A_665 : memref<1x512xf32, #tpu.memory_space<vmem_shared>> -> memref<512xf32, #tpu.memory_space<vmem_shared>>
        %dma_start3A_667 = arith.constant 0 : i32
        %dma_start3A_668 = tpu.memref_slice %arg7[%dma_start3A_660, %dma_start3A_667] : memref<16x512xf32, #tpu.memory_space<vmem>> -> memref<1x512xf32, #tpu.memory_space<vmem>>
        %dma_start3A_669 = tpu.memref_squeeze %dma_start3A_668 : memref<1x512xf32, #tpu.memory_space<vmem>> -> memref<512xf32, #tpu.memory_space<vmem>>
        %dma_start3A_670 = arith.constant 0 : i32
        %dma_start3A_671 = tpu.memref_slice %arg5[%squeeze3A_659, %dma_start3A_670] : memref<1000x512xf32, #tpu.memory_space<vmem_shared>> -> memref<1x512xf32, #tpu.memory_space<vmem_shared>>
        %dma_start3A_672 = tpu.memref_squeeze %dma_start3A_671 : memref<1x512xf32, #tpu.memory_space<vmem_shared>> -> memref<512xf32, #tpu.memory_space<vmem_shared>>
        tpu.enqueue_dma source(%dma_start3A_672 : memref<512xf32, #tpu.memory_space<vmem_shared>>) target(%dma_start3A_669 : memref<512xf32, #tpu.memory_space<vmem>>) target_semaphore(%arg9 : memref<!tpu.dma_semaphore, #tpu.memory_space<semaphore_mem>>)
        %slice3A_673 = vector.extract_strided_slice %get3A_552 {offsets = [8], sizes = [1], strides = [1]} : vector<16xi32> to vector<1xi32>
        %squeeze3A_674 = vector.extract %slice3A_673[0] : i32 from vector<1xi32>
        %dma_start3A_675 = arith.constant 8 : i32
        %dma_start3A_676 = arith.constant 0 : i32
        %dma_start3A_677 = tpu.memref_slice %arg7[%dma_start3A_675, %dma_start3A_676] : memref<16x512xf32, #tpu.memory_space<vmem>> -> memref<1x512xf32, #tpu.memory_space<vmem>>
        %dma_start3A_678 = tpu.memref_squeeze %dma_start3A_677 : memref<1x512xf32, #tpu.memory_space<vmem>> -> memref<512xf32, #tpu.memory_space<vmem>>
        %dma_start3A_679 = arith.constant 0 : i32
        %dma_start3A_680 = tpu.memref_slice %arg5[%squeeze3A_674, %dma_start3A_679] : memref<1000x512xf32, #tpu.memory_space<vmem_shared>> -> memref<1x512xf32, #tpu.memory_space<vmem_shared>>
        %dma_start3A_681 = tpu.memref_squeeze %dma_start3A_680 : memref<1x512xf32, #tpu.memory_space<vmem_shared>> -> memref<512xf32, #tpu.memory_space<vmem_shared>>
        %dma_start3A_682 = arith.constant 0 : i32
        %dma_start3A_683 = tpu.memref_slice %arg7[%dma_start3A_675, %dma_start3A_682] : memref<16x512xf32, #tpu.memory_space<vmem>> -> memref<1x512xf32, #tpu.memory_space<vmem>>
        %dma_start3A_684 = tpu.memref_squeeze %dma_start3A_683 : memref<1x512xf32, #tpu.memory_space<vmem>> -> memref<512xf32, #tpu.memory_space<vmem>>
        %dma_start3A_685 = arith.constant 0 : i32
        %dma_start3A_686 = tpu.memref_slice %arg5[%squeeze3A_674, %dma_start3A_685] : memref<1000x512xf32, #tpu.memory_space<vmem_shared>> -> memref<1x512xf32, #tpu.memory_space<vmem_shared>>
        %dma_start3A_687 = tpu.memref_squeeze %dma_start3A_686 : memref<1x512xf32, #tpu.memory_space<vmem_shared>> -> memref<512xf32, #tpu.memory_space<vmem_shared>>
        tpu.enqueue_dma source(%dma_start3A_687 : memref<512xf32, #tpu.memory_space<vmem_shared>>) target(%dma_start3A_684 : memref<512xf32, #tpu.memory_space<vmem>>) target_semaphore(%arg9 : memref<!tpu.dma_semaphore, #tpu.memory_space<semaphore_mem>>)
        %slice3A_688 = vector.extract_strided_slice %get3A_552 {offsets = [9], sizes = [1], strides = [1]} : vector<16xi32> to vector<1xi32>
        %squeeze3A_689 = vector.extract %slice3A_688[0] : i32 from vector<1xi32>
        %dma_start3A_690 = arith.constant 9 : i32
        %dma_start3A_691 = arith.constant 0 : i32
        %dma_start3A_692 = tpu.memref_slice %arg7[%dma_start3A_690, %dma_start3A_691] : memref<16x512xf32, #tpu.memory_space<vmem>> -> memref<1x512xf32, #tpu.memory_space<vmem>>
        %dma_start3A_693 = tpu.memref_squeeze %dma_start3A_692 : memref<1x512xf32, #tpu.memory_space<vmem>> -> memref<512xf32, #tpu.memory_space<vmem>>
        %dma_start3A_694 = arith.constant 0 : i32
        %dma_start3A_695 = tpu.memref_slice %arg5[%squeeze3A_689, %dma_start3A_694] : memref<1000x512xf32, #tpu.memory_space<vmem_shared>> -> memref<1x512xf32, #tpu.memory_space<vmem_shared>>
        %dma_start3A_696 = tpu.memref_squeeze %dma_start3A_695 : memref<1x512xf32, #tpu.memory_space<vmem_shared>> -> memref<512xf32, #tpu.memory_space<vmem_shared>>
        %dma_start3A_697 = arith.constant 0 : i32
        %dma_start3A_698 = tpu.memref_slice %arg7[%dma_start3A_690, %dma_start3A_697] : memref<16x512xf32, #tpu.memory_space<vmem>> -> memref<1x512xf32, #tpu.memory_space<vmem>>
        %dma_start3A_699 = tpu.memref_squeeze %dma_start3A_698 : memref<1x512xf32, #tpu.memory_space<vmem>> -> memref<512xf32, #tpu.memory_space<vmem>>
        %dma_start3A_700 = arith.constant 0 : i32
        %dma_start3A_701 = tpu.memref_slice %arg5[%squeeze3A_689, %dma_start3A_700] : memref<1000x512xf32, #tpu.memory_space<vmem_shared>> -> memref<1x512xf32, #tpu.memory_space<vmem_shared>>
        %dma_start3A_702 = tpu.memref_squeeze %dma_start3A_701 : memref<1x512xf32, #tpu.memory_space<vmem_shared>> -> memref<512xf32, #tpu.memory_space<vmem_shared>>
        tpu.enqueue_dma source(%dma_start3A_702 : memref<512xf32, #tpu.memory_space<vmem_shared>>) target(%dma_start3A_699 : memref<512xf32, #tpu.memory_space<vmem>>) target_semaphore(%arg9 : memref<!tpu.dma_semaphore, #tpu.memory_space<semaphore_mem>>)
        %slice3A_703 = vector.extract_strided_slice %get3A_552 {offsets = [10], sizes = [1], strides = [1]} : vector<16xi32> to vector<1xi32>
        %squeeze3A_704 = vector.extract %slice3A_703[0] : i32 from vector<1xi32>
        %dma_start3A_705 = arith.constant 10 : i32
        %dma_start3A_706 = arith.constant 0 : i32
        %dma_start3A_707 = tpu.memref_slice %arg7[%dma_start3A_705, %dma_start3A_706] : memref<16x512xf32, #tpu.memory_space<vmem>> -> memref<1x512xf32, #tpu.memory_space<vmem>>
        %dma_start3A_708 = tpu.memref_squeeze %dma_start3A_707 : memref<1x512xf32, #tpu.memory_space<vmem>> -> memref<512xf32, #tpu.memory_space<vmem>>
        %dma_start3A_709 = arith.constant 0 : i32
        %dma_start3A_710 = tpu.memref_slice %arg5[%squeeze3A_704, %dma_start3A_709] : memref<1000x512xf32, #tpu.memory_space<vmem_shared>> -> memref<1x512xf32, #tpu.memory_space<vmem_shared>>
        %dma_start3A_711 = tpu.memref_squeeze %dma_start3A_710 : memref<1x512xf32, #tpu.memory_space<vmem_shared>> -> memref<512xf32, #tpu.memory_space<vmem_shared>>
        %dma_start3A_712 = arith.constant 0 : i32
        %dma_start3A_713 = tpu.memref_slice %arg7[%dma_start3A_705, %dma_start3A_712] : memref<16x512xf32, #tpu.memory_space<vmem>> -> memref<1x512xf32, #tpu.memory_space<vmem>>
        %dma_start3A_714 = tpu.memref_squeeze %dma_start3A_713 : memref<1x512xf32, #tpu.memory_space<vmem>> -> memref<512xf32, #tpu.memory_space<vmem>>
        %dma_start3A_715 = arith.constant 0 : i32
        %dma_start3A_716 = tpu.memref_slice %arg5[%squeeze3A_704, %dma_start3A_715] : memref<1000x512xf32, #tpu.memory_space<vmem_shared>> -> memref<1x512xf32, #tpu.memory_space<vmem_shared>>
        %dma_start3A_717 = tpu.memref_squeeze %dma_start3A_716 : memref<1x512xf32, #tpu.memory_space<vmem_shared>> -> memref<512xf32, #tpu.memory_space<vmem_shared>>
        tpu.enqueue_dma source(%dma_start3A_717 : memref<512xf32, #tpu.memory_space<vmem_shared>>) target(%dma_start3A_714 : memref<512xf32, #tpu.memory_space<vmem>>) target_semaphore(%arg9 : memref<!tpu.dma_semaphore, #tpu.memory_space<semaphore_mem>>)
        %slice3A_718 = vector.extract_strided_slice %get3A_552 {offsets = [11], sizes = [1], strides = [1]} : vector<16xi32> to vector<1xi32>
        %squeeze3A_719 = vector.extract %slice3A_718[0] : i32 from vector<1xi32>
        %dma_start3A_720 = arith.constant 11 : i32
        %dma_start3A_721 = arith.constant 0 : i32
        %dma_start3A_722 = tpu.memref_slice %arg7[%dma_start3A_720, %dma_start3A_721] : memref<16x512xf32, #tpu.memory_space<vmem>> -> memref<1x512xf32, #tpu.memory_space<vmem>>
        %dma_start3A_723 = tpu.memref_squeeze %dma_start3A_722 : memref<1x512xf32, #tpu.memory_space<vmem>> -> memref<512xf32, #tpu.memory_space<vmem>>
        %dma_start3A_724 = arith.constant 0 : i32
        %dma_start3A_725 = tpu.memref_slice %arg5[%squeeze3A_719, %dma_start3A_724] : memref<1000x512xf32, #tpu.memory_space<vmem_shared>> -> memref<1x512xf32, #tpu.memory_space<vmem_shared>>
        %dma_start3A_726 = tpu.memref_squeeze %dma_start3A_725 : memref<1x512xf32, #tpu.memory_space<vmem_shared>> -> memref<512xf32, #tpu.memory_space<vmem_shared>>
        %dma_start3A_727 = arith.constant 0 : i32
        %dma_start3A_728 = tpu.memref_slice %arg7[%dma_start3A_720, %dma_start3A_727] : memref<16x512xf32, #tpu.memory_space<vmem>> -> memref<1x512xf32, #tpu.memory_space<vmem>>
        %dma_start3A_729 = tpu.memref_squeeze %dma_start3A_728 : memref<1x512xf32, #tpu.memory_space<vmem>> -> memref<512xf32, #tpu.memory_space<vmem>>
        %dma_start3A_730 = arith.constant 0 : i32
        %dma_start3A_731 = tpu.memref_slice %arg5[%squeeze3A_719, %dma_start3A_730] : memref<1000x512xf32, #tpu.memory_space<vmem_shared>> -> memref<1x512xf32, #tpu.memory_space<vmem_shared>>
        %dma_start3A_732 = tpu.memref_squeeze %dma_start3A_731 : memref<1x512xf32, #tpu.memory_space<vmem_shared>> -> memref<512xf32, #tpu.memory_space<vmem_shared>>
        tpu.enqueue_dma source(%dma_start3A_732 : memref<512xf32, #tpu.memory_space<vmem_shared>>) target(%dma_start3A_729 : memref<512xf32, #tpu.memory_space<vmem>>) target_semaphore(%arg9 : memref<!tpu.dma_semaphore, #tpu.memory_space<semaphore_mem>>)
        %slice3A_733 = vector.extract_strided_slice %get3A_552 {offsets = [12], sizes = [1], strides = [1]} : vector<16xi32> to vector<1xi32>
        %squeeze3A_734 = vector.extract %slice3A_733[0] : i32 from vector<1xi32>
        %dma_start3A_735 = arith.constant 12 : i32
        %dma_start3A_736 = arith.constant 0 : i32
        %dma_start3A_737 = tpu.memref_slice %arg7[%dma_start3A_735, %dma_start3A_736] : memref<16x512xf32, #tpu.memory_space<vmem>> -> memref<1x512xf32, #tpu.memory_space<vmem>>
        %dma_start3A_738 = tpu.memref_squeeze %dma_start3A_737 : memref<1x512xf32, #tpu.memory_space<vmem>> -> memref<512xf32, #tpu.memory_space<vmem>>
        %dma_start3A_739 = arith.constant 0 : i32
        %dma_start3A_740 = tpu.memref_slice %arg5[%squeeze3A_734, %dma_start3A_739] : memref<1000x512xf32, #tpu.memory_space<vmem_shared>> -> memref<1x512xf32, #tpu.memory_space<vmem_shared>>
        %dma_start3A_741 = tpu.memref_squeeze %dma_start3A_740 : memref<1x512xf32, #tpu.memory_space<vmem_shared>> -> memref<512xf32, #tpu.memory_space<vmem_shared>>
        %dma_start3A_742 = arith.constant 0 : i32
        %dma_start3A_743 = tpu.memref_slice %arg7[%dma_start3A_735, %dma_start3A_742] : memref<16x512xf32, #tpu.memory_space<vmem>> -> memref<1x512xf32, #tpu.memory_space<vmem>>
        %dma_start3A_744 = tpu.memref_squeeze %dma_start3A_743 : memref<1x512xf32, #tpu.memory_space<vmem>> -> memref<512xf32, #tpu.memory_space<vmem>>
        %dma_start3A_745 = arith.constant 0 : i32
        %dma_start3A_746 = tpu.memref_slice %arg5[%squeeze3A_734, %dma_start3A_745] : memref<1000x512xf32, #tpu.memory_space<vmem_shared>> -> memref<1x512xf32, #tpu.memory_space<vmem_shared>>
        %dma_start3A_747 = tpu.memref_squeeze %dma_start3A_746 : memref<1x512xf32, #tpu.memory_space<vmem_shared>> -> memref<512xf32, #tpu.memory_space<vmem_shared>>
        tpu.enqueue_dma source(%dma_start3A_747 : memref<512xf32, #tpu.memory_space<vmem_shared>>) target(%dma_start3A_744 : memref<512xf32, #tpu.memory_space<vmem>>) target_semaphore(%arg9 : memref<!tpu.dma_semaphore, #tpu.memory_space<semaphore_mem>>)
        %slice3A_748 = vector.extract_strided_slice %get3A_552 {offsets = [13], sizes = [1], strides = [1]} : vector<16xi32> to vector<1xi32>
        %squeeze3A_749 = vector.extract %slice3A_748[0] : i32 from vector<1xi32>
        %dma_start3A_750 = arith.constant 13 : i32
        %dma_start3A_751 = arith.constant 0 : i32
        %dma_start3A_752 = tpu.memref_slice %arg7[%dma_start3A_750, %dma_start3A_751] : memref<16x512xf32, #tpu.memory_space<vmem>> -> memref<1x512xf32, #tpu.memory_space<vmem>>
        %dma_start3A_753 = tpu.memref_squeeze %dma_start3A_752 : memref<1x512xf32, #tpu.memory_space<vmem>> -> memref<512xf32, #tpu.memory_space<vmem>>
        %dma_start3A_754 = arith.constant 0 : i32
        %dma_start3A_755 = tpu.memref_slice %arg5[%squeeze3A_749, %dma_start3A_754] : memref<1000x512xf32, #tpu.memory_space<vmem_shared>> -> memref<1x512xf32, #tpu.memory_space<vmem_shared>>
        %dma_start3A_756 = tpu.memref_squeeze %dma_start3A_755 : memref<1x512xf32, #tpu.memory_space<vmem_shared>> -> memref<512xf32, #tpu.memory_space<vmem_shared>>
        %dma_start3A_757 = arith.constant 0 : i32
        %dma_start3A_758 = tpu.memref_slice %arg7[%dma_start3A_750, %dma_start3A_757] : memref<16x512xf32, #tpu.memory_space<vmem>> -> memref<1x512xf32, #tpu.memory_space<vmem>>
        %dma_start3A_759 = tpu.memref_squeeze %dma_start3A_758 : memref<1x512xf32, #tpu.memory_space<vmem>> -> memref<512xf32, #tpu.memory_space<vmem>>
        %dma_start3A_760 = arith.constant 0 : i32
        %dma_start3A_761 = tpu.memref_slice %arg5[%squeeze3A_749, %dma_start3A_760] : memref<1000x512xf32, #tpu.memory_space<vmem_shared>> -> memref<1x512xf32, #tpu.memory_space<vmem_shared>>
        %dma_start3A_762 = tpu.memref_squeeze %dma_start3A_761 : memref<1x512xf32, #tpu.memory_space<vmem_shared>> -> memref<512xf32, #tpu.memory_space<vmem_shared>>
        tpu.enqueue_dma source(%dma_start3A_762 : memref<512xf32, #tpu.memory_space<vmem_shared>>) target(%dma_start3A_759 : memref<512xf32, #tpu.memory_space<vmem>>) target_semaphore(%arg9 : memref<!tpu.dma_semaphore, #tpu.memory_space<semaphore_mem>>)
        %slice3A_763 = vector.extract_strided_slice %get3A_552 {offsets = [14], sizes = [1], strides = [1]} : vector<16xi32> to vector<1xi32>
        %squeeze3A_764 = vector.extract %slice3A_763[0] : i32 from vector<1xi32>
        %dma_start3A_765 = arith.constant 14 : i32
        %dma_start3A_766 = arith.constant 0 : i32
        %dma_start3A_767 = tpu.memref_slice %arg7[%dma_start3A_765, %dma_start3A_766] : memref<16x512xf32, #tpu.memory_space<vmem>> -> memref<1x512xf32, #tpu.memory_space<vmem>>
        %dma_start3A_768 = tpu.memref_squeeze %dma_start3A_767 : memref<1x512xf32, #tpu.memory_space<vmem>> -> memref<512xf32, #tpu.memory_space<vmem>>
        %dma_start3A_769 = arith.constant 0 : i32
        %dma_start3A_770 = tpu.memref_slice %arg5[%squeeze3A_764, %dma_start3A_769] : memref<1000x512xf32, #tpu.memory_space<vmem_shared>> -> memref<1x512xf32, #tpu.memory_space<vmem_shared>>
        %dma_start3A_771 = tpu.memref_squeeze %dma_start3A_770 : memref<1x512xf32, #tpu.memory_space<vmem_shared>> -> memref<512xf32, #tpu.memory_space<vmem_shared>>
        %dma_start3A_772 = arith.constant 0 : i32
        %dma_start3A_773 = tpu.memref_slice %arg7[%dma_start3A_765, %dma_start3A_772] : memref<16x512xf32, #tpu.memory_space<vmem>> -> memref<1x512xf32, #tpu.memory_space<vmem>>
        %dma_start3A_774 = tpu.memref_squeeze %dma_start3A_773 : memref<1x512xf32, #tpu.memory_space<vmem>> -> memref<512xf32, #tpu.memory_space<vmem>>
        %dma_start3A_775 = arith.constant 0 : i32
        %dma_start3A_776 = tpu.memref_slice %arg5[%squeeze3A_764, %dma_start3A_775] : memref<1000x512xf32, #tpu.memory_space<vmem_shared>> -> memref<1x512xf32, #tpu.memory_space<vmem_shared>>
        %dma_start3A_777 = tpu.memref_squeeze %dma_start3A_776 : memref<1x512xf32, #tpu.memory_space<vmem_shared>> -> memref<512xf32, #tpu.memory_space<vmem_shared>>
        tpu.enqueue_dma source(%dma_start3A_777 : memref<512xf32, #tpu.memory_space<vmem_shared>>) target(%dma_start3A_774 : memref<512xf32, #tpu.memory_space<vmem>>) target_semaphore(%arg9 : memref<!tpu.dma_semaphore, #tpu.memory_space<semaphore_mem>>)
        %slice3A_778 = vector.extract_strided_slice %get3A_552 {offsets = [15], sizes = [1], strides = [1]} : vector<16xi32> to vector<1xi32>
        %squeeze3A_779 = vector.extract %slice3A_778[0] : i32 from vector<1xi32>
        %dma_start3A_780 = arith.constant 15 : i32
        %dma_start3A_781 = arith.constant 0 : i32
        %dma_start3A_782 = tpu.memref_slice %arg7[%dma_start3A_780, %dma_start3A_781] : memref<16x512xf32, #tpu.memory_space<vmem>> -> memref<1x512xf32, #tpu.memory_space<vmem>>
        %dma_start3A_783 = tpu.memref_squeeze %dma_start3A_782 : memref<1x512xf32, #tpu.memory_space<vmem>> -> memref<512xf32, #tpu.memory_space<vmem>>
        %dma_start3A_784 = arith.constant 0 : i32
        %dma_start3A_785 = tpu.memref_slice %arg5[%squeeze3A_779, %dma_start3A_784] : memref<1000x512xf32, #tpu.memory_space<vmem_shared>> -> memref<1x512xf32, #tpu.memory_space<vmem_shared>>
        %dma_start3A_786 = tpu.memref_squeeze %dma_start3A_785 : memref<1x512xf32, #tpu.memory_space<vmem_shared>> -> memref<512xf32, #tpu.memory_space<vmem_shared>>
        %dma_start3A_787 = arith.constant 0 : i32
        %dma_start3A_788 = tpu.memref_slice %arg7[%dma_start3A_780, %dma_start3A_787] : memref<16x512xf32, #tpu.memory_space<vmem>> -> memref<1x512xf32, #tpu.memory_space<vmem>>
        %dma_start3A_789 = tpu.memref_squeeze %dma_start3A_788 : memref<1x512xf32, #tpu.memory_space<vmem>> -> memref<512xf32, #tpu.memory_space<vmem>>
        %dma_start3A_790 = arith.constant 0 : i32
        %dma_start3A_791 = tpu.memref_slice %arg5[%squeeze3A_779, %dma_start3A_790] : memref<1000x512xf32, #tpu.memory_space<vmem_shared>> -> memref<1x512xf32, #tpu.memory_space<vmem_shared>>
        %dma_start3A_792 = tpu.memref_squeeze %dma_start3A_791 : memref<1x512xf32, #tpu.memory_space<vmem_shared>> -> memref<512xf32, #tpu.memory_space<vmem_shared>>
        tpu.enqueue_dma source(%dma_start3A_792 : memref<512xf32, #tpu.memory_space<vmem_shared>>) target(%dma_start3A_789 : memref<512xf32, #tpu.memory_space<vmem>>) target_semaphore(%arg9 : memref<!tpu.dma_semaphore, #tpu.memory_space<semaphore_mem>>)
        %dma_wait3A_793 = arith.constant 0 : i32
        %dma_wait3A_794 = arith.constant 0 : i32
        %dma_wait3A_795 = tpu.memref_slice %arg4[%dma_wait3A_793, %dma_wait3A_794] : memref<327680x512xf32, #tpu.memory_space<hbm>> -> memref<16x512xf32, #tpu.memory_space<hbm>>
        %dma_wait3A_796 = arith.constant 0 : i32
        %dma_wait3A_797 = arith.constant 0 : i32
        %dma_wait3A_798 = tpu.memref_slice %arg4[%dma_wait3A_796, %dma_wait3A_797] : memref<327680x512xf32, #tpu.memory_space<hbm>> -> memref<16x512xf32, #tpu.memory_space<hbm>>
        tpu.wait_dma2 semaphore(%arg12 : memref<!tpu.dma_semaphore, #tpu.memory_space<semaphore_mem>>) src(%arg8 : memref<16x512xf32, #tpu.memory_space<vmem>>) dst(%dma_wait3A_798 : memref<16x512xf32, #tpu.memory_space<hbm>>)
        %add3A_799 = arith.constant 3 : i32
        %add3A_800 = arith.addi %mul3A_505, %add3A_799 : i32
        %mul3A_801 = arith.constant 16 : i32
        %mul3A_802 = arith.muli %add3A_800, %mul3A_801 : i32
        %add3A_803 = arith.constant 0 : i32
        %add3A_804 = arith.addi %mul3A_802, %add3A_803 : i32
        %get3A_805 = arith.index_cast %add3A_804 : i32 to index
        %get3A_806 = tpu.vector_load %arg6[%get3A_805] {strides = array<i32>} : memref<10240xi32, #tpu.memory_space<vmem>>, vector<16xi32>,
        %get3A_807 = vector.shape_cast %get3A_806 : vector<16xi32> to vector<16xi32>
        %slice3A_808 = vector.extract_strided_slice %get3A_807 {offsets = [0], sizes = [1], strides = [1]} : vector<16xi32> to vector<1xi32>
        %squeeze3A_809 = vector.extract %slice3A_808[0] : i32 from vector<1xi32>
        %dma_start3A_810 = arith.constant 0 : i32
        %dma_start3A_811 = arith.constant 0 : i32
        %dma_start3A_812 = tpu.memref_slice %arg8[%dma_start3A_810, %dma_start3A_811] : memref<16x512xf32, #tpu.memory_space<vmem>> -> memref<1x512xf32, #tpu.memory_space<vmem>>
        %dma_start3A_813 = tpu.memref_squeeze %dma_start3A_812 : memref<1x512xf32, #tpu.memory_space<vmem>> -> memref<512xf32, #tpu.memory_space<vmem>>
        %dma_start3A_814 = arith.constant 0 : i32
        %dma_start3A_815 = tpu.memref_slice %arg5[%squeeze3A_809, %dma_start3A_814] : memref<1000x512xf32, #tpu.memory_space<vmem_shared>> -> memref<1x512xf32, #tpu.memory_space<vmem_shared>>
        %dma_start3A_816 = tpu.memref_squeeze %dma_start3A_815 : memref<1x512xf32, #tpu.memory_space<vmem_shared>> -> memref<512xf32, #tpu.memory_space<vmem_shared>>
        %dma_start3A_817 = arith.constant 0 : i32
        %dma_start3A_818 = tpu.memref_slice %arg8[%dma_start3A_810, %dma_start3A_817] : memref<16x512xf32, #tpu.memory_space<vmem>> -> memref<1x512xf32, #tpu.memory_space<vmem>>
        %dma_start3A_819 = tpu.memref_squeeze %dma_start3A_818 : memref<1x512xf32, #tpu.memory_space<vmem>> -> memref<512xf32, #tpu.memory_space<vmem>>
        %dma_start3A_820 = arith.constant 0 : i32
        %dma_start3A_821 = tpu.memref_slice %arg5[%squeeze3A_809, %dma_start3A_820] : memref<1000x512xf32, #tpu.memory_space<vmem_shared>> -> memref<1x512xf32, #tpu.memory_space<vmem_shared>>
        %dma_start3A_822 = tpu.memref_squeeze %dma_start3A_821 : memref<1x512xf32, #tpu.memory_space<vmem_shared>> -> memref<512xf32, #tpu.memory_space<vmem_shared>>
        tpu.enqueue_dma source(%dma_start3A_822 : memref<512xf32, #tpu.memory_space<vmem_shared>>) target(%dma_start3A_819 : memref<512xf32, #tpu.memory_space<vmem>>) target_semaphore(%arg10 : memref<!tpu.dma_semaphore, #tpu.memory_space<semaphore_mem>>)
        %slice3A_823 = vector.extract_strided_slice %get3A_807 {offsets = [1], sizes = [1], strides = [1]} : vector<16xi32> to vector<1xi32>
        %squeeze3A_824 = vector.extract %slice3A_823[0] : i32 from vector<1xi32>
        %dma_start3A_825 = arith.constant 1 : i32
        %dma_start3A_826 = arith.constant 0 : i32
        %dma_start3A_827 = tpu.memref_slice %arg8[%dma_start3A_825, %dma_start3A_826] : memref<16x512xf32, #tpu.memory_space<vmem>> -> memref<1x512xf32, #tpu.memory_space<vmem>>
        %dma_start3A_828 = tpu.memref_squeeze %dma_start3A_827 : memref<1x512xf32, #tpu.memory_space<vmem>> -> memref<512xf32, #tpu.memory_space<vmem>>
        %dma_start3A_829 = arith.constant 0 : i32
        %dma_start3A_830 = tpu.memref_slice %arg5[%squeeze3A_824, %dma_start3A_829] : memref<1000x512xf32, #tpu.memory_space<vmem_shared>> -> memref<1x512xf32, #tpu.memory_space<vmem_shared>>
        %dma_start3A_831 = tpu.memref_squeeze %dma_start3A_830 : memref<1x512xf32, #tpu.memory_space<vmem_shared>> -> memref<512xf32, #tpu.memory_space<vmem_shared>>
        %dma_start3A_832 = arith.constant 0 : i32
        %dma_start3A_833 = tpu.memref_slice %arg8[%dma_start3A_825, %dma_start3A_832] : memref<16x512xf32, #tpu.memory_space<vmem>> -> memref<1x512xf32, #tpu.memory_space<vmem>>
        %dma_start3A_834 = tpu.memref_squeeze %dma_start3A_833 : memref<1x512xf32, #tpu.memory_space<vmem>> -> memref<512xf32, #tpu.memory_space<vmem>>
        %dma_start3A_835 = arith.constant 0 : i32
        %dma_start3A_836 = tpu.memref_slice %arg5[%squeeze3A_824, %dma_start3A_835] : memref<1000x512xf32, #tpu.memory_space<vmem_shared>> -> memref<1x512xf32, #tpu.memory_space<vmem_shared>>
        %dma_start3A_837 = tpu.memref_squeeze %dma_start3A_836 : memref<1x512xf32, #tpu.memory_space<vmem_shared>> -> memref<512xf32, #tpu.memory_space<vmem_shared>>
        tpu.enqueue_dma source(%dma_start3A_837 : memref<512xf32, #tpu.memory_space<vmem_shared>>) target(%dma_start3A_834 : memref<512xf32, #tpu.memory_space<vmem>>) target_semaphore(%arg10 : memref<!tpu.dma_semaphore, #tpu.memory_space<semaphore_mem>>)
        %slice3A_838 = vector.extract_strided_slice %get3A_807 {offsets = [2], sizes = [1], strides = [1]} : vector<16xi32> to vector<1xi32>
        %squeeze3A_839 = vector.extract %slice3A_838[0] : i32 from vector<1xi32>
        %dma_start3A_840 = arith.constant 2 : i32
        %dma_start3A_841 = arith.constant 0 : i32
        %dma_start3A_842 = tpu.memref_slice %arg8[%dma_start3A_840, %dma_start3A_841] : memref<16x512xf32, #tpu.memory_space<vmem>> -> memref<1x512xf32, #tpu.memory_space<vmem>>
        %dma_start3A_843 = tpu.memref_squeeze %dma_start3A_842 : memref<1x512xf32, #tpu.memory_space<vmem>> -> memref<512xf32, #tpu.memory_space<vmem>>
        %dma_start3A_844 = arith.constant 0 : i32
        %dma_start3A_845 = tpu.memref_slice %arg5[%squeeze3A_839, %dma_start3A_844] : memref<1000x512xf32, #tpu.memory_space<vmem_shared>> -> memref<1x512xf32, #tpu.memory_space<vmem_shared>>
        %dma_start3A_846 = tpu.memref_squeeze %dma_start3A_845 : memref<1x512xf32, #tpu.memory_space<vmem_shared>> -> memref<512xf32, #tpu.memory_space<vmem_shared>>
        %dma_start3A_847 = arith.constant 0 : i32
        %dma_start3A_848 = tpu.memref_slice %arg8[%dma_start3A_840, %dma_start3A_847] : memref<16x512xf32, #tpu.memory_space<vmem>> -> memref<1x512xf32, #tpu.memory_space<vmem>>
        %dma_start3A_849 = tpu.memref_squeeze %dma_start3A_848 : memref<1x512xf32, #tpu.memory_space<vmem>> -> memref<512xf32, #tpu.memory_space<vmem>>
        %dma_start3A_850 = arith.constant 0 : i32
        %dma_start3A_851 = tpu.memref_slice %arg5[%squeeze3A_839, %dma_start3A_850] : memref<1000x512xf32, #tpu.memory_space<vmem_shared>> -> memref<1x512xf32, #tpu.memory_space<vmem_shared>>
        %dma_start3A_852 = tpu.memref_squeeze %dma_start3A_851 : memref<1x512xf32, #tpu.memory_space<vmem_shared>> -> memref<512xf32, #tpu.memory_space<vmem_shared>>
        tpu.enqueue_dma source(%dma_start3A_852 : memref<512xf32, #tpu.memory_space<vmem_shared>>) target(%dma_start3A_849 : memref<512xf32, #tpu.memory_space<vmem>>) target_semaphore(%arg10 : memref<!tpu.dma_semaphore, #tpu.memory_space<semaphore_mem>>)
        %slice3A_853 = vector.extract_strided_slice %get3A_807 {offsets = [3], sizes = [1], strides = [1]} : vector<16xi32> to vector<1xi32>
        %squeeze3A_854 = vector.extract %slice3A_853[0] : i32 from vector<1xi32>
        %dma_start3A_855 = arith.constant 3 : i32
        %dma_start3A_856 = arith.constant 0 : i32
        %dma_start3A_857 = tpu.memref_slice %arg8[%dma_start3A_855, %dma_start3A_856] : memref<16x512xf32, #tpu.memory_space<vmem>> -> memref<1x512xf32, #tpu.memory_space<vmem>>
        %dma_start3A_858 = tpu.memref_squeeze %dma_start3A_857 : memref<1x512xf32, #tpu.memory_space<vmem>> -> memref<512xf32, #tpu.memory_space<vmem>>
        %dma_start3A_859 = arith.constant 0 : i32
        %dma_start3A_860 = tpu.memref_slice %arg5[%squeeze3A_854, %dma_start3A_859] : memref<1000x512xf32, #tpu.memory_space<vmem_shared>> -> memref<1x512xf32, #tpu.memory_space<vmem_shared>>
        %dma_start3A_861 = tpu.memref_squeeze %dma_start3A_860 : memref<1x512xf32, #tpu.memory_space<vmem_shared>> -> memref<512xf32, #tpu.memory_space<vmem_shared>>
        %dma_start3A_862 = arith.constant 0 : i32
        %dma_start3A_863 = tpu.memref_slice %arg8[%dma_start3A_855, %dma_start3A_862] : memref<16x512xf32, #tpu.memory_space<vmem>> -> memref<1x512xf32, #tpu.memory_space<vmem>>
        %dma_start3A_864 = tpu.memref_squeeze %dma_start3A_863 : memref<1x512xf32, #tpu.memory_space<vmem>> -> memref<512xf32, #tpu.memory_space<vmem>>
        %dma_start3A_865 = arith.constant 0 : i32
        %dma_start3A_866 = tpu.memref_slice %arg5[%squeeze3A_854, %dma_start3A_865] : memref<1000x512xf32, #tpu.memory_space<vmem_shared>> -> memref<1x512xf32, #tpu.memory_space<vmem_shared>>
        %dma_start3A_867 = tpu.memref_squeeze %dma_start3A_866 : memref<1x512xf32, #tpu.memory_space<vmem_shared>> -> memref<512xf32, #tpu.memory_space<vmem_shared>>
        tpu.enqueue_dma source(%dma_start3A_867 : memref<512xf32, #tpu.memory_space<vmem_shared>>) target(%dma_start3A_864 : memref<512xf32, #tpu.memory_space<vmem>>) target_semaphore(%arg10 : memref<!tpu.dma_semaphore, #tpu.memory_space<semaphore_mem>>)
        %slice3A_868 = vector.extract_strided_slice %get3A_807 {offsets = [4], sizes = [1], strides = [1]} : vector<16xi32> to vector<1xi32>
        %squeeze3A_869 = vector.extract %slice3A_868[0] : i32 from vector<1xi32>
        %dma_start3A_870 = arith.constant 4 : i32
        %dma_start3A_871 = arith.constant 0 : i32
        %dma_start3A_872 = tpu.memref_slice %arg8[%dma_start3A_870, %dma_start3A_871] : memref<16x512xf32, #tpu.memory_space<vmem>> -> memref<1x512xf32, #tpu.memory_space<vmem>>
        %dma_start3A_873 = tpu.memref_squeeze %dma_start3A_872 : memref<1x512xf32, #tpu.memory_space<vmem>> -> memref<512xf32, #tpu.memory_space<vmem>>
        %dma_start3A_874 = arith.constant 0 : i32
        %dma_start3A_875 = tpu.memref_slice %arg5[%squeeze3A_869, %dma_start3A_874] : memref<1000x512xf32, #tpu.memory_space<vmem_shared>> -> memref<1x512xf32, #tpu.memory_space<vmem_shared>>
        %dma_start3A_876 = tpu.memref_squeeze %dma_start3A_875 : memref<1x512xf32, #tpu.memory_space<vmem_shared>> -> memref<512xf32, #tpu.memory_space<vmem_shared>>
        %dma_start3A_877 = arith.constant 0 : i32
        %dma_start3A_878 = tpu.memref_slice %arg8[%dma_start3A_870, %dma_start3A_877] : memref<16x512xf32, #tpu.memory_space<vmem>> -> memref<1x512xf32, #tpu.memory_space<vmem>>
        %dma_start3A_879 = tpu.memref_squeeze %dma_start3A_878 : memref<1x512xf32, #tpu.memory_space<vmem>> -> memref<512xf32, #tpu.memory_space<vmem>>
        %dma_start3A_880 = arith.constant 0 : i32
        %dma_start3A_881 = tpu.memref_slice %arg5[%squeeze3A_869, %dma_start3A_880] : memref<1000x512xf32, #tpu.memory_space<vmem_shared>> -> memref<1x512xf32, #tpu.memory_space<vmem_shared>>
        %dma_start3A_882 = tpu.memref_squeeze %dma_start3A_881 : memref<1x512xf32, #tpu.memory_space<vmem_shared>> -> memref<512xf32, #tpu.memory_space<vmem_shared>>
        tpu.enqueue_dma source(%dma_start3A_882 : memref<512xf32, #tpu.memory_space<vmem_shared>>) target(%dma_start3A_879 : memref<512xf32, #tpu.memory_space<vmem>>) target_semaphore(%arg10 : memref<!tpu.dma_semaphore, #tpu.memory_space<semaphore_mem>>)
        %slice3A_883 = vector.extract_strided_slice %get3A_807 {offsets = [5], sizes = [1], strides = [1]} : vector<16xi32> to vector<1xi32>
        %squeeze3A_884 = vector.extract %slice3A_883[0] : i32 from vector<1xi32>
        %dma_start3A_885 = arith.constant 5 : i32
        %dma_start3A_886 = arith.constant 0 : i32
        %dma_start3A_887 = tpu.memref_slice %arg8[%dma_start3A_885, %dma_start3A_886] : memref<16x512xf32, #tpu.memory_space<vmem>> -> memref<1x512xf32, #tpu.memory_space<vmem>>
        %dma_start3A_888 = tpu.memref_squeeze %dma_start3A_887 : memref<1x512xf32, #tpu.memory_space<vmem>> -> memref<512xf32, #tpu.memory_space<vmem>>
        %dma_start3A_889 = arith.constant 0 : i32
        %dma_start3A_890 = tpu.memref_slice %arg5[%squeeze3A_884, %dma_start3A_889] : memref<1000x512xf32, #tpu.memory_space<vmem_shared>> -> memref<1x512xf32, #tpu.memory_space<vmem_shared>>
        %dma_start3A_891 = tpu.memref_squeeze %dma_start3A_890 : memref<1x512xf32, #tpu.memory_space<vmem_shared>> -> memref<512xf32, #tpu.memory_space<vmem_shared>>
        %dma_start3A_892 = arith.constant 0 : i32
        %dma_start3A_893 = tpu.memref_slice %arg8[%dma_start3A_885, %dma_start3A_892] : memref<16x512xf32, #tpu.memory_space<vmem>> -> memref<1x512xf32, #tpu.memory_space<vmem>>
        %dma_start3A_894 = tpu.memref_squeeze %dma_start3A_893 : memref<1x512xf32, #tpu.memory_space<vmem>> -> memref<512xf32, #tpu.memory_space<vmem>>
        %dma_start3A_895 = arith.constant 0 : i32
        %dma_start3A_896 = tpu.memref_slice %arg5[%squeeze3A_884, %dma_start3A_895] : memref<1000x512xf32, #tpu.memory_space<vmem_shared>> -> memref<1x512xf32, #tpu.memory_space<vmem_shared>>
        %dma_start3A_897 = tpu.memref_squeeze %dma_start3A_896 : memref<1x512xf32, #tpu.memory_space<vmem_shared>> -> memref<512xf32, #tpu.memory_space<vmem_shared>>
        tpu.enqueue_dma source(%dma_start3A_897 : memref<512xf32, #tpu.memory_space<vmem_shared>>) target(%dma_start3A_894 : memref<512xf32, #tpu.memory_space<vmem>>) target_semaphore(%arg10 : memref<!tpu.dma_semaphore, #tpu.memory_space<semaphore_mem>>)
        %slice3A_898 = vector.extract_strided_slice %get3A_807 {offsets = [6], sizes = [1], strides = [1]} : vector<16xi32> to vector<1xi32>
        %squeeze3A_899 = vector.extract %slice3A_898[0] : i32 from vector<1xi32>
        %dma_start3A_900 = arith.constant 6 : i32
        %dma_start3A_901 = arith.constant 0 : i32
        %dma_start3A_902 = tpu.memref_slice %arg8[%dma_start3A_900, %dma_start3A_901] : memref<16x512xf32, #tpu.memory_space<vmem>> -> memref<1x512xf32, #tpu.memory_space<vmem>>
        %dma_start3A_903 = tpu.memref_squeeze %dma_start3A_902 : memref<1x512xf32, #tpu.memory_space<vmem>> -> memref<512xf32, #tpu.memory_space<vmem>>
        %dma_start3A_904 = arith.constant 0 : i32
        %dma_start3A_905 = tpu.memref_slice %arg5[%squeeze3A_899, %dma_start3A_904] : memref<1000x512xf32, #tpu.memory_space<vmem_shared>> -> memref<1x512xf32, #tpu.memory_space<vmem_shared>>
        %dma_start3A_906 = tpu.memref_squeeze %dma_start3A_905 : memref<1x512xf32, #tpu.memory_space<vmem_shared>> -> memref<512xf32, #tpu.memory_space<vmem_shared>>
        %dma_start3A_907 = arith.constant 0 : i32
        %dma_start3A_908 = tpu.memref_slice %arg8[%dma_start3A_900, %dma_start3A_907] : memref<16x512xf32, #tpu.memory_space<vmem>> -> memref<1x512xf32, #tpu.memory_space<vmem>>
        %dma_start3A_909 = tpu.memref_squeeze %dma_start3A_908 : memref<1x512xf32, #tpu.memory_space<vmem>> -> memref<512xf32, #tpu.memory_space<vmem>>
        %dma_start3A_910 = arith.constant 0 : i32
        %dma_start3A_911 = tpu.memref_slice %arg5[%squeeze3A_899, %dma_start3A_910] : memref<1000x512xf32, #tpu.memory_space<vmem_shared>> -> memref<1x512xf32, #tpu.memory_space<vmem_shared>>
        %dma_start3A_912 = tpu.memref_squeeze %dma_start3A_911 : memref<1x512xf32, #tpu.memory_space<vmem_shared>> -> memref<512xf32, #tpu.memory_space<vmem_shared>>
        tpu.enqueue_dma source(%dma_start3A_912 : memref<512xf32, #tpu.memory_space<vmem_shared>>) target(%dma_start3A_909 : memref<512xf32, #tpu.memory_space<vmem>>) target_semaphore(%arg10 : memref<!tpu.dma_semaphore, #tpu.memory_space<semaphore_mem>>)
        %slice3A_913 = vector.extract_strided_slice %get3A_807 {offsets = [7], sizes = [1], strides = [1]} : vector<16xi32> to vector<1xi32>
        %squeeze3A_914 = vector.extract %slice3A_913[0] : i32 from vector<1xi32>
        %dma_start3A_915 = arith.constant 7 : i32
        %dma_start3A_916 = arith.constant 0 : i32
        %dma_start3A_917 = tpu.memref_slice %arg8[%dma_start3A_915, %dma_start3A_916] : memref<16x512xf32, #tpu.memory_space<vmem>> -> memref<1x512xf32, #tpu.memory_space<vmem>>
        %dma_start3A_918 = tpu.memref_squeeze %dma_start3A_917 : memref<1x512xf32, #tpu.memory_space<vmem>> -> memref<512xf32, #tpu.memory_space<vmem>>
        %dma_start3A_919 = arith.constant 0 : i32
        %dma_start3A_920 = tpu.memref_slice %arg5[%squeeze3A_914, %dma_start3A_919] : memref<1000x512xf32, #tpu.memory_space<vmem_shared>> -> memref<1x512xf32, #tpu.memory_space<vmem_shared>>
        %dma_start3A_921 = tpu.memref_squeeze %dma_start3A_920 : memref<1x512xf32, #tpu.memory_space<vmem_shared>> -> memref<512xf32, #tpu.memory_space<vmem_shared>>
        %dma_start3A_922 = arith.constant 0 : i32
        %dma_start3A_923 = tpu.memref_slice %arg8[%dma_start3A_915, %dma_start3A_922] : memref<16x512xf32, #tpu.memory_space<vmem>> -> memref<1x512xf32, #tpu.memory_space<vmem>>
        %dma_start3A_924 = tpu.memref_squeeze %dma_start3A_923 : memref<1x512xf32, #tpu.memory_space<vmem>> -> memref<512xf32, #tpu.memory_space<vmem>>
        %dma_start3A_925 = arith.constant 0 : i32
        %dma_start3A_926 = tpu.memref_slice %arg5[%squeeze3A_914, %dma_start3A_925] : memref<1000x512xf32, #tpu.memory_space<vmem_shared>> -> memref<1x512xf32, #tpu.memory_space<vmem_shared>>
        %dma_start3A_927 = tpu.memref_squeeze %dma_start3A_926 : memref<1x512xf32, #tpu.memory_space<vmem_shared>> -> memref<512xf32, #tpu.memory_space<vmem_shared>>
        tpu.enqueue_dma source(%dma_start3A_927 : memref<512xf32, #tpu.memory_space<vmem_shared>>) target(%dma_start3A_924 : memref<512xf32, #tpu.memory_space<vmem>>) target_semaphore(%arg10 : memref<!tpu.dma_semaphore, #tpu.memory_space<semaphore_mem>>)
        %slice3A_928 = vector.extract_strided_slice %get3A_807 {offsets = [8], sizes = [1], strides = [1]} : vector<16xi32> to vector<1xi32>
        %squeeze3A_929 = vector.extract %slice3A_928[0] : i32 from vector<1xi32>
        %dma_start3A_930 = arith.constant 8 : i32
        %dma_start3A_931 = arith.constant 0 : i32
        %dma_start3A_932 = tpu.memref_slice %arg8[%dma_start3A_930, %dma_start3A_931] : memref<16x512xf32, #tpu.memory_space<vmem>> -> memref<1x512xf32, #tpu.memory_space<vmem>>
        %dma_start3A_933 = tpu.memref_squeeze %dma_start3A_932 : memref<1x512xf32, #tpu.memory_space<vmem>> -> memref<512xf32, #tpu.memory_space<vmem>>
        %dma_start3A_934 = arith.constant 0 : i32
        %dma_start3A_935 = tpu.memref_slice %arg5[%squeeze3A_929, %dma_start3A_934] : memref<1000x512xf32, #tpu.memory_space<vmem_shared>> -> memref<1x512xf32, #tpu.memory_space<vmem_shared>>
        %dma_start3A_936 = tpu.memref_squeeze %dma_start3A_935 : memref<1x512xf32, #tpu.memory_space<vmem_shared>> -> memref<512xf32, #tpu.memory_space<vmem_shared>>
        %dma_start3A_937 = arith.constant 0 : i32
        %dma_start3A_938 = tpu.memref_slice %arg8[%dma_start3A_930, %dma_start3A_937] : memref<16x512xf32, #tpu.memory_space<vmem>> -> memref<1x512xf32, #tpu.memory_space<vmem>>
        %dma_start3A_939 = tpu.memref_squeeze %dma_start3A_938 : memref<1x512xf32, #tpu.memory_space<vmem>> -> memref<512xf32, #tpu.memory_space<vmem>>
        %dma_start3A_940 = arith.constant 0 : i32
        %dma_start3A_941 = tpu.memref_slice %arg5[%squeeze3A_929, %dma_start3A_940] : memref<1000x512xf32, #tpu.memory_space<vmem_shared>> -> memref<1x512xf32, #tpu.memory_space<vmem_shared>>
        %dma_start3A_942 = tpu.memref_squeeze %dma_start3A_941 : memref<1x512xf32, #tpu.memory_space<vmem_shared>> -> memref<512xf32, #tpu.memory_space<vmem_shared>>
        tpu.enqueue_dma source(%dma_start3A_942 : memref<512xf32, #tpu.memory_space<vmem_shared>>) target(%dma_start3A_939 : memref<512xf32, #tpu.memory_space<vmem>>) target_semaphore(%arg10 : memref<!tpu.dma_semaphore, #tpu.memory_space<semaphore_mem>>)
        %slice3A_943 = vector.extract_strided_slice %get3A_807 {offsets = [9], sizes = [1], strides = [1]} : vector<16xi32> to vector<1xi32>
        %squeeze3A_944 = vector.extract %slice3A_943[0] : i32 from vector<1xi32>
        %dma_start3A_945 = arith.constant 9 : i32
        %dma_start3A_946 = arith.constant 0 : i32
        %dma_start3A_947 = tpu.memref_slice %arg8[%dma_start3A_945, %dma_start3A_946] : memref<16x512xf32, #tpu.memory_space<vmem>> -> memref<1x512xf32, #tpu.memory_space<vmem>>
        %dma_start3A_948 = tpu.memref_squeeze %dma_start3A_947 : memref<1x512xf32, #tpu.memory_space<vmem>> -> memref<512xf32, #tpu.memory_space<vmem>>
        %dma_start3A_949 = arith.constant 0 : i32
        %dma_start3A_950 = tpu.memref_slice %arg5[%squeeze3A_944, %dma_start3A_949] : memref<1000x512xf32, #tpu.memory_space<vmem_shared>> -> memref<1x512xf32, #tpu.memory_space<vmem_shared>>
        %dma_start3A_951 = tpu.memref_squeeze %dma_start3A_950 : memref<1x512xf32, #tpu.memory_space<vmem_shared>> -> memref<512xf32, #tpu.memory_space<vmem_shared>>
        %dma_start3A_952 = arith.constant 0 : i32
        %dma_start3A_953 = tpu.memref_slice %arg8[%dma_start3A_945, %dma_start3A_952] : memref<16x512xf32, #tpu.memory_space<vmem>> -> memref<1x512xf32, #tpu.memory_space<vmem>>
        %dma_start3A_954 = tpu.memref_squeeze %dma_start3A_953 : memref<1x512xf32, #tpu.memory_space<vmem>> -> memref<512xf32, #tpu.memory_space<vmem>>
        %dma_start3A_955 = arith.constant 0 : i32
        %dma_start3A_956 = tpu.memref_slice %arg5[%squeeze3A_944, %dma_start3A_955] : memref<1000x512xf32, #tpu.memory_space<vmem_shared>> -> memref<1x512xf32, #tpu.memory_space<vmem_shared>>
        %dma_start3A_957 = tpu.memref_squeeze %dma_start3A_956 : memref<1x512xf32, #tpu.memory_space<vmem_shared>> -> memref<512xf32, #tpu.memory_space<vmem_shared>>
        tpu.enqueue_dma source(%dma_start3A_957 : memref<512xf32, #tpu.memory_space<vmem_shared>>) target(%dma_start3A_954 : memref<512xf32, #tpu.memory_space<vmem>>) target_semaphore(%arg10 : memref<!tpu.dma_semaphore, #tpu.memory_space<semaphore_mem>>)
        %slice3A_958 = vector.extract_strided_slice %get3A_807 {offsets = [10], sizes = [1], strides = [1]} : vector<16xi32> to vector<1xi32>
        %squeeze3A_959 = vector.extract %slice3A_958[0] : i32 from vector<1xi32>
        %dma_start3A_960 = arith.constant 10 : i32
        %dma_start3A_961 = arith.constant 0 : i32
        %dma_start3A_962 = tpu.memref_slice %arg8[%dma_start3A_960, %dma_start3A_961] : memref<16x512xf32, #tpu.memory_space<vmem>> -> memref<1x512xf32, #tpu.memory_space<vmem>>
        %dma_start3A_963 = tpu.memref_squeeze %dma_start3A_962 : memref<1x512xf32, #tpu.memory_space<vmem>> -> memref<512xf32, #tpu.memory_space<vmem>>
        %dma_start3A_964 = arith.constant 0 : i32
        %dma_start3A_965 = tpu.memref_slice %arg5[%squeeze3A_959, %dma_start3A_964] : memref<1000x512xf32, #tpu.memory_space<vmem_shared>> -> memref<1x512xf32, #tpu.memory_space<vmem_shared>>
        %dma_start3A_966 = tpu.memref_squeeze %dma_start3A_965 : memref<1x512xf32, #tpu.memory_space<vmem_shared>> -> memref<512xf32, #tpu.memory_space<vmem_shared>>
        %dma_start3A_967 = arith.constant 0 : i32
        %dma_start3A_968 = tpu.memref_slice %arg8[%dma_start3A_960, %dma_start3A_967] : memref<16x512xf32, #tpu.memory_space<vmem>> -> memref<1x512xf32, #tpu.memory_space<vmem>>
        %dma_start3A_969 = tpu.memref_squeeze %dma_start3A_968 : memref<1x512xf32, #tpu.memory_space<vmem>> -> memref<512xf32, #tpu.memory_space<vmem>>
        %dma_start3A_970 = arith.constant 0 : i32
        %dma_start3A_971 = tpu.memref_slice %arg5[%squeeze3A_959, %dma_start3A_970] : memref<1000x512xf32, #tpu.memory_space<vmem_shared>> -> memref<1x512xf32, #tpu.memory_space<vmem_shared>>
        %dma_start3A_972 = tpu.memref_squeeze %dma_start3A_971 : memref<1x512xf32, #tpu.memory_space<vmem_shared>> -> memref<512xf32, #tpu.memory_space<vmem_shared>>
        tpu.enqueue_dma source(%dma_start3A_972 : memref<512xf32, #tpu.memory_space<vmem_shared>>) target(%dma_start3A_969 : memref<512xf32, #tpu.memory_space<vmem>>) target_semaphore(%arg10 : memref<!tpu.dma_semaphore, #tpu.memory_space<semaphore_mem>>)
        %slice3A_973 = vector.extract_strided_slice %get3A_807 {offsets = [11], sizes = [1], strides = [1]} : vector<16xi32> to vector<1xi32>
        %squeeze3A_974 = vector.extract %slice3A_973[0] : i32 from vector<1xi32>
        %dma_start3A_975 = arith.constant 11 : i32
        %dma_start3A_976 = arith.constant 0 : i32
        %dma_start3A_977 = tpu.memref_slice %arg8[%dma_start3A_975, %dma_start3A_976] : memref<16x512xf32, #tpu.memory_space<vmem>> -> memref<1x512xf32, #tpu.memory_space<vmem>>
        %dma_start3A_978 = tpu.memref_squeeze %dma_start3A_977 : memref<1x512xf32, #tpu.memory_space<vmem>> -> memref<512xf32, #tpu.memory_space<vmem>>
        %dma_start3A_979 = arith.constant 0 : i32
        %dma_start3A_980 = tpu.memref_slice %arg5[%squeeze3A_974, %dma_start3A_979] : memref<1000x512xf32, #tpu.memory_space<vmem_shared>> -> memref<1x512xf32, #tpu.memory_space<vmem_shared>>
        %dma_start3A_981 = tpu.memref_squeeze %dma_start3A_980 : memref<1x512xf32, #tpu.memory_space<vmem_shared>> -> memref<512xf32, #tpu.memory_space<vmem_shared>>
        %dma_start3A_982 = arith.constant 0 : i32
        %dma_start3A_983 = tpu.memref_slice %arg8[%dma_start3A_975, %dma_start3A_982] : memref<16x512xf32, #tpu.memory_space<vmem>> -> memref<1x512xf32, #tpu.memory_space<vmem>>
        %dma_start3A_984 = tpu.memref_squeeze %dma_start3A_983 : memref<1x512xf32, #tpu.memory_space<vmem>> -> memref<512xf32, #tpu.memory_space<vmem>>
        %dma_start3A_985 = arith.constant 0 : i32
        %dma_start3A_986 = tpu.memref_slice %arg5[%squeeze3A_974, %dma_start3A_985] : memref<1000x512xf32, #tpu.memory_space<vmem_shared>> -> memref<1x512xf32, #tpu.memory_space<vmem_shared>>
        %dma_start3A_987 = tpu.memref_squeeze %dma_start3A_986 : memref<1x512xf32, #tpu.memory_space<vmem_shared>> -> memref<512xf32, #tpu.memory_space<vmem_shared>>
        tpu.enqueue_dma source(%dma_start3A_987 : memref<512xf32, #tpu.memory_space<vmem_shared>>) target(%dma_start3A_984 : memref<512xf32, #tpu.memory_space<vmem>>) target_semaphore(%arg10 : memref<!tpu.dma_semaphore, #tpu.memory_space<semaphore_mem>>)
        %slice3A_988 = vector.extract_strided_slice %get3A_807 {offsets = [12], sizes = [1], strides = [1]} : vector<16xi32> to vector<1xi32>
        %squeeze3A_989 = vector.extract %slice3A_988[0] : i32 from vector<1xi32>
        %dma_start3A_990 = arith.constant 12 : i32
        %dma_start3A_991 = arith.constant 0 : i32
        %dma_start3A_992 = tpu.memref_slice %arg8[%dma_start3A_990, %dma_start3A_991] : memref<16x512xf32, #tpu.memory_space<vmem>> -> memref<1x512xf32, #tpu.memory_space<vmem>>
        %dma_start3A_993 = tpu.memref_squeeze %dma_start3A_992 : memref<1x512xf32, #tpu.memory_space<vmem>> -> memref<512xf32, #tpu.memory_space<vmem>>
        %dma_start3A_994 = arith.constant 0 : i32
        %dma_start3A_995 = tpu.memref_slice %arg5[%squeeze3A_989, %dma_start3A_994] : memref<1000x512xf32, #tpu.memory_space<vmem_shared>> -> memref<1x512xf32, #tpu.memory_space<vmem_shared>>
        %dma_start3A_996 = tpu.memref_squeeze %dma_start3A_995 : memref<1x512xf32, #tpu.memory_space<vmem_shared>> -> memref<512xf32, #tpu.memory_space<vmem_shared>>
        %dma_start3A_997 = arith.constant 0 : i32
        %dma_start3A_998 = tpu.memref_slice %arg8[%dma_start3A_990, %dma_start3A_997] : memref<16x512xf32, #tpu.memory_space<vmem>> -> memref<1x512xf32, #tpu.memory_space<vmem>>
        %dma_start3A_999 = tpu.memref_squeeze %dma_start3A_998 : memref<1x512xf32, #tpu.memory_space<vmem>> -> memref<512xf32, #tpu.memory_space<vmem>>
        %dma_start3A_1000 = arith.constant 0 : i32
        %dma_start3A_1001 = tpu.memref_slice %arg5[%squeeze3A_989, %dma_start3A_1000] : memref<1000x512xf32, #tpu.memory_space<vmem_shared>> -> memref<1x512xf32, #tpu.memory_space<vmem_shared>>
        %dma_start3A_1002 = tpu.memref_squeeze %dma_start3A_1001 : memref<1x512xf32, #tpu.memory_space<vmem_shared>> -> memref<512xf32, #tpu.memory_space<vmem_shared>>
        tpu.enqueue_dma source(%dma_start3A_1002 : memref<512xf32, #tpu.memory_space<vmem_shared>>) target(%dma_start3A_999 : memref<512xf32, #tpu.memory_space<vmem>>) target_semaphore(%arg10 : memref<!tpu.dma_semaphore, #tpu.memory_space<semaphore_mem>>)
        %slice3A_1003 = vector.extract_strided_slice %get3A_807 {offsets = [13], sizes = [1], strides = [1]} : vector<16xi32> to vector<1xi32>
        %squeeze3A_1004 = vector.extract %slice3A_1003[0] : i32 from vector<1xi32>
        %dma_start3A_1005 = arith.constant 13 : i32
        %dma_start3A_1006 = arith.constant 0 : i32
        %dma_start3A_1007 = tpu.memref_slice %arg8[%dma_start3A_1005, %dma_start3A_1006] : memref<16x512xf32, #tpu.memory_space<vmem>> -> memref<1x512xf32, #tpu.memory_space<vmem>>
        %dma_start3A_1008 = tpu.memref_squeeze %dma_start3A_1007 : memref<1x512xf32, #tpu.memory_space<vmem>> -> memref<512xf32, #tpu.memory_space<vmem>>
        %dma_start3A_1009 = arith.constant 0 : i32
        %dma_start3A_1010 = tpu.memref_slice %arg5[%squeeze3A_1004, %dma_start3A_1009] : memref<1000x512xf32, #tpu.memory_space<vmem_shared>> -> memref<1x512xf32, #tpu.memory_space<vmem_shared>>
        %dma_start3A_1011 = tpu.memref_squeeze %dma_start3A_1010 : memref<1x512xf32, #tpu.memory_space<vmem_shared>> -> memref<512xf32, #tpu.memory_space<vmem_shared>>
        %dma_start3A_1012 = arith.constant 0 : i32
        %dma_start3A_1013 = tpu.memref_slice %arg8[%dma_start3A_1005, %dma_start3A_1012] : memref<16x512xf32, #tpu.memory_space<vmem>> -> memref<1x512xf32, #tpu.memory_space<vmem>>
        %dma_start3A_1014 = tpu.memref_squeeze %dma_start3A_1013 : memref<1x512xf32, #tpu.memory_space<vmem>> -> memref<512xf32, #tpu.memory_space<vmem>>
        %dma_start3A_1015 = arith.constant 0 : i32
        %dma_start3A_1016 = tpu.memref_slice %arg5[%squeeze3A_1004, %dma_start3A_1015] : memref<1000x512xf32, #tpu.memory_space<vmem_shared>> -> memref<1x512xf32, #tpu.memory_space<vmem_shared>>
        %dma_start3A_1017 = tpu.memref_squeeze %dma_start3A_1016 : memref<1x512xf32, #tpu.memory_space<vmem_shared>> -> memref<512xf32, #tpu.memory_space<vmem_shared>>
        tpu.enqueue_dma source(%dma_start3A_1017 : memref<512xf32, #tpu.memory_space<vmem_shared>>) target(%dma_start3A_1014 : memref<512xf32, #tpu.memory_space<vmem>>) target_semaphore(%arg10 : memref<!tpu.dma_semaphore, #tpu.memory_space<semaphore_mem>>)
        %slice3A_1018 = vector.extract_strided_slice %get3A_807 {offsets = [14], sizes = [1], strides = [1]} : vector<16xi32> to vector<1xi32>
        %squeeze3A_1019 = vector.extract %slice3A_1018[0] : i32 from vector<1xi32>
        %dma_start3A_1020 = arith.constant 14 : i32
        %dma_start3A_1021 = arith.constant 0 : i32
        %dma_start3A_1022 = tpu.memref_slice %arg8[%dma_start3A_1020, %dma_start3A_1021] : memref<16x512xf32, #tpu.memory_space<vmem>> -> memref<1x512xf32, #tpu.memory_space<vmem>>
        %dma_start3A_1023 = tpu.memref_squeeze %dma_start3A_1022 : memref<1x512xf32, #tpu.memory_space<vmem>> -> memref<512xf32, #tpu.memory_space<vmem>>
        %dma_start3A_1024 = arith.constant 0 : i32
        %dma_start3A_1025 = tpu.memref_slice %arg5[%squeeze3A_1019, %dma_start3A_1024] : memref<1000x512xf32, #tpu.memory_space<vmem_shared>> -> memref<1x512xf32, #tpu.memory_space<vmem_shared>>
        %dma_start3A_1026 = tpu.memref_squeeze %dma_start3A_1025 : memref<1x512xf32, #tpu.memory_space<vmem_shared>> -> memref<512xf32, #tpu.memory_space<vmem_shared>>
        %dma_start3A_1027 = arith.constant 0 : i32
        %dma_start3A_1028 = tpu.memref_slice %arg8[%dma_start3A_1020, %dma_start3A_1027] : memref<16x512xf32, #tpu.memory_space<vmem>> -> memref<1x512xf32, #tpu.memory_space<vmem>>
        %dma_start3A_1029 = tpu.memref_squeeze %dma_start3A_1028 : memref<1x512xf32, #tpu.memory_space<vmem>> -> memref<512xf32, #tpu.memory_space<vmem>>
        %dma_start3A_1030 = arith.constant 0 : i32
        %dma_start3A_1031 = tpu.memref_slice %arg5[%squeeze3A_1019, %dma_start3A_1030] : memref<1000x512xf32, #tpu.memory_space<vmem_shared>> -> memref<1x512xf32, #tpu.memory_space<vmem_shared>>
        %dma_start3A_1032 = tpu.memref_squeeze %dma_start3A_1031 : memref<1x512xf32, #tpu.memory_space<vmem_shared>> -> memref<512xf32, #tpu.memory_space<vmem_shared>>
        tpu.enqueue_dma source(%dma_start3A_1032 : memref<512xf32, #tpu.memory_space<vmem_shared>>) target(%dma_start3A_1029 : memref<512xf32, #tpu.memory_space<vmem>>) target_semaphore(%arg10 : memref<!tpu.dma_semaphore, #tpu.memory_space<semaphore_mem>>)
        %slice3A_1033 = vector.extract_strided_slice %get3A_807 {offsets = [15], sizes = [1], strides = [1]} : vector<16xi32> to vector<1xi32>
        %squeeze3A_1034 = vector.extract %slice3A_1033[0] : i32 from vector<1xi32>
        %dma_start3A_1035 = arith.constant 15 : i32
        %dma_start3A_1036 = arith.constant 0 : i32
        %dma_start3A_1037 = tpu.memref_slice %arg8[%dma_start3A_1035, %dma_start3A_1036] : memref<16x512xf32, #tpu.memory_space<vmem>> -> memref<1x512xf32, #tpu.memory_space<vmem>>
        %dma_start3A_1038 = tpu.memref_squeeze %dma_start3A_1037 : memref<1x512xf32, #tpu.memory_space<vmem>> -> memref<512xf32, #tpu.memory_space<vmem>>
        %dma_start3A_1039 = arith.constant 0 : i32
        %dma_start3A_1040 = tpu.memref_slice %arg5[%squeeze3A_1034, %dma_start3A_1039] : memref<1000x512xf32, #tpu.memory_space<vmem_shared>> -> memref<1x512xf32, #tpu.memory_space<vmem_shared>>
        %dma_start3A_1041 = tpu.memref_squeeze %dma_start3A_1040 : memref<1x512xf32, #tpu.memory_space<vmem_shared>> -> memref<512xf32, #tpu.memory_space<vmem_shared>>
        %dma_start3A_1042 = arith.constant 0 : i32
        %dma_start3A_1043 = tpu.memref_slice %arg8[%dma_start3A_1035, %dma_start3A_1042] : memref<16x512xf32, #tpu.memory_space<vmem>> -> memref<1x512xf32, #tpu.memory_space<vmem>>
        %dma_start3A_1044 = tpu.memref_squeeze %dma_start3A_1043 : memref<1x512xf32, #tpu.memory_space<vmem>> -> memref<512xf32, #tpu.memory_space<vmem>>
        %dma_start3A_1045 = arith.constant 0 : i32
        %dma_start3A_1046 = tpu.memref_slice %arg5[%squeeze3A_1034, %dma_start3A_1045] : memref<1000x512xf32, #tpu.memory_space<vmem_shared>> -> memref<1x512xf32, #tpu.memory_space<vmem_shared>>
        %dma_start3A_1047 = tpu.memref_squeeze %dma_start3A_1046 : memref<1x512xf32, #tpu.memory_space<vmem_shared>> -> memref<512xf32, #tpu.memory_space<vmem_shared>>
        tpu.enqueue_dma source(%dma_start3A_1047 : memref<512xf32, #tpu.memory_space<vmem_shared>>) target(%dma_start3A_1044 : memref<512xf32, #tpu.memory_space<vmem>>) target_semaphore(%arg10 : memref<!tpu.dma_semaphore, #tpu.memory_space<semaphore_mem>>)
      } else {
      }
    }
    %scan3A_491 = arith.constant 320 : i32
    %dma_wait3A = arith.constant 0 : i32
    %dma_wait3A_492 = arith.constant 0 : i32
    %dma_wait3A_493 = tpu.memref_slice %arg4[%dma_wait3A, %dma_wait3A_492] : memref<327680x512xf32, #tpu.memory_space<hbm>> -> memref<16x512xf32, #tpu.memory_space<hbm>>
    %dma_wait3A_494 = arith.constant 0 : i32
    %dma_wait3A_495 = arith.constant 0 : i32
    %dma_wait3A_496 = tpu.memref_slice %arg4[%dma_wait3A_494, %dma_wait3A_495] : memref<327680x512xf32, #tpu.memory_space<hbm>> -> memref<16x512xf32, #tpu.memory_space<hbm>>
    tpu.wait_dma2 semaphore(%arg11 : memref<!tpu.dma_semaphore, #tpu.memory_space<semaphore_mem>>) src(%arg7 : memref<16x512xf32, #tpu.memory_space<vmem>>) dst(%dma_wait3A_496 : memref<16x512xf32, #tpu.memory_space<hbm>>)
    %dma_wait3A_497 = arith.constant 0 : i32
    %dma_wait3A_498 = arith.constant 0 : i32
    %dma_wait3A_499 = tpu.memref_slice %arg4[%dma_wait3A_497, %dma_wait3A_498] : memref<327680x512xf32, #tpu.memory_space<hbm>> -> memref<16x512xf32, #tpu.memory_space<hbm>>
    %dma_wait3A_500 = arith.constant 0 : i32
    %dma_wait3A_501 = arith.constant 0 : i32
    %dma_wait3A_502 = tpu.memref_slice %arg4[%dma_wait3A_500, %dma_wait3A_501] : memref<327680x512xf32, #tpu.memory_space<hbm>> -> memref<16x512xf32, #tpu.memory_space<hbm>>
    tpu.wait_dma2 semaphore(%arg12 : memref<!tpu.dma_semaphore, #tpu.memory_space<semaphore_mem>>) src(%arg8 : memref<16x512xf32, #tpu.memory_space<vmem>>) dst(%dma_wait3A_502 : memref<16x512xf32, #tpu.memory_space<hbm>>)
    return
  }
}

module attributes {stable_mosaic.version = 14 : i64} {
  func.func @body(%arg0: memref<1000x128xf32, #tpu.memory_space<vmem>>, %arg1: memref<128x512xf32, #tpu.memory_space<vmem>>, %arg2: memref<1x512xf32, #tpu.memory_space<vmem>>, %arg3: memref<1000x512xf32, #tpu.memory_space<vmem>>) attributes {dimension_semantics = [], scalar_prefetch = 0 : i64, scratch_operands = 0 : i64, tpu.core_type = #tpu.core_type<tc>} {
    %get3A = arith.constant 0 : index
    %get3A_0 = arith.constant 0 : index
    %get3A_1 = vector.load %arg0[%get3A, %get3A_0] : memref<1000x128xf32, #tpu.memory_space<vmem>>, vector<1000x128xf32>
    %get3A_2 = arith.constant 0 : index
    %get3A_3 = arith.constant 0 : index
    %get3A_4 = vector.load %arg1[%get3A_2, %get3A_3] : memref<128x512xf32, #tpu.memory_space<vmem>>, vector<128x512xf32>
    %dot_general3A = arith.constant dense<0.000000e+00> : vector<1000x512xf32>
    %dot_general3A_5 = tpu.matmul %get3A_1, %get3A_4, %dot_general3A {dimension_numbers = #tpu.dot_dimension_numbers<[1], [0], [0], [1], [0, 0, 1, 1], [], []>, transpose_lhs_hint = false} : vector<1000x128xf32>, vector<128x512xf32>, vector<1000x512xf32> -> vector<1000x512xf32>
    %get3A_6 = arith.constant 0 : index
    %get3A_7 = arith.constant 0 : index
    %get3A_8 = vector.load %arg2[%get3A_6, %get3A_7] : memref<1x512xf32, #tpu.memory_space<vmem>>, vector<1x512xf32>
    %add3A = vector.broadcast %get3A_8 : vector<1x512xf32> to vector<1000x512xf32>
    %add3A_9 = arith.addf %dot_general3A_5, %add3A : vector<1000x512xf32>
    %swap3A = arith.constant 0 : index
    %swap3A_10 = arith.constant 0 : index
    %swap3A_11 = vector.load %arg3[%swap3A, %swap3A_10] : memref<1000x512xf32, #tpu.memory_space<vmem>>, vector<1000x512xf32>
    tpu.vector_store %arg3[%swap3A, %swap3A_10], %add3A_9 {strides = array<i32>} : memref<1000x512xf32, #tpu.memory_space<vmem>>, vector<1000x512xf32>,
    return
  }
}

</mosaic_0001>

<sc_bundles>
// kernel: kernel.4.cloned.1.call-start
scs
__scs_entry_jumppad:
0x0: {  	(pc) =	sbr.rel $0x88, $3  }
0x1: {  	(tag) =	ssettag $0x0;
	lr =	simm.s32 $0x1  }
0x2: {  	[smem:$0x3F9D] =	sst lr;
	_ =	strace $0xD0000000  }
0x3: {  	_ = 	snop  }
0x4: {  	_ = 	snop  }
0x5: {  	_ = 	snop  }
0x6: {  	_ = 	snop  }
0x7: {  	_ = 	snop  }
__scs_overlays_trampoline_lowered:
0x8: {  	[smem:$0x3FAC] =	sst s0  }
0x9: {  	[smem:$0x3FAD] =	sst s1  }
0xa: {  	[smem:$0x3FAE] =	sst s2  }
0xb: {  	[smem:$0x3FAF] =	sst s3  }
0xc: {  	[smem:$0x3FB0] =	sst s4  }
0xd: {  	[smem:$0x3FB1] =	sst s5  }
0xe: {  	[smem:$0x3FB2] =	sst s6  }
0xf: {  	[smem:$0x3FB3] =	sst s7  }
0x10: {  	[smem:$0x3FB4] =	sst s8  }
0x11: {  	[smem:$0x3FB5] =	sst s9;
	s0 =	simm.s32 @!p0 $0x0  }
0x12: {  	s1 =	sld [smem:$0x3F9B];
	s0 =	simm.s32 @p0 $0x1  }
0x13: {  	[smem:$0x3FB6] =	sst s0;
	s0 =	simm.s32 @!p1 $0x0  }
0x14: {  	s2 =	sld [smem:$0x3F9A];
	s0 =	simm.s32 @p1 $0x1  }
0x15: {  	[smem:$0x3FB7] =	sst s0;
	s0 =	simm.s32 @!p2 $0x0  }
0x16: {  	s3 =	sld [smem:$0x3FDB];
	s0 =	simm.s32 @p2 $0x1  }
0x17: {  	s4 =	simm.s32 $0x1BF5;
	[smem:$0x3FB9] =	sst s0  }
0x18: {  	s0 =	sld [smem:$0x3F9C];
	_ =	swait.ge [sflag:s4], $0x0  }
0x19: {  	s7 =	sld [smem:$0x3F9D]  }
0x1a: {  	s8 =	sadd.s32 $0xFFFFE003, lr  }
0x1b: {  	s9 =	sadd.s32 $0xFFFFFEF7, lr;
	s5 =	simm.s32 $0xFFFFFFFF;
	p2 =	slt.u32 s8, $0xFFFFF086  }
0x1c: {  	p1 =	slt.u32 s9, $0xF7A;
	s5 =	simm.s32 @!p2 $0x0  }
0x1d: {  	s5 =	simm.s32 @p1 $0x1;
	p0 =	seq.s32 s7, s2  }
0x1e: {  	s7 =	smul.u32 @!p0 $0xF7A, s2;
	p2 =	seq.s32 @!p0 s5, $0x0  }
0x1f: {  	s9 =	smul.u32 $0xF7A, s1;
	s8 =	simm.s32 @!p0 $0x1BF5;
	p2 =	por !p2, p0  }
0x20: {  	[sflag:s8] =	ssyncset.s32 @!p0 $0xFFFFF086;
	s6 =	sadd.s32 @!p0 s3, s7;
	s7 =	simm.s32 @!p0 $0x108  }
0x21: {  	s3 =	sadd.s32 s3, s9;
	s6 =	sadd.s32 @!p0 $0x88, s6;
	s7 =	simm.s32 @p2 $0x1082  }
0x22: {  	[simem:s7], [sflag:s8] =	dma.local @!p0 [hbm:s6], $0xF7A  }
0x23: {  	s9 =	sor.u32 $0xD0000000, s2;
	s6 =	simm.s32 $0x108;
	_ =	swait.ge @!p0 [sflag:s8], $0x0  }
0x24: {  	s3 =	sadd.s32 $0x88, s3;
	s6 =	simm.s32 @!p1 $0x1082;
	[sflag:s4] =	ssyncset.s32 $0xFFFFF086  }
0x25: {  	[simem:s6], [sflag:s4] =	dma.local [hbm:s3], $0xF7A  }
0x26: {  	[smem:$0x3F9D] =	sst s1;
	(tag) =	ssettag s2;
	_ =	strace s9  }
0x27: {  	s1 =	sld [smem:$0x3FAD]  }
0x28: {  	s2 =	sld [smem:$0x3FAE]  }
0x29: {  	s4 =	sld [smem:$0x3FB0]  }
0x2a: {  	p0 =	seq.s32 s5, $0x0;
	s5 =	sld [smem:$0x3FB1]  }
0x2b: {  	s6 =	sld [smem:$0x3FB2]  }
0x2c: {  	s7 =	sld [smem:$0x3FB3]  }
0x2d: {  	s3 =	simm.s32 $0x108;
	s8 =	sld [smem:$0x3FB4]  }
0x2e: {  	s3 =	simm.s32 @!p0 $0x1082;
	s9 =	sld [smem:$0x3FB5]  }
0x2f: {  	lr =	sadd.s32 s0, s3;
	s0 =	sld [smem:$0x3FAC]  }
0x30: {  	s3 =	sld [smem:$0x3FAF]  }
0x31: {  	[smem:$0x3FB8] =	sst s10  }
0x32: {  	s10 =	sld [smem:$0x3FB6];
	_ =	sdelay $0x3  }
0x33: {  	p0 =	seq.s32 s10, $0x1;
	s10 =	sld [smem:$0x3FB8];
	_ =	sdelay $0x3  }
0x34: {  	[smem:$0x3FB8] =	sst s10  }
0x35: {  	s10 =	sld [smem:$0x3FB7];
	_ =	sdelay $0x3  }
0x36: {  	p1 =	seq.s32 s10, $0x1;
	s10 =	sld [smem:$0x3FB8];
	_ =	sdelay $0x3  }
0x37: {  	[smem:$0x3FB8] =	sst s10  }
0x38: {  	s10 =	sld [smem:$0x3FB9]  }
0x39: {  	_ = 	snop;
	(pc) =	sbr.ind lr, $3  }
0x3a: {  	_ = 	snop  }
0x3b: {  	_ = 	snop  }
0x3c: {  	p2 =	seq.s32 s10, $0x1;
	s10 =	sld [smem:$0x3FB8]  }
0x3d: {  	_ =	shalt  }
0x3e: {  	_ =	shalt  }
0x3f: {  	_ =	shalt  }
0x40: {  	_ =	shalt  }
0x41: {  	_ =	shalt  }
0x42: {  	_ =	shalt  }
0x43: {  	_ =	shalt  }
0x44: {  	_ =	shalt  }
0x45: {  	_ =	shalt  }
0x46: {  	_ =	shalt  }
0x47: {  	_ =	shalt  }
0x48: {  	_ =	shalt  }
0x49: {  	_ =	shalt  }
0x4a: {  	_ =	shalt  }
0x4b: {  	_ =	shalt  }
0x4c: {  	_ =	shalt  }
0x4d: {  	_ =	shalt  }
0x4e: {  	_ =	shalt  }
0x4f: {  	_ =	shalt  }
0x50: {  	_ =	shalt  }
0x51: {  	_ =	shalt  }
0x52: {  	_ =	shalt  }
0x53: {  	_ =	shalt  }
0x54: {  	_ =	shalt  }
0x55: {  	_ =	shalt  }
0x56: {  	_ =	shalt  }
0x57: {  	_ =	shalt  }
0x58: {  	_ =	shalt  }
0x59: {  	_ =	shalt  }
0x5a: {  	_ =	shalt  }
0x5b: {  	_ =	shalt  }
0x5c: {  	_ =	shalt  }
0x5d: {  	_ =	shalt  }
0x5e: {  	_ =	shalt  }
0x5f: {  	_ =	shalt  }
0x60: {  	_ =	shalt  }
0x61: {  	_ =	shalt  }
0x62: {  	_ =	shalt  }
0x63: {  	_ =	shalt  }
0x64: {  	_ =	shalt  }
0x65: {  	_ =	shalt  }
0x66: {  	_ =	shalt  }
0x67: {  	_ =	shalt  }
0x68: {  	_ =	shalt  }
0x69: {  	_ =	shalt  }
0x6a: {  	_ =	shalt  }
0x6b: {  	_ =	shalt  }
0x6c: {  	_ =	shalt  }
0x6d: {  	_ =	shalt  }
0x6e: {  	_ =	shalt  }
0x6f: {  	_ =	shalt  }
0x70: {  	_ =	shalt  }
0x71: {  	_ =	shalt  }
0x72: {  	_ =	shalt  }
0x73: {  	_ =	shalt  }
0x74: {  	_ =	shalt  }
0x75: {  	_ =	shalt  }
0x76: {  	_ =	shalt  }
0x77: {  	_ =	shalt  }
0x78: {  	_ =	shalt  }
0x79: {  	_ =	shalt  }
0x7a: {  	_ =	shalt  }
0x7b: {  	_ =	shalt  }
0x7c: {  	_ =	shalt  }
0x7d: {  	_ =	shalt  }
0x7e: {  	_ =	shalt  }
0x7f: {  	_ =	shalt  }
0x80: {  	_ =	shalt  }
0x81: {  	_ =	shalt  }
0x82: {  	_ =	shalt  }
0x83: {  	_ =	shalt  }
0x84: {  	_ =	shalt  }
0x85: {  	_ =	shalt  }
0x86: {  	_ =	shalt  }
0x87: {  	_ =	shalt  }
.Lfunc_end0:
.L_simem_size_0:
called_computation_lowered:
.L_overlay_start_0:
0x88: {  	s2 =	sld [smem:$0x3FD9]  }
0x89: {  	s3 =	sld [smem:$0x3FFE];
	_ =	sdelay $0x1  }
0x8a: {  	s1 =	srdreg.scid  }
0x8b: {  	s0 =	sand.u32 $0x1, s1  }
0x8c: {  	s17 =	sshll.u32 s0, $0xA;
	s2 =	sadd.s32 s3, s2  }
0x8d: {  	s2 =	sadd.s32 s2, s17  }
0x8e: {  	[smem:$0x3FC4] =	sst s2  }
0x8f: {  	_ = 	snop  }
0x90: {  	s2 =	sld [smem:$0x3FD0];
	(tm) =	ssettm $0x1  }
0x91: {  	s18 =	sld [smem:$0x3FFB];
	_ =	sdelay $0x3  }
0x92: {  	_ =	strace s18  }
0x93: {  	s3 =	sld [smem:$0x3FFC];
	_ =	sdelay $0x3  }
0x94: {  	_ =	strace s3  }
0x95: {  	s3 =	sld [smem:$0x3FFD];
	_ =	sdelay $0x3  }
0x96: {  	_ =	strace s3  }
0x97: {  	_ =	strace $0x8FFFFFFF  }
0x98: {  	s19 =	sld [smem:$0x3FDB];
	_ =	sdelay $0x1  }
0x99: {  	s4 =	simm.s32 $_scs_section_size  }
0x9a: {  	s5 =	simm.s32 $_size__tile_overlayer_lowered;
	s6 =	simm.s32 $_tile_overlayer_lowered  }
0x9b: {  	s22 =	simm.s32 $0x1BFF;
	s21 =	sshll.u32 s6, $0x1;
	s3 =	sadd.s32 s4, s19  }
0x9c: {  	s7 =	simm.s32 $0x0;
	s20 =	sshll.u32 s5, $0x1;
	s5 =	sadd.s32 s21, s3  }
0x9d: {  	[timem:s7], [sflag:s22] =	dma.local [hbm:s5], s20  }
0x9e: {  	_ =	swait.ge [sflag:s22], s20  }
0x9f: {  	s4 =	ssub.s32 $0x0, s20;
	[sflag:s22] =	ssyncset.done $0x0  }
0xa0: {  	[sflag:s22] =	ssyncadd.s32 s4;
	_ =	sdelay $0x1  }
0xa1: {  	s23 =	simm.s32 $0x1B8B  }
0xa2: {  	_ =	swait.ge [sflag:s23], $0x1  }
0xa3: {  	[sflag:s23] =	ssyncset.done $0x0  }
0xa4: {  	s25 =	simm.s32 $0x1B8E;
	s24 =	sld [smem:$0x3FFE];
	[sflag:s23] =	ssyncadd.s32 $0xFFFFFFFF  }
0xa5: {  	s26 =	simm.s32 $execute0_lowered;
	[smem:$0x3FD2] =	sst s25  }
0xa6: {  	s5 =	sshll.u32 s26, $0x1;
	_ =	strace $0x80000046;
	[dreg:$0x1] =	wrdreg $0xFFFFFFFF  }
0xa7: {  	s28 =	simm.s32 $_size_execute0_lowered;
	s3 =	sadd.s32 s3, s5;
	[dreg:$0x0] =	wrdreg $0x0  }
0xa8: {  	s5 =	sshll.u32 s28, $0x1;
	[dreg:$0x2] =	wrdreg s3  }
0xa9: {  	[dreg:$0x3] =	wrdreg s5  }
0xaa: {  	[dreg:$0x4] =	wrdreg $0xC0  }
0xab: {  	_ =	task [dreg:s7], $0x5FFFF  }
0xac: {  	[dreg:$0x1] =	wrdreg $0xFFFFFFFF  }
0xad: {  	[dreg:$0x0] =	wrdreg $0x60  }
0xae: {  	[dreg:$0x2] =	wrdreg s24  }
0xaf: {  	[dreg:$0x3] =	wrdreg s2  }
0xb0: {  	[dreg:$0x4] =	wrdreg $0x0  }
0xb1: {  	[dreg:$0x5] =	wrdreg $0x9  }
0xb2: {  	_ =	task.clear_ibuf [dreg:s7], $0x6FFFF;
	_ =	strace $0x90000046  }
0xb3: {  	s29 =	simm.s32 $0x9;
	_ =	strace $0x80000048  }
0xb4: {  	_ =	swait.ge [sflag:s29], $0x1  }
0xb5: {  	[sflag:s29] =	ssyncadd.s32 $0xFFFFFFFF  }
0xb6: {  	_ =	strace $0x90000048  }
0xb7: {  	_ =	sfence  }
0xb8: {  	s30 =	sld [smem:$0x0];
	_ =	sdelay $0x2  }
0xb9: {  	s31 =	sshll.u32 s1, $0xD;
	s1 =	sshrl.u32 s1, $0x2  }
0xba: {  	s3 =	sand.u32 $0x4000, s31;
	s1 =	sadd.s32 s1, s30  }
0xbb: {  	s0 =	sor.u32 s3, s0;
	s1 =	sshll.u32 s1, $0x11  }
0xbc: {  	s0 =	sor.u32 s1, s0  }
0xbd: {  	s0 =	sadd.s32 $0x8F2B, s0  }
0xbe: {  	[sflag:s0] =	ssyncadd.remote.s32 $0x1  }
0xbf: {  	_ =	sfence.sel $0xFFFF  }
0xc0: {  	[dreg:$0x0] =	wrdreg $0xFFFFFFFF;
	(pc) =	sbr.abs _section_cstart, $3  }
0xc1: {  	[dreg:$0x1] =	wrdreg $0xFFFFFFFF  }
0xc2: {  	_ =	task.clear_ibuf [dreg:s7], $0x2FFFF;
	_ =	strace $0x9FFFFFFF  }
0xc3: {  	(tm) =	ssettm $0x7FFFFFFF  }
tec
execute0_lowered:
.L_overlay_start_1:
0x0: {  	(tag) =	ssettag $0x1  }
0x1: {  	s0 =	rddreg [dreg:$0x0]  }
0x2: {  	s3 =	rddreg [dreg:$0x1];
	s2 =	srdreg.scid  }
0x3: {  	s4 =	stileid.u32;
	s1 =	rddreg [dreg:$0x2]  }
0x4: {  	s11 =	simm.s32 $0xA500;
	s28 =	simm.s32 $0xDF80;
	s29 =	simm.s32 $0xE380  }
0x5: {  	s30 =	simm.s32 $0xD800;
	s31 =	simm.s32 $0xDC00;
	s12 =	simm.s32 $0x2  }
0x6: {  	s13 =	simm.s32 $0x3;
	s14 =	simm.s32 $0x4;
	s16 =	simm.s32 $0x0  }
0x7: {  	s5 =	sand.u32 $0x1, s2;
	s6 =	sshll.u32 s4, $0x1;
	s7 =	smul.u32 $0x140000, s4  }
0x8: {  	s2 =	simm.s32 $0x0;
	s8 =	sadd.s32 $0xAC00, s0;
	s9 =	smul.u32 $0xA00000, s4  }
0x9: {  	p0 =	sne.s32 s4, $0x0;
	s4 =	simm.s32 $0xDC80;
	s10 =	smul.u32 $0x500000, s5  }
0xa: {  	s6 =	sor.u32 s5, s6;
	[smem:$0x7FF] =	sst s2;
	s22 =	smul.u32 $0xA0000, s5  }
0xb: {  	s20 =	ssub.s32 $0x2, s5;
	s5 =	simm.s32 $0xE080;
	s6 =	smul.u32 $0x500, s6  }
0xc: {  	_ =	strace $0x80000047;
	[dreg:$0x4] =	wrdreg s8;
	s21 =	sshrl.u32 s20, $0x1  }
0xd: {  	s24 =	sadd.s32 s7, s3;
	s8 =	simm.s32 $0xE480;
	s25 =	sadd.s32 s10, s9  }
0xe: {  	s9 =	simm.s32 $0xE400;
	s10 =	simm.s32 $0x1;
	s0 =	sadd.s32 s6, s0  }
0xf: {  	s6 =	ssub.s32 s20, s21;
	s26 =	sshrl.u32 s25, $0x3;
	s20 =	simm.s32 $0xD700  }
0x10: {  	s21 =	simm.s32 $0xDB00;
	s25 =	simm.s32 $0xD780;
	s0 =	sadd.s32 $0xC00, s0  }
.Ltmp0:
0x11: {  	s23 =	smax.u32 s6, $0x1;
	s7 =	sadd.s32 s26, s3;
	(pc) =	sbr.rel .LBB2_1-.Ltmp0, $4  }
0x12: {  	s26 =	simm.s32 $0xDB80;
	s3 =	simm.s32 $0xD880;
	[dreg:$0x5] =	wrdreg s0  }
0x13: {  	[dreg:$0x6] =	wrdreg s23;
	s0 =	sadd.s32 s22, s24;
	s23 =	simm.s32 $0xC500  }
0x14: {  	s22 =	simm.s32 $0xDF00;
	s6 =	sadd.s32 $0x400, s0;
	s0 =	sshrl.u32 @!p0 s1, $0x3  }
0x15: {  	s24 =	simm.s32 $0xE300;
	[dreg:$0x7] =	wrdreg s0;
	s0 =	simm.s32 $0xE000  }
.LBB2_4:
0x16: {  	_ =	swait.ge [sflag:s14], $0x2000  }
0x17: {  	s16 =	rddreg [dreg:$0x8]  }
0x18: {  	s15 =	rddreg [dreg:$0x6];
	s16 =	sadd.s32 $0x1, s16  }
0x19: {  	p1 =	sne.s32 s16, s15  }
.Ltmp1:
0x1a: {  	_ = 	snop;
	(pc) =	sbr.rel @!p1 .LBB2_5-.Ltmp1, $3  }
0x1b: {  	_ =	sdelay $0x1  }
0x1c: {  	[sflag:s14] =	ssyncset.done $0x0  }
0x1d: {  	[sflag:s14] =	ssyncadd.s32 $0xFFFFE000  }
.LBB2_1:
0x1e: {  	[dreg:$0x8] =	wrdreg s16  }
0x1f: {  	s16 =	rddreg [dreg:$0x4]  }
0x20: {  	s15 =	simm.s32 @!p0 $0x1C05;
	s17 =	rddreg [dreg:$0x7]  }
0x21: {  	[spmem:s17], [sflag:s15] =	dma.local @!p0 [hbm:s16], $0xFA00  }
0x22: {  	s15 =	simm.s32 @!p0 $0x5  }
0x23: {  	_ =	swait.ge @!p0 [sflag:s15], $0xFA00  }
0x24: {  	s19 =	simm.s32 $0x7D00;
	[sflag:s15] =	ssyncset.done @!p0 $0x0  }
0x25: {  	s16 =	simm.s32 $0x5;
	s18 =	rddreg [dreg:$0x5];
	[sflag:s15] =	ssyncadd.s32 @!p0 $0xFFFF0600  }
0x26: {  	[tilespmem:s19], [sflag:$0x5] =	stream.linear.gather [hbm4b:s18+s2], $0x2800, $0x38;
	[tilespmem:$0xE500] =	vst v63  }
0x27: {  	_ =	swait.ge [sflag:s16], $0x2800  }
0x28: {  	[sflag:s16] =	ssyncset.done $0x0  }
0x29: {  	[sflag:s16] =	ssyncadd.s32 $0xFFFFD800  }
0x2a: {  	[bflag:$0x0] =	sbarrier.arrive $0xFFFF  }
0x2b: {  	v0 =	vld [tilespmem:$0x7D00];
	_ =	sdelay $0x4  }
0x2c: {  	(v2sf) =	vpush v0, $0x0;
	_ =	sdelay $0x9  }
0x2d: {  	(v2sf) =	vpush v0, $0x1;
	_ =	sdelay $0x4  }
0x2e: {  	s17 =	spop (v2sf)  }
0x2f: {  	s18 =	sshll.u32 s17, $0x9  }
0x30: {  	s15 =	sshll.u32 s17, $0x7;
	s16 =	sand.u32 $0xFFFFF000, s18  }
0x31: {  	s15 =	sand.u32 $0x380, s15;
	s16 =	sadd.s32 s16, s1  }
0x32: {  	s15 =	sadd.s32 s15, s16  }
0x33: {  	[tilespmem:s11], [sflag:$0x1] =	stream.linear.gather [spmem:s15], $0x80, $0x38;
	[tilespmem:$0xE500] =	vst v63  }
0x34: {  	s19 =	simm.s32 $0xA900;
	(v2sf) =	vpush v0, $0x2;
	s16 =	sadd.s32 $0x400, s15  }
0x35: {  	[tilespmem:s19], [sflag:$0x1] =	stream.linear.gather [spmem:s16], $0x80, $0x38;
	[tilespmem:$0xE500] =	vst v63  }
0x36: {  	s18 =	sadd.s32 $0x800, s15;
	s19 =	simm.s32 $0xAD00  }
0x37: {  	[tilespmem:s19], [sflag:$0x1] =	stream.linear.gather [spmem:s18], $0x80, $0x38;
	[tilespmem:$0xE500] =	vst v63  }
0x38: {  	s18 =	spop (v2sf)  }
0x39: {  	s17 =	simm.s32 $0xB100;
	s15 =	sadd.s32 $0xC00, s15;
	s19 =	sshll.u32 s18, $0x9  }
0x3a: {  	[tilespmem:s17], [sflag:$0x1] =	stream.linear.gather [spmem:s15], $0x80, $0x38;
	[tilespmem:$0xE500] =	vst v63  }
0x3b: {  	s16 =	sand.u32 $0xFFFFF000, s19;
	s15 =	sshll.u32 s18, $0x7  }
0x3c: {  	s15 =	sand.u32 $0x380, s15;
	s16 =	sadd.s32 s16, s1  }
0x3d: {  	s17 =	simm.s32 $0xA580;
	s15 =	sadd.s32 s15, s16  }
0x3e: {  	[tilespmem:s17], [sflag:$0x1] =	stream.linear.gather [spmem:s15], $0x80, $0x38;
	[tilespmem:$0xE500] =	vst v63  }
0x3f: {  	(v2sf) =	vpush v0, $0x3;
	s19 =	simm.s32 $0xA980;
	s18 =	sadd.s32 $0x400, s15  }
0x40: {  	[tilespmem:s19], [sflag:$0x1] =	stream.linear.gather [spmem:s18], $0x80, $0x38;
	[tilespmem:$0xE500] =	vst v63  }
0x41: {  	s18 =	sadd.s32 $0x800, s15;
	s19 =	simm.s32 $0xAD80  }
0x42: {  	[tilespmem:s19], [sflag:$0x1] =	stream.linear.gather [spmem:s18], $0x80, $0x38;
	[tilespmem:$0xE500] =	vst v63  }
0x43: {  	s18 =	spop (v2sf)  }
0x44: {  	s17 =	simm.s32 $0xB180;
	s15 =	sadd.s32 $0xC00, s15;
	s19 =	sshll.u32 s18, $0x9  }
0x45: {  	[tilespmem:s17], [sflag:$0x1] =	stream.linear.gather [spmem:s15], $0x80, $0x38;
	[tilespmem:$0xE500] =	vst v63  }
0x46: {  	s16 =	sand.u32 $0xFFFFF000, s19;
	s15 =	sshll.u32 s18, $0x7  }
0x47: {  	s15 =	sand.u32 $0x380, s15;
	s16 =	sadd.s32 s16, s1  }
0x48: {  	s17 =	simm.s32 $0xA600;
	s15 =	sadd.s32 s15, s16  }
0x49: {  	[tilespmem:s17], [sflag:$0x1] =	stream.linear.gather [spmem:s15], $0x80, $0x38;
	[tilespmem:$0xE500] =	vst v63  }
0x4a: {  	(v2sf) =	vpush v0, $0x4;
	s19 =	simm.s32 $0xAA00;
	s18 =	sadd.s32 $0x400, s15  }
0x4b: {  	[tilespmem:s19], [sflag:$0x1] =	stream.linear.gather [spmem:s18], $0x80, $0x38;
	[tilespmem:$0xE500] =	vst v63  }
0x4c: {  	s18 =	sadd.s32 $0x800, s15;
	s19 =	simm.s32 $0xAE00  }
0x4d: {  	[tilespmem:s19], [sflag:$0x1] =	stream.linear.gather [spmem:s18], $0x80, $0x38;
	[tilespmem:$0xE500] =	vst v63  }
0x4e: {  	s18 =	spop (v2sf)  }
0x4f: {  	s17 =	simm.s32 $0xB200;
	s15 =	sadd.s32 $0xC00, s15;
	s19 =	sshll.u32 s18, $0x9  }
0x50: {  	[tilespmem:s17], [sflag:$0x1] =	stream.linear.gather [spmem:s15], $0x80, $0x38;
	[tilespmem:$0xE500] =	vst v63  }
0x51: {  	s16 =	sand.u32 $0xFFFFF000, s19;
	s15 =	sshll.u32 s18, $0x7  }
0x52: {  	s15 =	sand.u32 $0x380, s15;
	s16 =	sadd.s32 s16, s1  }
0x53: {  	s17 =	simm.s32 $0xA680;
	s15 =	sadd.s32 s15, s16  }
0x54: {  	[tilespmem:s17], [sflag:$0x1] =	stream.linear.gather [spmem:s15], $0x80, $0x38;
	[tilespmem:$0xE500] =	vst v63  }
0x55: {  	(v2sf) =	vpush v0, $0x5;
	s19 =	simm.s32 $0xAA80;
	s18 =	sadd.s32 $0x400, s15  }
0x56: {  	[tilespmem:s19], [sflag:$0x1] =	stream.linear.gather [spmem:s18], $0x80, $0x38;
	[tilespmem:$0xE500] =	vst v63  }
0x57: {  	s18 =	sadd.s32 $0x800, s15;
	s19 =	simm.s32 $0xAE80  }
0x58: {  	[tilespmem:s19], [sflag:$0x1] =	stream.linear.gather [spmem:s18], $0x80, $0x38;
	[tilespmem:$0xE500] =	vst v63  }
0x59: {  	s18 =	spop (v2sf)  }
0x5a: {  	s17 =	simm.s32 $0xB280;
	s15 =	sadd.s32 $0xC00, s15;
	s19 =	sshll.u32 s18, $0x9  }
0x5b: {  	[tilespmem:s17], [sflag:$0x1] =	stream.linear.gather [spmem:s15], $0x80, $0x38;
	[tilespmem:$0xE500] =	vst v63  }
0x5c: {  	s16 =	sand.u32 $0xFFFFF000, s19;
	s15 =	sshll.u32 s18, $0x7  }
0x5d: {  	s15 =	sand.u32 $0x380, s15;
	s16 =	sadd.s32 s16, s1  }
0x5e: {  	s17 =	simm.s32 $0xA700;
	s15 =	sadd.s32 s15, s16  }
0x5f: {  	[tilespmem:s17], [sflag:$0x1] =	stream.linear.gather [spmem:s15], $0x80, $0x38;
	[tilespmem:$0xE500] =	vst v63  }
0x60: {  	(v2sf) =	vpush v0, $0x6;
	s19 =	simm.s32 $0xAB00;
	s18 =	sadd.s32 $0x400, s15  }
0x61: {  	[tilespmem:s19], [sflag:$0x1] =	stream.linear.gather [spmem:s18], $0x80, $0x38;
	[tilespmem:$0xE500] =	vst v63  }
0x62: {  	s18 =	sadd.s32 $0x800, s15;
	s19 =	simm.s32 $0xAF00  }
0x63: {  	[tilespmem:s19], [sflag:$0x1] =	stream.linear.gather [spmem:s18], $0x80, $0x38;
	[tilespmem:$0xE500] =	vst v63  }
0x64: {  	s18 =	spop (v2sf)  }
0x65: {  	s17 =	simm.s32 $0xB300;
	s15 =	sadd.s32 $0xC00, s15;
	s19 =	sshll.u32 s18, $0x9  }
0x66: {  	[tilespmem:s17], [sflag:$0x1] =	stream.linear.gather [spmem:s15], $0x80, $0x38;
	[tilespmem:$0xE500] =	vst v63  }
0x67: {  	s16 =	sand.u32 $0xFFFFF000, s19;
	s15 =	sshll.u32 s18, $0x7  }
0x68: {  	s15 =	sand.u32 $0x380, s15;
	s16 =	sadd.s32 s16, s1  }
0x69: {  	s17 =	simm.s32 $0xA780;
	s15 =	sadd.s32 s15, s16  }
0x6a: {  	[tilespmem:s17], [sflag:$0x1] =	stream.linear.gather [spmem:s15], $0x80, $0x38;
	[tilespmem:$0xE500] =	vst v63  }
0x6b: {  	(v2sf) =	vpush v0, $0x7;
	s19 =	simm.s32 $0xAB80;
	s18 =	sadd.s32 $0x400, s15  }
0x6c: {  	[tilespmem:s19], [sflag:$0x1] =	stream.linear.gather [spmem:s18], $0x80, $0x38;
	[tilespmem:$0xE500] =	vst v63  }
0x6d: {  	s18 =	sadd.s32 $0x800, s15;
	s19 =	simm.s32 $0xAF80  }
0x6e: {  	[tilespmem:s19], [sflag:$0x1] =	stream.linear.gather [spmem:s18], $0x80, $0x38;
	[tilespmem:$0xE500] =	vst v63  }
0x6f: {  	s18 =	spop (v2sf)  }
0x70: {  	s17 =	simm.s32 $0xB380;
	s15 =	sadd.s32 $0xC00, s15;
	s19 =	sshll.u32 s18, $0x9  }
0x71: {  	[tilespmem:s17], [sflag:$0x1] =	stream.linear.gather [spmem:s15], $0x80, $0x38;
	[tilespmem:$0xE500] =	vst v63  }
0x72: {  	s16 =	sand.u32 $0xFFFFF000, s19;
	s15 =	sshll.u32 s18, $0x7  }
0x73: {  	s15 =	sand.u32 $0x380, s15;
	s16 =	sadd.s32 s16, s1  }
0x74: {  	s17 =	simm.s32 $0xA800;
	s15 =	sadd.s32 s15, s16  }
0x75: {  	[tilespmem:s17], [sflag:$0x1] =	stream.linear.gather [spmem:s15], $0x80, $0x38;
	[tilespmem:$0xE500] =	vst v63  }
0x76: {  	(v2sf) =	vpush v0, $0x8;
	s19 =	simm.s32 $0xAC00;
	s18 =	sadd.s32 $0x400, s15  }
0x77: {  	[tilespmem:s19], [sflag:$0x1] =	stream.linear.gather [spmem:s18], $0x80, $0x38;
	[tilespmem:$0xE500] =	vst v63  }
0x78: {  	s18 =	sadd.s32 $0x800, s15;
	s19 =	simm.s32 $0xB000  }
0x79: {  	[tilespmem:s19], [sflag:$0x1] =	stream.linear.gather [spmem:s18], $0x80, $0x38;
	[tilespmem:$0xE500] =	vst v63  }
0x7a: {  	s18 =	spop (v2sf)  }
0x7b: {  	s17 =	simm.s32 $0xB400;
	s15 =	sadd.s32 $0xC00, s15;
	s19 =	sshll.u32 s18, $0x9  }
0x7c: {  	[tilespmem:s17], [sflag:$0x1] =	stream.linear.gather [spmem:s15], $0x80, $0x38;
	[tilespmem:$0xE500] =	vst v63  }
0x7d: {  	s16 =	sand.u32 $0xFFFFF000, s19;
	s15 =	sshll.u32 s18, $0x7  }
0x7e: {  	s15 =	sand.u32 $0x380, s15;
	s16 =	sadd.s32 s16, s1  }
0x7f: {  	s17 =	simm.s32 $0xA880;
	s15 =	sadd.s32 s15, s16  }
0x80: {  	[tilespmem:s17], [sflag:$0x1] =	stream.linear.gather [spmem:s15], $0x80, $0x38;
	[tilespmem:$0xE500] =	vst v63  }
0x81: {  	(v2sf) =	vpush v0, $0x9;
	s19 =	simm.s32 $0xAC80;
	s18 =	sadd.s32 $0x400, s15  }
0x82: {  	[tilespmem:s19], [sflag:$0x1] =	stream.linear.gather [spmem:s18], $0x80, $0x38;
	[tilespmem:$0xE500] =	vst v63  }
0x83: {  	s18 =	sadd.s32 $0x800, s15;
	s19 =	simm.s32 $0xB080  }
0x84: {  	[tilespmem:s19], [sflag:$0x1] =	stream.linear.gather [spmem:s18], $0x80, $0x38;
	[tilespmem:$0xE500] =	vst v63  }
0x85: {  	s18 =	spop (v2sf)  }
0x86: {  	s17 =	simm.s32 $0xB480;
	s15 =	sadd.s32 $0xC00, s15;
	s19 =	sshll.u32 s18, $0x9  }
0x87: {  	[tilespmem:s17], [sflag:$0x1] =	stream.linear.gather [spmem:s15], $0x80, $0x38;
	[tilespmem:$0xE500] =	vst v63  }
0x88: {  	s16 =	sand.u32 $0xFFFFF000, s19;
	s15 =	sshll.u32 s18, $0x7  }
0x89: {  	s15 =	sand.u32 $0x380, s15;
	s16 =	sadd.s32 s16, s1  }
0x8a: {  	s17 =	simm.s32 $0xB500;
	s15 =	sadd.s32 s15, s16  }
0x8b: {  	[tilespmem:s17], [sflag:$0x1] =	stream.linear.gather [spmem:s15], $0x80, $0x38;
	[tilespmem:$0xE500] =	vst v63  }
0x8c: {  	(v2sf) =	vpush v0, $0xA;
	s19 =	simm.s32 $0xB900;
	s18 =	sadd.s32 $0x400, s15  }
0x8d: {  	[tilespmem:s19], [sflag:$0x1] =	stream.linear.gather [spmem:s18], $0x80, $0x38;
	[tilespmem:$0xE500] =	vst v63  }
0x8e: {  	s18 =	sadd.s32 $0x800, s15;
	s19 =	simm.s32 $0xBD00  }
0x8f: {  	[tilespmem:s19], [sflag:$0x1] =	stream.linear.gather [spmem:s18], $0x80, $0x38;
	[tilespmem:$0xE500] =	vst v63  }
0x90: {  	s18 =	spop (v2sf)  }
0x91: {  	s17 =	simm.s32 $0xC100;
	s15 =	sadd.s32 $0xC00, s15;
	s19 =	sshll.u32 s18, $0x9  }
0x92: {  	[tilespmem:s17], [sflag:$0x1] =	stream.linear.gather [spmem:s15], $0x80, $0x38;
	[tilespmem:$0xE500] =	vst v63  }
0x93: {  	s16 =	sand.u32 $0xFFFFF000, s19;
	s15 =	sshll.u32 s18, $0x7  }
0x94: {  	s15 =	sand.u32 $0x380, s15;
	s16 =	sadd.s32 s16, s1  }
0x95: {  	s17 =	simm.s32 $0xB580;
	s15 =	sadd.s32 s15, s16  }
0x96: {  	[tilespmem:s17], [sflag:$0x1] =	stream.linear.gather [spmem:s15], $0x80, $0x38;
	[tilespmem:$0xE500] =	vst v63  }
0x97: {  	(v2sf) =	vpush v0, $0xB;
	s19 =	simm.s32 $0xB980;
	s18 =	sadd.s32 $0x400, s15  }
0x98: {  	[tilespmem:s19], [sflag:$0x1] =	stream.linear.gather [spmem:s18], $0x80, $0x38;
	[tilespmem:$0xE500] =	vst v63  }
0x99: {  	s18 =	sadd.s32 $0x800, s15;
	s19 =	simm.s32 $0xBD80  }
0x9a: {  	[tilespmem:s19], [sflag:$0x1] =	stream.linear.gather [spmem:s18], $0x80, $0x38;
	[tilespmem:$0xE500] =	vst v63  }
0x9b: {  	s18 =	spop (v2sf)  }
0x9c: {  	s17 =	simm.s32 $0xC180;
	s15 =	sadd.s32 $0xC00, s15;
	s19 =	sshll.u32 s18, $0x9  }
0x9d: {  	[tilespmem:s17], [sflag:$0x1] =	stream.linear.gather [spmem:s15], $0x80, $0x38;
	[tilespmem:$0xE500] =	vst v63  }
0x9e: {  	s16 =	sand.u32 $0xFFFFF000, s19;
	s15 =	sshll.u32 s18, $0x7  }
0x9f: {  	s15 =	sand.u32 $0x380, s15;
	s16 =	sadd.s32 s16, s1  }
0xa0: {  	s17 =	simm.s32 $0xB600;
	s15 =	sadd.s32 s15, s16  }
0xa1: {  	[tilespmem:s17], [sflag:$0x1] =	stream.linear.gather [spmem:s15], $0x80, $0x38;
	[tilespmem:$0xE500] =	vst v63  }
0xa2: {  	(v2sf) =	vpush v0, $0xC;
	s19 =	simm.s32 $0xBA00;
	s18 =	sadd.s32 $0x400, s15  }
0xa3: {  	[tilespmem:s19], [sflag:$0x1] =	stream.linear.gather [spmem:s18], $0x80, $0x38;
	[tilespmem:$0xE500] =	vst v63  }
0xa4: {  	s18 =	sadd.s32 $0x800, s15;
	s19 =	simm.s32 $0xBE00  }
0xa5: {  	[tilespmem:s19], [sflag:$0x1] =	stream.linear.gather [spmem:s18], $0x80, $0x38;
	[tilespmem:$0xE500] =	vst v63  }
0xa6: {  	s18 =	spop (v2sf)  }
0xa7: {  	s17 =	simm.s32 $0xC200;
	s15 =	sadd.s32 $0xC00, s15;
	s19 =	sshll.u32 s18, $0x9  }
0xa8: {  	[tilespmem:s17], [sflag:$0x1] =	stream.linear.gather [spmem:s15], $0x80, $0x38;
	[tilespmem:$0xE500] =	vst v63  }
0xa9: {  	s16 =	sand.u32 $0xFFFFF000, s19;
	s15 =	sshll.u32 s18, $0x7  }
0xaa: {  	s15 =	sand.u32 $0x380, s15;
	s16 =	sadd.s32 s16, s1  }
0xab: {  	s17 =	simm.s32 $0xB680;
	s15 =	sadd.s32 s15, s16  }
0xac: {  	[tilespmem:s17], [sflag:$0x1] =	stream.linear.gather [spmem:s15], $0x80, $0x38;
	[tilespmem:$0xE500] =	vst v63  }
0xad: {  	(v2sf) =	vpush v0, $0xD;
	s19 =	simm.s32 $0xBA80;
	s18 =	sadd.s32 $0x400, s15  }
0xae: {  	[tilespmem:s19], [sflag:$0x1] =	stream.linear.gather [spmem:s18], $0x80, $0x38;
	[tilespmem:$0xE500] =	vst v63  }
0xaf: {  	s18 =	sadd.s32 $0x800, s15;
	s19 =	simm.s32 $0xBE80  }
0xb0: {  	[tilespmem:s19], [sflag:$0x1] =	stream.linear.gather [spmem:s18], $0x80, $0x38;
	[tilespmem:$0xE500] =	vst v63  }
0xb1: {  	s18 =	spop (v2sf)  }
0xb2: {  	s17 =	simm.s32 $0xC280;
	s15 =	sadd.s32 $0xC00, s15;
	s19 =	sshll.u32 s18, $0x9  }
0xb3: {  	[tilespmem:s17], [sflag:$0x1] =	stream.linear.gather [spmem:s15], $0x80, $0x38;
	[tilespmem:$0xE500] =	vst v63  }
0xb4: {  	s16 =	sand.u32 $0xFFFFF000, s19;
	s15 =	sshll.u32 s18, $0x7  }
0xb5: {  	s15 =	sand.u32 $0x380, s15;
	s16 =	sadd.s32 s16, s1  }
0xb6: {  	s17 =	simm.s32 $0xB700;
	s15 =	sadd.s32 s15, s16  }
0xb7: {  	[tilespmem:s17], [sflag:$0x1] =	stream.linear.gather [spmem:s15], $0x80, $0x38;
	[tilespmem:$0xE500] =	vst v63  }
0xb8: {  	(v2sf) =	vpush v0, $0xE;
	s19 =	simm.s32 $0xBB00;
	s18 =	sadd.s32 $0x400, s15  }
0xb9: {  	[tilespmem:s19], [sflag:$0x1] =	stream.linear.gather [spmem:s18], $0x80, $0x38;
	[tilespmem:$0xE500] =	vst v63  }
0xba: {  	s18 =	sadd.s32 $0x800, s15;
	s19 =	simm.s32 $0xBF00  }
0xbb: {  	[tilespmem:s19], [sflag:$0x1] =	stream.linear.gather [spmem:s18], $0x80, $0x38;
	[tilespmem:$0xE500] =	vst v63  }
0xbc: {  	s18 =	spop (v2sf)  }
0xbd: {  	s17 =	simm.s32 $0xC300;
	s15 =	sadd.s32 $0xC00, s15;
	s19 =	sshll.u32 s18, $0x9  }
0xbe: {  	[tilespmem:s17], [sflag:$0x1] =	stream.linear.gather [spmem:s15], $0x80, $0x38;
	[tilespmem:$0xE500] =	vst v63  }
0xbf: {  	s16 =	sand.u32 $0xFFFFF000, s19;
	s15 =	sshll.u32 s18, $0x7  }
0xc0: {  	s15 =	sand.u32 $0x380, s15;
	s16 =	sadd.s32 s16, s1  }
0xc1: {  	s17 =	simm.s32 $0xB780;
	s15 =	sadd.s32 s15, s16  }
0xc2: {  	[tilespmem:s17], [sflag:$0x1] =	stream.linear.gather [spmem:s15], $0x80, $0x38;
	[tilespmem:$0xE500] =	vst v63  }
0xc3: {  	(v2sf) =	vpush v0, $0xF;
	s19 =	simm.s32 $0xBB80;
	s18 =	sadd.s32 $0x400, s15  }
0xc4: {  	[tilespmem:s19], [sflag:$0x1] =	stream.linear.gather [spmem:s18], $0x80, $0x38;
	[tilespmem:$0xE500] =	vst v63  }
0xc5: {  	s18 =	sadd.s32 $0x800, s15;
	s19 =	simm.s32 $0xBF80  }
0xc6: {  	[tilespmem:s19], [sflag:$0x1] =	stream.linear.gather [spmem:s18], $0x80, $0x38;
	[tilespmem:$0xE500] =	vst v63  }
0xc7: {  	s18 =	spop (v2sf)  }
0xc8: {  	s17 =	simm.s32 $0xC380;
	s15 =	sadd.s32 $0xC00, s15;
	s19 =	sshll.u32 s18, $0x9  }
0xc9: {  	[tilespmem:s17], [sflag:$0x1] =	stream.linear.gather [spmem:s15], $0x80, $0x38;
	[tilespmem:$0xE500] =	vst v63  }
0xca: {  	s16 =	sand.u32 $0xFFFFF000, s19;
	s15 =	sshll.u32 s18, $0x7  }
0xcb: {  	s15 =	sand.u32 $0x380, s15;
	s16 =	sadd.s32 s16, s1  }
0xcc: {  	s17 =	simm.s32 $0xB800;
	s15 =	sadd.s32 s15, s16  }
0xcd: {  	[tilespmem:s17], [sflag:$0x1] =	stream.linear.gather [spmem:s15], $0x80, $0x38;
	[tilespmem:$0xE500] =	vst v63  }
0xce: {  	s19 =	simm.s32 $0xBC00;
	s18 =	sadd.s32 $0x400, s15  }
0xcf: {  	[tilespmem:s19], [sflag:$0x1] =	stream.linear.gather [spmem:s18], $0x80, $0x38;
	[tilespmem:$0xE500] =	vst v63  }
0xd0: {  	s18 =	sadd.s32 $0x800, s15;
	s19 =	simm.s32 $0xC000  }
0xd1: {  	[tilespmem:s19], [sflag:$0x1] =	stream.linear.gather [spmem:s18], $0x80, $0x38;
	[tilespmem:$0xE500] =	vst v63  }
0xd2: {  	s18 =	spop (v2sf)  }
0xd3: {  	s17 =	simm.s32 $0xC400;
	s15 =	sadd.s32 $0xC00, s15;
	s19 =	sshll.u32 s18, $0x9  }
0xd4: {  	[tilespmem:s17], [sflag:$0x1] =	stream.linear.gather [spmem:s15], $0x80, $0x38;
	[tilespmem:$0xE500] =	vst v63  }
0xd5: {  	s16 =	sand.u32 $0xFFFFF000, s19;
	s15 =	sshll.u32 s18, $0x7  }
0xd6: {  	s15 =	sand.u32 $0x380, s15;
	s16 =	sadd.s32 s16, s1  }
0xd7: {  	s17 =	simm.s32 $0xB880;
	s15 =	sadd.s32 s15, s16  }
0xd8: {  	[tilespmem:s17], [sflag:$0x1] =	stream.linear.gather [spmem:s15], $0x80, $0x38;
	[tilespmem:$0xE500] =	vst v63  }
0xd9: {  	s19 =	simm.s32 $0xBC80;
	s18 =	sadd.s32 $0x400, s15  }
0xda: {  	[tilespmem:s19], [sflag:$0x1] =	stream.linear.gather [spmem:s18], $0x80, $0x38;
	[tilespmem:$0xE500] =	vst v63  }
0xdb: {  	s17 =	sadd.s32 $0x800, s15;
	s18 =	simm.s32 $0xC080  }
0xdc: {  	[tilespmem:s18], [sflag:$0x1] =	stream.linear.gather [spmem:s17], $0x80, $0x38;
	[tilespmem:$0xE500] =	vst v63  }
0xdd: {  	s15 =	sadd.s32 $0xC00, s15;
	s19 =	simm.s32 $0xC480  }
0xde: {  	[tilespmem:s19], [sflag:$0x1] =	stream.linear.gather [spmem:s15], $0x80, $0x38;
	[tilespmem:$0xE500] =	vst v63  }
0xdf: {  	v63 =	vld [tilespmem:$0x7D10];
	_ =	sdelay $0x4  }
0xe0: {  	(v2sf) =	vpush v63, $0x0;
	_ =	sdelay $0x9  }
0xe1: {  	(v2sf) =	vpush v63, $0x1;
	_ =	sdelay $0x4  }
0xe2: {  	s17 =	spop (v2sf)  }
0xe3: {  	s18 =	sshll.u32 s17, $0x9  }
0xe4: {  	s15 =	sshll.u32 s17, $0x7;
	s16 =	sand.u32 $0xFFFFF000, s18  }
0xe5: {  	s15 =	sand.u32 $0x380, s15;
	s16 =	sadd.s32 s16, s1  }
0xe6: {  	s15 =	sadd.s32 s15, s16  }
0xe7: {  	[tilespmem:s23], [sflag:$0x2] =	stream.linear.gather [spmem:s15], $0x80, $0x38;
	[tilespmem:$0xE500] =	vst v63  }
0xe8: {  	s19 =	simm.s32 $0xC900;
	(v2sf) =	vpush v63, $0x2;
	s16 =	sadd.s32 $0x400, s15  }
0xe9: {  	[tilespmem:s19], [sflag:$0x2] =	stream.linear.gather [spmem:s16], $0x80, $0x38;
	[tilespmem:$0xE500] =	vst v63  }
0xea: {  	s18 =	sadd.s32 $0x800, s15;
	s19 =	simm.s32 $0xCD00  }
0xeb: {  	[tilespmem:s19], [sflag:$0x2] =	stream.linear.gather [spmem:s18], $0x80, $0x38;
	[tilespmem:$0xE500] =	vst v63  }
0xec: {  	s18 =	spop (v2sf)  }
0xed: {  	s17 =	simm.s32 $0xD100;
	s15 =	sadd.s32 $0xC00, s15;
	s19 =	sshll.u32 s18, $0x9  }
0xee: {  	[tilespmem:s17], [sflag:$0x2] =	stream.linear.gather [spmem:s15], $0x80, $0x38;
	[tilespmem:$0xE500] =	vst v63  }
0xef: {  	s16 =	sand.u32 $0xFFFFF000, s19;
	s15 =	sshll.u32 s18, $0x7  }
0xf0: {  	s15 =	sand.u32 $0x380, s15;
	s16 =	sadd.s32 s16, s1  }
0xf1: {  	s17 =	simm.s32 $0xC580;
	s15 =	sadd.s32 s15, s16  }
0xf2: {  	[tilespmem:s17], [sflag:$0x2] =	stream.linear.gather [spmem:s15], $0x80, $0x38;
	[tilespmem:$0xE500] =	vst v63  }
0xf3: {  	(v2sf) =	vpush v63, $0x3;
	s19 =	simm.s32 $0xC980;
	s18 =	sadd.s32 $0x400, s15  }
0xf4: {  	[tilespmem:s19], [sflag:$0x2] =	stream.linear.gather [spmem:s18], $0x80, $0x38;
	[tilespmem:$0xE500] =	vst v63  }
0xf5: {  	s18 =	sadd.s32 $0x800, s15;
	s19 =	simm.s32 $0xCD80  }
0xf6: {  	[tilespmem:s19], [sflag:$0x2] =	stream.linear.gather [spmem:s18], $0x80, $0x38;
	[tilespmem:$0xE500] =	vst v63  }
0xf7: {  	s18 =	spop (v2sf)  }
0xf8: {  	s17 =	simm.s32 $0xD180;
	s15 =	sadd.s32 $0xC00, s15;
	s19 =	sshll.u32 s18, $0x9  }
0xf9: {  	[tilespmem:s17], [sflag:$0x2] =	stream.linear.gather [spmem:s15], $0x80, $0x38;
	[tilespmem:$0xE500] =	vst v63  }
0xfa: {  	s16 =	sand.u32 $0xFFFFF000, s19;
	s15 =	sshll.u32 s18, $0x7  }
0xfb: {  	s15 =	sand.u32 $0x380, s15;
	s16 =	sadd.s32 s16, s1  }
0xfc: {  	s17 =	simm.s32 $0xC600;
	s15 =	sadd.s32 s15, s16  }
0xfd: {  	[tilespmem:s17], [sflag:$0x2] =	stream.linear.gather [spmem:s15], $0x80, $0x38;
	[tilespmem:$0xE500] =	vst v63  }
0xfe: {  	(v2sf) =	vpush v63, $0x4;
	s19 =	simm.s32 $0xCA00;
	s18 =	sadd.s32 $0x400, s15  }
0xff: {  	[tilespmem:s19], [sflag:$0x2] =	stream.linear.gather [spmem:s18], $0x80, $0x38;
	[tilespmem:$0xE500] =	vst v63  }
0x100: {  	s18 =	sadd.s32 $0x800, s15;
	s19 =	simm.s32 $0xCE00  }
0x101: {  	[tilespmem:s19], [sflag:$0x2] =	stream.linear.gather [spmem:s18], $0x80, $0x38;
	[tilespmem:$0xE500] =	vst v63  }
0x102: {  	s18 =	spop (v2sf)  }
0x103: {  	s17 =	simm.s32 $0xD200;
	s15 =	sadd.s32 $0xC00, s15;
	s19 =	sshll.u32 s18, $0x9  }
0x104: {  	[tilespmem:s17], [sflag:$0x2] =	stream.linear.gather [spmem:s15], $0x80, $0x38;
	[tilespmem:$0xE500] =	vst v63  }
0x105: {  	s16 =	sand.u32 $0xFFFFF000, s19;
	s15 =	sshll.u32 s18, $0x7  }
0x106: {  	s15 =	sand.u32 $0x380, s15;
	s16 =	sadd.s32 s16, s1  }
0x107: {  	s17 =	simm.s32 $0xC680;
	s15 =	sadd.s32 s15, s16  }
0x108: {  	[tilespmem:s17], [sflag:$0x2] =	stream.linear.gather [spmem:s15], $0x80, $0x38;
	[tilespmem:$0xE500] =	vst v63  }
0x109: {  	(v2sf) =	vpush v63, $0x5;
	s19 =	simm.s32 $0xCA80;
	s18 =	sadd.s32 $0x400, s15  }
0x10a: {  	[tilespmem:s19], [sflag:$0x2] =	stream.linear.gather [spmem:s18], $0x80, $0x38;
	[tilespmem:$0xE500] =	vst v63  }
0x10b: {  	s18 =	sadd.s32 $0x800, s15;
	s19 =	simm.s32 $0xCE80  }
0x10c: {  	[tilespmem:s19], [sflag:$0x2] =	stream.linear.gather [spmem:s18], $0x80, $0x38;
	[tilespmem:$0xE500] =	vst v63  }
0x10d: {  	s18 =	spop (v2sf)  }
0x10e: {  	s17 =	simm.s32 $0xD280;
	s15 =	sadd.s32 $0xC00, s15;
	s19 =	sshll.u32 s18, $0x9  }
0x10f: {  	[tilespmem:s17], [sflag:$0x2] =	stream.linear.gather [spmem:s15], $0x80, $0x38;
	[tilespmem:$0xE500] =	vst v63  }
0x110: {  	s16 =	sand.u32 $0xFFFFF000, s19;
	s15 =	sshll.u32 s18, $0x7  }
0x111: {  	s15 =	sand.u32 $0x380, s15;
	s16 =	sadd.s32 s16, s1  }
0x112: {  	s17 =	simm.s32 $0xC700;
	s15 =	sadd.s32 s15, s16  }
0x113: {  	[tilespmem:s17], [sflag:$0x2] =	stream.linear.gather [spmem:s15], $0x80, $0x38;
	[tilespmem:$0xE500] =	vst v63  }
0x114: {  	(v2sf) =	vpush v63, $0x6;
	s19 =	simm.s32 $0xCB00;
	s18 =	sadd.s32 $0x400, s15  }
0x115: {  	[tilespmem:s19], [sflag:$0x2] =	stream.linear.gather [spmem:s18], $0x80, $0x38;
	[tilespmem:$0xE500] =	vst v63  }
0x116: {  	s18 =	sadd.s32 $0x800, s15;
	s19 =	simm.s32 $0xCF00  }
0x117: {  	[tilespmem:s19], [sflag:$0x2] =	stream.linear.gather [spmem:s18], $0x80, $0x38;
	[tilespmem:$0xE500] =	vst v63  }
0x118: {  	s18 =	spop (v2sf)  }
0x119: {  	s17 =	simm.s32 $0xD300;
	s15 =	sadd.s32 $0xC00, s15;
	s19 =	sshll.u32 s18, $0x9  }
0x11a: {  	[tilespmem:s17], [sflag:$0x2] =	stream.linear.gather [spmem:s15], $0x80, $0x38;
	[tilespmem:$0xE500] =	vst v63  }
0x11b: {  	s16 =	sand.u32 $0xFFFFF000, s19;
	s15 =	sshll.u32 s18, $0x7  }
0x11c: {  	s15 =	sand.u32 $0x380, s15;
	s16 =	sadd.s32 s16, s1  }
0x11d: {  	s17 =	simm.s32 $0xC780;
	s15 =	sadd.s32 s15, s16  }
0x11e: {  	[tilespmem:s17], [sflag:$0x2] =	stream.linear.gather [spmem:s15], $0x80, $0x38;
	[tilespmem:$0xE500] =	vst v63  }
0x11f: {  	(v2sf) =	vpush v63, $0x7;
	s19 =	simm.s32 $0xCB80;
	s18 =	sadd.s32 $0x400, s15  }
0x120: {  	[tilespmem:s19], [sflag:$0x2] =	stream.linear.gather [spmem:s18], $0x80, $0x38;
	[tilespmem:$0xE500] =	vst v63  }
0x121: {  	s18 =	sadd.s32 $0x800, s15;
	s19 =	simm.s32 $0xCF80  }
0x122: {  	[tilespmem:s19], [sflag:$0x2] =	stream.linear.gather [spmem:s18], $0x80, $0x38;
	[tilespmem:$0xE500] =	vst v63  }
0x123: {  	s18 =	spop (v2sf)  }
0x124: {  	s17 =	simm.s32 $0xD380;
	s15 =	sadd.s32 $0xC00, s15;
	s19 =	sshll.u32 s18, $0x9  }
0x125: {  	[tilespmem:s17], [sflag:$0x2] =	stream.linear.gather [spmem:s15], $0x80, $0x38;
	[tilespmem:$0xE500] =	vst v63  }
0x126: {  	s16 =	sand.u32 $0xFFFFF000, s19;
	s15 =	sshll.u32 s18, $0x7  }
0x127: {  	s15 =	sand.u32 $0x380, s15;
	s16 =	sadd.s32 s16, s1  }
0x128: {  	s17 =	simm.s32 $0xC800;
	s15 =	sadd.s32 s15, s16  }
0x129: {  	[tilespmem:s17], [sflag:$0x2] =	stream.linear.gather [spmem:s15], $0x80, $0x38;
	[tilespmem:$0xE500] =	vst v63  }
0x12a: {  	(v2sf) =	vpush v63, $0x8;
	s19 =	simm.s32 $0xCC00;
	s18 =	sadd.s32 $0x400, s15  }
0x12b: {  	[tilespmem:s19], [sflag:$0x2] =	stream.linear.gather [spmem:s18], $0x80, $0x38;
	[tilespmem:$0xE500] =	vst v63  }
0x12c: {  	s18 =	sadd.s32 $0x800, s15;
	s19 =	simm.s32 $0xD000  }
0x12d: {  	[tilespmem:s19], [sflag:$0x2] =	stream.linear.gather [spmem:s18], $0x80, $0x38;
	[tilespmem:$0xE500] =	vst v63  }
0x12e: {  	s18 =	spop (v2sf)  }
0x12f: {  	s17 =	simm.s32 $0xD400;
	s15 =	sadd.s32 $0xC00, s15;
	s19 =	sshll.u32 s18, $0x9  }
0x130: {  	[tilespmem:s17], [sflag:$0x2] =	stream.linear.gather [spmem:s15], $0x80, $0x38;
	[tilespmem:$0xE500] =	vst v63  }
0x131: {  	s16 =	sand.u32 $0xFFFFF000, s19;
	s15 =	sshll.u32 s18, $0x7  }
0x132: {  	s15 =	sand.u32 $0x380, s15;
	s16 =	sadd.s32 s16, s1  }
0x133: {  	s17 =	simm.s32 $0xC880;
	s15 =	sadd.s32 s15, s16  }
0x134: {  	[tilespmem:s17], [sflag:$0x2] =	stream.linear.gather [spmem:s15], $0x80, $0x38;
	[tilespmem:$0xE500] =	vst v63  }
0x135: {  	(v2sf) =	vpush v63, $0x9;
	s19 =	simm.s32 $0xCC80;
	s18 =	sadd.s32 $0x400, s15  }
0x136: {  	[tilespmem:s19], [sflag:$0x2] =	stream.linear.gather [spmem:s18], $0x80, $0x38;
	[tilespmem:$0xE500] =	vst v63  }
0x137: {  	s18 =	sadd.s32 $0x800, s15;
	s19 =	simm.s32 $0xD080  }
0x138: {  	[tilespmem:s19], [sflag:$0x2] =	stream.linear.gather [spmem:s18], $0x80, $0x38;
	[tilespmem:$0xE500] =	vst v63  }
0x139: {  	s18 =	spop (v2sf)  }
0x13a: {  	s17 =	simm.s32 $0xD480;
	s15 =	sadd.s32 $0xC00, s15;
	s19 =	sshll.u32 s18, $0x9  }
0x13b: {  	[tilespmem:s17], [sflag:$0x2] =	stream.linear.gather [spmem:s15], $0x80, $0x38;
	[tilespmem:$0xE500] =	vst v63  }
0x13c: {  	s16 =	sand.u32 $0xFFFFF000, s19;
	s15 =	sshll.u32 s18, $0x7  }
0x13d: {  	s15 =	sand.u32 $0x380, s15;
	s16 =	sadd.s32 s16, s1  }
0x13e: {  	s17 =	simm.s32 $0xD500;
	s15 =	sadd.s32 s15, s16  }
0x13f: {  	[tilespmem:s17], [sflag:$0x2] =	stream.linear.gather [spmem:s15], $0x80, $0x38;
	[tilespmem:$0xE500] =	vst v63  }
0x140: {  	(v2sf) =	vpush v63, $0xA;
	s19 =	simm.s32 $0xD900;
	s18 =	sadd.s32 $0x400, s15  }
0x141: {  	[tilespmem:s19], [sflag:$0x2] =	stream.linear.gather [spmem:s18], $0x80, $0x38;
	[tilespmem:$0xE500] =	vst v63  }
0x142: {  	s18 =	sadd.s32 $0x800, s15;
	s19 =	simm.s32 $0xDD00  }
0x143: {  	[tilespmem:s19], [sflag:$0x2] =	stream.linear.gather [spmem:s18], $0x80, $0x38;
	[tilespmem:$0xE500] =	vst v63  }
0x144: {  	s18 =	spop (v2sf)  }
0x145: {  	s17 =	simm.s32 $0xE100;
	s15 =	sadd.s32 $0xC00, s15;
	s19 =	sshll.u32 s18, $0x9  }
0x146: {  	[tilespmem:s17], [sflag:$0x2] =	stream.linear.gather [spmem:s15], $0x80, $0x38;
	[tilespmem:$0xE500] =	vst v63  }
0x147: {  	s16 =	sand.u32 $0xFFFFF000, s19;
	s15 =	sshll.u32 s18, $0x7  }
0x148: {  	s15 =	sand.u32 $0x380, s15;
	s16 =	sadd.s32 s16, s1  }
0x149: {  	s17 =	simm.s32 $0xD580;
	s15 =	sadd.s32 s15, s16  }
0x14a: {  	[tilespmem:s17], [sflag:$0x2] =	stream.linear.gather [spmem:s15], $0x80, $0x38;
	[tilespmem:$0xE500] =	vst v63  }
0x14b: {  	(v2sf) =	vpush v63, $0xB;
	s19 =	simm.s32 $0xD980;
	s18 =	sadd.s32 $0x400, s15  }
0x14c: {  	[tilespmem:s19], [sflag:$0x2] =	stream.linear.gather [spmem:s18], $0x80, $0x38;
	[tilespmem:$0xE500] =	vst v63  }
0x14d: {  	s18 =	sadd.s32 $0x800, s15;
	s19 =	simm.s32 $0xDD80  }
0x14e: {  	[tilespmem:s19], [sflag:$0x2] =	stream.linear.gather [spmem:s18], $0x80, $0x38;
	[tilespmem:$0xE500] =	vst v63  }
0x14f: {  	s18 =	spop (v2sf)  }
0x150: {  	s17 =	simm.s32 $0xE180;
	s15 =	sadd.s32 $0xC00, s15;
	s19 =	sshll.u32 s18, $0x9  }
0x151: {  	[tilespmem:s17], [sflag:$0x2] =	stream.linear.gather [spmem:s15], $0x80, $0x38;
	[tilespmem:$0xE500] =	vst v63  }
0x152: {  	s16 =	sand.u32 $0xFFFFF000, s19;
	s15 =	sshll.u32 s18, $0x7  }
0x153: {  	s15 =	sand.u32 $0x380, s15;
	s16 =	sadd.s32 s16, s1  }
0x154: {  	s17 =	simm.s32 $0xD600;
	s15 =	sadd.s32 s15, s16  }
0x155: {  	[tilespmem:s17], [sflag:$0x2] =	stream.linear.gather [spmem:s15], $0x80, $0x38;
	[tilespmem:$0xE500] =	vst v63  }
0x156: {  	(v2sf) =	vpush v63, $0xC;
	s19 =	simm.s32 $0xDA00;
	s18 =	sadd.s32 $0x400, s15  }
0x157: {  	[tilespmem:s19], [sflag:$0x2] =	stream.linear.gather [spmem:s18], $0x80, $0x38;
	[tilespmem:$0xE500] =	vst v63  }
0x158: {  	s18 =	sadd.s32 $0x800, s15;
	s19 =	simm.s32 $0xDE00  }
0x159: {  	[tilespmem:s19], [sflag:$0x2] =	stream.linear.gather [spmem:s18], $0x80, $0x38;
	[tilespmem:$0xE500] =	vst v63  }
0x15a: {  	s18 =	spop (v2sf)  }
0x15b: {  	s17 =	simm.s32 $0xE200;
	s15 =	sadd.s32 $0xC00, s15;
	s19 =	sshll.u32 s18, $0x9  }
0x15c: {  	[tilespmem:s17], [sflag:$0x2] =	stream.linear.gather [spmem:s15], $0x80, $0x38;
	[tilespmem:$0xE500] =	vst v63  }
0x15d: {  	s16 =	sand.u32 $0xFFFFF000, s19;
	s15 =	sshll.u32 s18, $0x7  }
0x15e: {  	s15 =	sand.u32 $0x380, s15;
	s16 =	sadd.s32 s16, s1  }
0x15f: {  	(v2sf) =	vpush v63, $0xD;
	s17 =	simm.s32 $0xD680;
	s15 =	sadd.s32 s15, s16  }
0x160: {  	[tilespmem:s17], [sflag:$0x2] =	stream.linear.gather [spmem:s15], $0x80, $0x38;
	[tilespmem:$0xE500] =	vst v63  }
0x161: {  	s19 =	simm.s32 $0xDA80;
	s18 =	sadd.s32 $0x400, s15  }
0x162: {  	[tilespmem:s19], [sflag:$0x2] =	stream.linear.gather [spmem:s18], $0x80, $0x38;
	[tilespmem:$0xE500] =	vst v63  }
0x163: {  	s17 =	sadd.s32 $0x800, s15;
	s18 =	simm.s32 $0xDE80  }
0x164: {  	[tilespmem:s18], [sflag:$0x2] =	stream.linear.gather [spmem:s17], $0x80, $0x38;
	[tilespmem:$0xE500] =	vst v63  }
0x165: {  	s17 =	spop (v2sf)  }
0x166: {  	s15 =	sadd.s32 $0xC00, s15;
	s19 =	simm.s32 $0xE280;
	s18 =	sshll.u32 s17, $0x9  }
0x167: {  	[tilespmem:s19], [sflag:$0x2] =	stream.linear.gather [spmem:s15], $0x80, $0x38;
	[tilespmem:$0xE500] =	vst v63  }
0x168: {  	s16 =	sand.u32 $0xFFFFF000, s18;
	s15 =	sshll.u32 s17, $0x7  }
0x169: {  	(v2sf) =	vpush v63, $0xE;
	s15 =	sand.u32 $0x380, s15;
	s16 =	sadd.s32 s16, s1  }
0x16a: {  	s15 =	sadd.s32 s15, s16  }
0x16b: {  	[tilespmem:s20], [sflag:$0x2] =	stream.linear.gather [spmem:s15], $0x80, $0x38;
	[tilespmem:$0xE500] =	vst v63  }
0x16c: {  	s16 =	sadd.s32 $0x400, s15  }
0x16d: {  	[tilespmem:s21], [sflag:$0x2] =	stream.linear.gather [spmem:s16], $0x80, $0x38;
	[tilespmem:$0xE500] =	vst v63  }
0x16e: {  	s19 =	sadd.s32 $0x800, s15;
	s17 =	spop (v2sf)  }
0x16f: {  	[tilespmem:s22], [sflag:$0x2] =	stream.linear.gather [spmem:s19], $0x80, $0x38;
	[tilespmem:$0xE500] =	vst v63  }
0x170: {  	s15 =	sadd.s32 $0xC00, s15;
	s18 =	sshll.u32 s17, $0x9  }
0x171: {  	[tilespmem:s24], [sflag:$0x2] =	stream.linear.gather [spmem:s15], $0x80, $0x38;
	[tilespmem:$0xE500] =	vst v63  }
0x172: {  	s16 =	sand.u32 $0xFFFFF000, s18;
	s15 =	sshll.u32 s17, $0x7  }
0x173: {  	(v2sf) =	vpush v63, $0xF;
	s16 =	sadd.s32 s16, s1;
	s15 =	sand.u32 $0x380, s15  }
0x174: {  	s15 =	sadd.s32 s15, s16  }
0x175: {  	[tilespmem:s25], [sflag:$0x2] =	stream.linear.gather [spmem:s15], $0x80, $0x38;
	[tilespmem:$0xE500] =	vst v63  }
0x176: {  	s16 =	sadd.s32 $0x400, s15  }
0x177: {  	[tilespmem:s26], [sflag:$0x2] =	stream.linear.gather [spmem:s16], $0x80, $0x38;
	[tilespmem:$0xE500] =	vst v63  }
0x178: {  	s19 =	sadd.s32 $0x800, s15;
	s17 =	spop (v2sf)  }
0x179: {  	[tilespmem:s28], [sflag:$0x2] =	stream.linear.gather [spmem:s19], $0x80, $0x38;
	[tilespmem:$0xE500] =	vst v63  }
0x17a: {  	s15 =	sadd.s32 $0xC00, s15;
	s18 =	sshll.u32 s17, $0x9  }
0x17b: {  	[tilespmem:s29], [sflag:$0x2] =	stream.linear.gather [spmem:s15], $0x80, $0x38;
	[tilespmem:$0xE500] =	vst v63  }
0x17c: {  	s16 =	sshll.u32 s17, $0x7;
	s15 =	sand.u32 $0xFFFFF000, s18  }
0x17d: {  	s16 =	sand.u32 $0x380, s16;
	s15 =	sadd.s32 s15, s1  }
0x17e: {  	s15 =	sadd.s32 s16, s15  }
0x17f: {  	[tilespmem:s30], [sflag:$0x2] =	stream.linear.gather [spmem:s15], $0x80, $0x38;
	[tilespmem:$0xE500] =	vst v63  }
0x180: {  	s16 =	sadd.s32 $0x400, s15  }
0x181: {  	[tilespmem:s31], [sflag:$0x2] =	stream.linear.gather [spmem:s16], $0x80, $0x38;
	[tilespmem:$0xE500] =	vst v63  }
0x182: {  	s17 =	spop (v2sf);
	s19 =	sadd.s32 $0x800, s15  }
0x183: {  	[tilespmem:s0], [sflag:$0x2] =	stream.linear.gather [spmem:s19], $0x80, $0x38;
	[tilespmem:$0xE500] =	vst v63  }
0x184: {  	s18 =	sshll.u32 s17, $0x9;
	s15 =	sadd.s32 $0xC00, s15  }
0x185: {  	[tilespmem:s9], [sflag:$0x2] =	stream.linear.gather [spmem:s15], $0x80, $0x38;
	[tilespmem:$0xE500] =	vst v63  }
0x186: {  	s16 =	sand.u32 $0xFFFFF000, s18;
	s15 =	sshll.u32 s17, $0x7  }
0x187: {  	s16 =	sadd.s32 s16, s1;
	s15 =	sand.u32 $0x380, s15  }
0x188: {  	s15 =	sadd.s32 s15, s16  }
0x189: {  	[tilespmem:s3], [sflag:$0x2] =	stream.linear.gather [spmem:s15], $0x80, $0x38;
	[tilespmem:$0xE500] =	vst v63  }
0x18a: {  	s16 =	sadd.s32 $0x400, s15  }
0x18b: {  	[tilespmem:s4], [sflag:$0x2] =	stream.linear.gather [spmem:s16], $0x80, $0x38;
	[tilespmem:$0xE500] =	vst v63  }
0x18c: {  	s19 =	sadd.s32 $0x800, s15  }
0x18d: {  	[tilespmem:s5], [sflag:$0x2] =	stream.linear.gather [spmem:s19], $0x80, $0x38;
	[tilespmem:$0xE500] =	vst v63  }
0x18e: {  	s15 =	sadd.s32 $0xC00, s15  }
0x18f: {  	[tilespmem:s8], [sflag:$0x2] =	stream.linear.gather [spmem:s15], $0x80, $0x38;
	[tilespmem:$0xE500] =	vst v63  }
0x190: {  	s16 =	simm.s32 $0x0;
	s15 =	simm.s32 $0x7D30  }
.LBB2_2:
0x191: {  	_ =	swait.ge [sflag:s10], $0x2000  }
0x192: {  	[sflag:s10] =	ssyncset.done $0x0  }
0x193: {  	s17 =	sadd.s32 s16, s7;
	[sflag:s10] =	ssyncadd.s32 $0xFFFFE000  }
0x194: {  	[hbm4b:s17+s2] =	stream.linear.scatter [tilespmem:s11], [sflag:$0x3], $0x2000, $0x38;
	[tilespmem:$0xE500] =	vst v63  }
0x195: {  	_ =	swait.ge [sflag:s12], $0x2000  }
0x196: {  	p1 =	seq.s32 s16, $0x9F800;
	[sflag:s12] =	ssyncset.done $0x0  }
.Ltmp2:
0x197: {  	s19 =	sadd.s32 s16, s6;
	[sflag:s12] =	ssyncadd.s32 $0xFFFFE000;
	(pc) =	sbr.rel @p1 .LBB2_4-.Ltmp2, $4  }
0x198: {  	[hbm4b:s19+s2] =	stream.linear.scatter [tilespmem:s23], [sflag:$0x4], $0x2000, $0x38;
	[tilespmem:$0xE500] =	vst v63  }
0x199: {  	_ =	swait.ge [sflag:s13], $0x2000  }
0x19a: {  	[sflag:s13] =	ssyncset.done $0x0  }
0x19b: {  	[sflag:s13] =	ssyncadd.s32 $0xFFFFE000  }
0x19c: {  	v0 =	vld [tilespmem:s15+$0xFFFFFFF0];
	_ =	sdelay $0x4  }
0x19d: {  	(v2sf) =	vpush v0, $0x0;
	_ =	sdelay $0xb  }
0x19e: {  	(v2sf) =	vpush v0, $0x1;
	_ =	sdelay $0x2  }
0x19f: {  	s17 =	spop (v2sf)  }
0x1a0: {  	s18 =	sshll.u32 s17, $0x9  }
0x1a1: {  	s17 =	sshll.u32 s17, $0x7;
	s18 =	sand.u32 $0xFFFFF000, s18  }
0x1a2: {  	s17 =	sand.u32 $0x380, s17;
	s18 =	sadd.s32 s18, s1  }
0x1a3: {  	s17 =	sadd.s32 s17, s18  }
0x1a4: {  	[tilespmem:s11], [sflag:$0x1] =	stream.linear.gather [spmem:s17], $0x80, $0x38;
	[tilespmem:$0xE500] =	vst v63  }
0x1a5: {  	s19 =	simm.s32 $0xA900;
	s18 =	sadd.s32 $0x400, s17  }
0x1a6: {  	[tilespmem:s19], [sflag:$0x1] =	stream.linear.gather [spmem:s18], $0x80, $0x38;
	[tilespmem:$0xE500] =	vst v63  }
0x1a7: {  	s18 =	sadd.s32 $0x800, s17;
	s19 =	simm.s32 $0xAD00  }
0x1a8: {  	(v2sf) =	vpush v0, $0x2;
	[tilespmem:s19], [sflag:$0x1] =	stream.linear.gather [spmem:s18], $0x80, $0x38;
	[tilespmem:$0xE500] =	vst v63  }
0x1a9: {  	s17 =	sadd.s32 $0xC00, s17;
	s19 =	simm.s32 $0xB100  }
0x1aa: {  	[tilespmem:s19], [sflag:$0x1] =	stream.linear.gather [spmem:s17], $0x80, $0x38;
	[tilespmem:$0xE500] =	vst v63  }
0x1ab: {  	s17 =	spop (v2sf)  }
0x1ac: {  	s19 =	sshll.u32 s17, $0x9  }
0x1ad: {  	s17 =	sshll.u32 s17, $0x7;
	s18 =	sand.u32 $0xFFFFF000, s19  }
0x1ae: {  	s17 =	sand.u32 $0x380, s17;
	s18 =	sadd.s32 s18, s1  }
0x1af: {  	s19 =	simm.s32 $0xA580;
	s17 =	sadd.s32 s17, s18  }
0x1b0: {  	[tilespmem:s19], [sflag:$0x1] =	stream.linear.gather [spmem:s17], $0x80, $0x38;
	[tilespmem:$0xE500] =	vst v63  }
0x1b1: {  	s18 =	sadd.s32 $0x400, s17;
	s19 =	simm.s32 $0xA980  }
0x1b2: {  	[tilespmem:s19], [sflag:$0x1] =	stream.linear.gather [spmem:s18], $0x80, $0x38;
	[tilespmem:$0xE500] =	vst v63  }
0x1b3: {  	s18 =	sadd.s32 $0x800, s17;
	s19 =	simm.s32 $0xAD80  }
0x1b4: {  	(v2sf) =	vpush v0, $0x3;
	[tilespmem:s19], [sflag:$0x1] =	stream.linear.gather [spmem:s18], $0x80, $0x38;
	[tilespmem:$0xE500] =	vst v63  }
0x1b5: {  	s17 =	sadd.s32 $0xC00, s17;
	s19 =	simm.s32 $0xB180  }
0x1b6: {  	[tilespmem:s19], [sflag:$0x1] =	stream.linear.gather [spmem:s17], $0x80, $0x38;
	[tilespmem:$0xE500] =	vst v63  }
0x1b7: {  	s17 =	spop (v2sf)  }
0x1b8: {  	s19 =	sshll.u32 s17, $0x9  }
0x1b9: {  	s17 =	sshll.u32 s17, $0x7;
	s18 =	sand.u32 $0xFFFFF000, s19  }
0x1ba: {  	s17 =	sand.u32 $0x380, s17;
	s18 =	sadd.s32 s18, s1  }
0x1bb: {  	s19 =	simm.s32 $0xA600;
	s17 =	sadd.s32 s17, s18  }
0x1bc: {  	[tilespmem:s19], [sflag:$0x1] =	stream.linear.gather [spmem:s17], $0x80, $0x38;
	[tilespmem:$0xE500] =	vst v63  }
0x1bd: {  	s18 =	sadd.s32 $0x400, s17;
	s19 =	simm.s32 $0xAA00  }
0x1be: {  	[tilespmem:s19], [sflag:$0x1] =	stream.linear.gather [spmem:s18], $0x80, $0x38;
	[tilespmem:$0xE500] =	vst v63  }
0x1bf: {  	s18 =	sadd.s32 $0x800, s17;
	s19 =	simm.s32 $0xAE00  }
0x1c0: {  	(v2sf) =	vpush v0, $0x4;
	[tilespmem:s19], [sflag:$0x1] =	stream.linear.gather [spmem:s18], $0x80, $0x38;
	[tilespmem:$0xE500] =	vst v63  }
0x1c1: {  	s17 =	sadd.s32 $0xC00, s17;
	s19 =	simm.s32 $0xB200  }
0x1c2: {  	[tilespmem:s19], [sflag:$0x1] =	stream.linear.gather [spmem:s17], $0x80, $0x38;
	[tilespmem:$0xE500] =	vst v63  }
0x1c3: {  	s17 =	spop (v2sf)  }
0x1c4: {  	s19 =	sshll.u32 s17, $0x9  }
0x1c5: {  	s17 =	sshll.u32 s17, $0x7;
	s18 =	sand.u32 $0xFFFFF000, s19  }
0x1c6: {  	s17 =	sand.u32 $0x380, s17;
	s18 =	sadd.s32 s18, s1  }
0x1c7: {  	s19 =	simm.s32 $0xA680;
	s17 =	sadd.s32 s17, s18  }
0x1c8: {  	[tilespmem:s19], [sflag:$0x1] =	stream.linear.gather [spmem:s17], $0x80, $0x38;
	[tilespmem:$0xE500] =	vst v63  }
0x1c9: {  	s18 =	sadd.s32 $0x400, s17;
	s19 =	simm.s32 $0xAA80  }
0x1ca: {  	[tilespmem:s19], [sflag:$0x1] =	stream.linear.gather [spmem:s18], $0x80, $0x38;
	[tilespmem:$0xE500] =	vst v63  }
0x1cb: {  	s18 =	sadd.s32 $0x800, s17;
	s19 =	simm.s32 $0xAE80  }
0x1cc: {  	(v2sf) =	vpush v0, $0x5;
	[tilespmem:s19], [sflag:$0x1] =	stream.linear.gather [spmem:s18], $0x80, $0x38;
	[tilespmem:$0xE500] =	vst v63  }
0x1cd: {  	s17 =	sadd.s32 $0xC00, s17;
	s19 =	simm.s32 $0xB280  }
0x1ce: {  	[tilespmem:s19], [sflag:$0x1] =	stream.linear.gather [spmem:s17], $0x80, $0x38;
	[tilespmem:$0xE500] =	vst v63  }
0x1cf: {  	s17 =	spop (v2sf)  }
0x1d0: {  	s19 =	sshll.u32 s17, $0x9  }
0x1d1: {  	s17 =	sshll.u32 s17, $0x7;
	s18 =	sand.u32 $0xFFFFF000, s19  }
0x1d2: {  	s17 =	sand.u32 $0x380, s17;
	s18 =	sadd.s32 s18, s1  }
0x1d3: {  	s19 =	simm.s32 $0xA700;
	s17 =	sadd.s32 s17, s18  }
0x1d4: {  	[tilespmem:s19], [sflag:$0x1] =	stream.linear.gather [spmem:s17], $0x80, $0x38;
	[tilespmem:$0xE500] =	vst v63  }
0x1d5: {  	s18 =	sadd.s32 $0x400, s17;
	s19 =	simm.s32 $0xAB00  }
0x1d6: {  	[tilespmem:s19], [sflag:$0x1] =	stream.linear.gather [spmem:s18], $0x80, $0x38;
	[tilespmem:$0xE500] =	vst v63  }
0x1d7: {  	s18 =	sadd.s32 $0x800, s17;
	s19 =	simm.s32 $0xAF00  }
0x1d8: {  	(v2sf) =	vpush v0, $0x6;
	[tilespmem:s19], [sflag:$0x1] =	stream.linear.gather [spmem:s18], $0x80, $0x38;
	[tilespmem:$0xE500] =	vst v63  }
0x1d9: {  	s17 =	sadd.s32 $0xC00, s17;
	s19 =	simm.s32 $0xB300  }
0x1da: {  	[tilespmem:s19], [sflag:$0x1] =	stream.linear.gather [spmem:s17], $0x80, $0x38;
	[tilespmem:$0xE500] =	vst v63  }
0x1db: {  	s17 =	spop (v2sf)  }
0x1dc: {  	s19 =	sshll.u32 s17, $0x9  }
0x1dd: {  	s17 =	sshll.u32 s17, $0x7;
	s18 =	sand.u32 $0xFFFFF000, s19  }
0x1de: {  	s17 =	sand.u32 $0x380, s17;
	s18 =	sadd.s32 s18, s1  }
0x1df: {  	s19 =	simm.s32 $0xA780;
	s17 =	sadd.s32 s17, s18  }
0x1e0: {  	[tilespmem:s19], [sflag:$0x1] =	stream.linear.gather [spmem:s17], $0x80, $0x38;
	[tilespmem:$0xE500] =	vst v63  }
0x1e1: {  	s18 =	sadd.s32 $0x400, s17;
	s19 =	simm.s32 $0xAB80  }
0x1e2: {  	[tilespmem:s19], [sflag:$0x1] =	stream.linear.gather [spmem:s18], $0x80, $0x38;
	[tilespmem:$0xE500] =	vst v63  }
0x1e3: {  	s18 =	sadd.s32 $0x800, s17;
	s19 =	simm.s32 $0xAF80  }
0x1e4: {  	(v2sf) =	vpush v0, $0x7;
	[tilespmem:s19], [sflag:$0x1] =	stream.linear.gather [spmem:s18], $0x80, $0x38;
	[tilespmem:$0xE500] =	vst v63  }
0x1e5: {  	s17 =	sadd.s32 $0xC00, s17;
	s19 =	simm.s32 $0xB380  }
0x1e6: {  	[tilespmem:s19], [sflag:$0x1] =	stream.linear.gather [spmem:s17], $0x80, $0x38;
	[tilespmem:$0xE500] =	vst v63  }
0x1e7: {  	s17 =	spop (v2sf)  }
0x1e8: {  	s19 =	sshll.u32 s17, $0x9  }
0x1e9: {  	s17 =	sshll.u32 s17, $0x7;
	s18 =	sand.u32 $0xFFFFF000, s19  }
0x1ea: {  	s17 =	sand.u32 $0x380, s17;
	s18 =	sadd.s32 s18, s1  }
0x1eb: {  	s19 =	simm.s32 $0xA800;
	s17 =	sadd.s32 s17, s18  }
0x1ec: {  	[tilespmem:s19], [sflag:$0x1] =	stream.linear.gather [spmem:s17], $0x80, $0x38;
	[tilespmem:$0xE500] =	vst v63  }
0x1ed: {  	s18 =	sadd.s32 $0x400, s17;
	s19 =	simm.s32 $0xAC00  }
0x1ee: {  	[tilespmem:s19], [sflag:$0x1] =	stream.linear.gather [spmem:s18], $0x80, $0x38;
	[tilespmem:$0xE500] =	vst v63  }
0x1ef: {  	s18 =	sadd.s32 $0x800, s17;
	s19 =	simm.s32 $0xB000  }
0x1f0: {  	(v2sf) =	vpush v0, $0x8;
	[tilespmem:s19], [sflag:$0x1] =	stream.linear.gather [spmem:s18], $0x80, $0x38;
	[tilespmem:$0xE500] =	vst v63  }
0x1f1: {  	s17 =	sadd.s32 $0xC00, s17;
	s19 =	simm.s32 $0xB400  }
0x1f2: {  	[tilespmem:s19], [sflag:$0x1] =	stream.linear.gather [spmem:s17], $0x80, $0x38;
	[tilespmem:$0xE500] =	vst v63  }
0x1f3: {  	s17 =	spop (v2sf)  }
0x1f4: {  	s19 =	sshll.u32 s17, $0x9  }
0x1f5: {  	s17 =	sshll.u32 s17, $0x7;
	s18 =	sand.u32 $0xFFFFF000, s19  }
0x1f6: {  	s17 =	sand.u32 $0x380, s17;
	s18 =	sadd.s32 s18, s1  }
0x1f7: {  	s19 =	simm.s32 $0xA880;
	s17 =	sadd.s32 s17, s18  }
0x1f8: {  	[tilespmem:s19], [sflag:$0x1] =	stream.linear.gather [spmem:s17], $0x80, $0x38;
	[tilespmem:$0xE500] =	vst v63  }
0x1f9: {  	s18 =	sadd.s32 $0x400, s17;
	s19 =	simm.s32 $0xAC80  }
0x1fa: {  	[tilespmem:s19], [sflag:$0x1] =	stream.linear.gather [spmem:s18], $0x80, $0x38;
	[tilespmem:$0xE500] =	vst v63  }
0x1fb: {  	s18 =	sadd.s32 $0x800, s17;
	s19 =	simm.s32 $0xB080  }
0x1fc: {  	(v2sf) =	vpush v0, $0x9;
	[tilespmem:s19], [sflag:$0x1] =	stream.linear.gather [spmem:s18], $0x80, $0x38;
	[tilespmem:$0xE500] =	vst v63  }
0x1fd: {  	s17 =	sadd.s32 $0xC00, s17;
	s19 =	simm.s32 $0xB480  }
0x1fe: {  	[tilespmem:s19], [sflag:$0x1] =	stream.linear.gather [spmem:s17], $0x80, $0x38;
	[tilespmem:$0xE500] =	vst v63  }
0x1ff: {  	s17 =	spop (v2sf)  }
0x200: {  	s19 =	sshll.u32 s17, $0x9  }
0x201: {  	s17 =	sshll.u32 s17, $0x7;
	s18 =	sand.u32 $0xFFFFF000, s19  }
0x202: {  	s17 =	sand.u32 $0x380, s17;
	s18 =	sadd.s32 s18, s1  }
0x203: {  	s19 =	simm.s32 $0xB500;
	s17 =	sadd.s32 s17, s18  }
0x204: {  	[tilespmem:s19], [sflag:$0x1] =	stream.linear.gather [spmem:s17], $0x80, $0x38;
	[tilespmem:$0xE500] =	vst v63  }
0x205: {  	s18 =	sadd.s32 $0x400, s17;
	s19 =	simm.s32 $0xB900  }
0x206: {  	[tilespmem:s19], [sflag:$0x1] =	stream.linear.gather [spmem:s18], $0x80, $0x38;
	[tilespmem:$0xE500] =	vst v63  }
0x207: {  	s18 =	sadd.s32 $0x800, s17;
	s19 =	simm.s32 $0xBD00  }
0x208: {  	(v2sf) =	vpush v0, $0xA;
	[tilespmem:s19], [sflag:$0x1] =	stream.linear.gather [spmem:s18], $0x80, $0x38;
	[tilespmem:$0xE500] =	vst v63  }
0x209: {  	s17 =	sadd.s32 $0xC00, s17;
	s19 =	simm.s32 $0xC100  }
0x20a: {  	[tilespmem:s19], [sflag:$0x1] =	stream.linear.gather [spmem:s17], $0x80, $0x38;
	[tilespmem:$0xE500] =	vst v63  }
0x20b: {  	s17 =	spop (v2sf)  }
0x20c: {  	s19 =	sshll.u32 s17, $0x9  }
0x20d: {  	s17 =	sshll.u32 s17, $0x7;
	s18 =	sand.u32 $0xFFFFF000, s19  }
0x20e: {  	s17 =	sand.u32 $0x380, s17;
	s18 =	sadd.s32 s18, s1  }
0x20f: {  	s19 =	simm.s32 $0xB580;
	s17 =	sadd.s32 s17, s18  }
0x210: {  	[tilespmem:s19], [sflag:$0x1] =	stream.linear.gather [spmem:s17], $0x80, $0x38;
	[tilespmem:$0xE500] =	vst v63  }
0x211: {  	s18 =	sadd.s32 $0x400, s17;
	s19 =	simm.s32 $0xB980  }
0x212: {  	[tilespmem:s19], [sflag:$0x1] =	stream.linear.gather [spmem:s18], $0x80, $0x38;
	[tilespmem:$0xE500] =	vst v63  }
0x213: {  	s18 =	sadd.s32 $0x800, s17;
	s19 =	simm.s32 $0xBD80  }
0x214: {  	(v2sf) =	vpush v0, $0xB;
	[tilespmem:s19], [sflag:$0x1] =	stream.linear.gather [spmem:s18], $0x80, $0x38;
	[tilespmem:$0xE500] =	vst v63  }
0x215: {  	s17 =	sadd.s32 $0xC00, s17;
	s19 =	simm.s32 $0xC180  }
0x216: {  	[tilespmem:s19], [sflag:$0x1] =	stream.linear.gather [spmem:s17], $0x80, $0x38;
	[tilespmem:$0xE500] =	vst v63  }
0x217: {  	s17 =	spop (v2sf)  }
0x218: {  	s19 =	sshll.u32 s17, $0x9  }
0x219: {  	s17 =	sshll.u32 s17, $0x7;
	s18 =	sand.u32 $0xFFFFF000, s19  }
0x21a: {  	s17 =	sand.u32 $0x380, s17;
	s18 =	sadd.s32 s18, s1  }
0x21b: {  	s19 =	simm.s32 $0xB600;
	s17 =	sadd.s32 s17, s18  }
0x21c: {  	[tilespmem:s19], [sflag:$0x1] =	stream.linear.gather [spmem:s17], $0x80, $0x38;
	[tilespmem:$0xE500] =	vst v63  }
0x21d: {  	s18 =	sadd.s32 $0x400, s17;
	s19 =	simm.s32 $0xBA00  }
0x21e: {  	[tilespmem:s19], [sflag:$0x1] =	stream.linear.gather [spmem:s18], $0x80, $0x38;
	[tilespmem:$0xE500] =	vst v63  }
0x21f: {  	s18 =	sadd.s32 $0x800, s17;
	s19 =	simm.s32 $0xBE00  }
0x220: {  	(v2sf) =	vpush v0, $0xC;
	[tilespmem:s19], [sflag:$0x1] =	stream.linear.gather [spmem:s18], $0x80, $0x38;
	[tilespmem:$0xE500] =	vst v63  }
0x221: {  	s17 =	sadd.s32 $0xC00, s17;
	s19 =	simm.s32 $0xC200  }
0x222: {  	[tilespmem:s19], [sflag:$0x1] =	stream.linear.gather [spmem:s17], $0x80, $0x38;
	[tilespmem:$0xE500] =	vst v63  }
0x223: {  	s17 =	spop (v2sf)  }
0x224: {  	s19 =	sshll.u32 s17, $0x9  }
0x225: {  	s17 =	sshll.u32 s17, $0x7;
	s18 =	sand.u32 $0xFFFFF000, s19  }
0x226: {  	s17 =	sand.u32 $0x380, s17;
	s18 =	sadd.s32 s18, s1  }
0x227: {  	s19 =	simm.s32 $0xB680;
	s17 =	sadd.s32 s17, s18  }
0x228: {  	[tilespmem:s19], [sflag:$0x1] =	stream.linear.gather [spmem:s17], $0x80, $0x38;
	[tilespmem:$0xE500] =	vst v63  }
0x229: {  	s18 =	sadd.s32 $0x400, s17;
	s19 =	simm.s32 $0xBA80  }
0x22a: {  	[tilespmem:s19], [sflag:$0x1] =	stream.linear.gather [spmem:s18], $0x80, $0x38;
	[tilespmem:$0xE500] =	vst v63  }
0x22b: {  	s18 =	sadd.s32 $0x800, s17;
	s19 =	simm.s32 $0xBE80  }
0x22c: {  	(v2sf) =	vpush v0, $0xD;
	[tilespmem:s19], [sflag:$0x1] =	stream.linear.gather [spmem:s18], $0x80, $0x38;
	[tilespmem:$0xE500] =	vst v63  }
0x22d: {  	s17 =	sadd.s32 $0xC00, s17;
	s19 =	simm.s32 $0xC280  }
0x22e: {  	[tilespmem:s19], [sflag:$0x1] =	stream.linear.gather [spmem:s17], $0x80, $0x38;
	[tilespmem:$0xE500] =	vst v63  }
0x22f: {  	s17 =	spop (v2sf)  }
0x230: {  	s19 =	sshll.u32 s17, $0x9  }
0x231: {  	s17 =	sshll.u32 s17, $0x7;
	s18 =	sand.u32 $0xFFFFF000, s19  }
0x232: {  	s17 =	sand.u32 $0x380, s17;
	s18 =	sadd.s32 s18, s1  }
0x233: {  	s19 =	simm.s32 $0xB700;
	s17 =	sadd.s32 s17, s18  }
0x234: {  	[tilespmem:s19], [sflag:$0x1] =	stream.linear.gather [spmem:s17], $0x80, $0x38;
	[tilespmem:$0xE500] =	vst v63  }
0x235: {  	s18 =	sadd.s32 $0x400, s17;
	s19 =	simm.s32 $0xBB00  }
0x236: {  	[tilespmem:s19], [sflag:$0x1] =	stream.linear.gather [spmem:s18], $0x80, $0x38;
	[tilespmem:$0xE500] =	vst v63  }
0x237: {  	s18 =	sadd.s32 $0x800, s17;
	s19 =	simm.s32 $0xBF00  }
0x238: {  	(v2sf) =	vpush v0, $0xE;
	[tilespmem:s19], [sflag:$0x1] =	stream.linear.gather [spmem:s18], $0x80, $0x38;
	[tilespmem:$0xE500] =	vst v63  }
0x239: {  	s17 =	sadd.s32 $0xC00, s17;
	s19 =	simm.s32 $0xC300  }
0x23a: {  	[tilespmem:s19], [sflag:$0x1] =	stream.linear.gather [spmem:s17], $0x80, $0x38;
	[tilespmem:$0xE500] =	vst v63  }
0x23b: {  	s17 =	spop (v2sf)  }
0x23c: {  	s19 =	sshll.u32 s17, $0x9  }
0x23d: {  	s17 =	sshll.u32 s17, $0x7;
	s18 =	sand.u32 $0xFFFFF000, s19  }
0x23e: {  	s17 =	sand.u32 $0x380, s17;
	s18 =	sadd.s32 s18, s1  }
0x23f: {  	s19 =	simm.s32 $0xB780;
	s17 =	sadd.s32 s17, s18  }
0x240: {  	[tilespmem:s19], [sflag:$0x1] =	stream.linear.gather [spmem:s17], $0x80, $0x38;
	[tilespmem:$0xE500] =	vst v63  }
0x241: {  	s18 =	sadd.s32 $0x400, s17;
	s19 =	simm.s32 $0xBB80  }
0x242: {  	[tilespmem:s19], [sflag:$0x1] =	stream.linear.gather [spmem:s18], $0x80, $0x38;
	[tilespmem:$0xE500] =	vst v63  }
0x243: {  	s18 =	sadd.s32 $0x800, s17;
	s19 =	simm.s32 $0xBF80  }
0x244: {  	(v2sf) =	vpush v0, $0xF;
	[tilespmem:s19], [sflag:$0x1] =	stream.linear.gather [spmem:s18], $0x80, $0x38;
	[tilespmem:$0xE500] =	vst v63  }
0x245: {  	s17 =	sadd.s32 $0xC00, s17;
	s19 =	simm.s32 $0xC380  }
0x246: {  	[tilespmem:s19], [sflag:$0x1] =	stream.linear.gather [spmem:s17], $0x80, $0x38;
	[tilespmem:$0xE500] =	vst v63  }
0x247: {  	s17 =	spop (v2sf)  }
0x248: {  	s19 =	sshll.u32 s17, $0x9  }
0x249: {  	s17 =	sshll.u32 s17, $0x7;
	s18 =	sand.u32 $0xFFFFF000, s19  }
0x24a: {  	s17 =	sand.u32 $0x380, s17;
	s18 =	sadd.s32 s18, s1  }
0x24b: {  	s19 =	simm.s32 $0xB800;
	s17 =	sadd.s32 s17, s18  }
0x24c: {  	[tilespmem:s19], [sflag:$0x1] =	stream.linear.gather [spmem:s17], $0x80, $0x38;
	[tilespmem:$0xE500] =	vst v63  }
0x24d: {  	s18 =	sadd.s32 $0x400, s17;
	s19 =	simm.s32 $0xBC00  }
0x24e: {  	[tilespmem:s19], [sflag:$0x1] =	stream.linear.gather [spmem:s18], $0x80, $0x38;
	[tilespmem:$0xE500] =	vst v63  }
0x24f: {  	s18 =	sadd.s32 $0x800, s17;
	s19 =	simm.s32 $0xC000  }
0x250: {  	[tilespmem:s19], [sflag:$0x1] =	stream.linear.gather [spmem:s18], $0x80, $0x38;
	[tilespmem:$0xE500] =	vst v63  }
0x251: {  	s17 =	sadd.s32 $0xC00, s17;
	s19 =	simm.s32 $0xC400  }
0x252: {  	[tilespmem:s19], [sflag:$0x1] =	stream.linear.gather [spmem:s17], $0x80, $0x38;
	[tilespmem:$0xE500] =	vst v63  }
0x253: {  	s17 =	spop (v2sf)  }
0x254: {  	s19 =	sshll.u32 s17, $0x9  }
0x255: {  	s17 =	sshll.u32 s17, $0x7;
	s18 =	sand.u32 $0xFFFFF000, s19  }
0x256: {  	s17 =	sand.u32 $0x380, s17;
	s18 =	sadd.s32 s18, s1  }
0x257: {  	s19 =	simm.s32 $0xB880;
	s17 =	sadd.s32 s17, s18  }
0x258: {  	[tilespmem:s19], [sflag:$0x1] =	stream.linear.gather [spmem:s17], $0x80, $0x38;
	[tilespmem:$0xE500] =	vst v63  }
0x259: {  	s18 =	sadd.s32 $0x400, s17;
	s19 =	simm.s32 $0xBC80  }
0x25a: {  	[tilespmem:s19], [sflag:$0x1] =	stream.linear.gather [spmem:s18], $0x80, $0x38;
	[tilespmem:$0xE500] =	vst v63  }
0x25b: {  	s18 =	sadd.s32 $0x800, s17;
	s19 =	simm.s32 $0xC080  }
0x25c: {  	[tilespmem:s19], [sflag:$0x1] =	stream.linear.gather [spmem:s18], $0x80, $0x38;
	[tilespmem:$0xE500] =	vst v63  }
0x25d: {  	s17 =	sadd.s32 $0xC00, s17;
	s19 =	simm.s32 $0xC480  }
0x25e: {  	[tilespmem:s19], [sflag:$0x1] =	stream.linear.gather [spmem:s17], $0x80, $0x38;
	[tilespmem:$0xE500] =	vst v63  }
0x25f: {  	_ =	swait.ge [sflag:s14], $0x2000  }
0x260: {  	[sflag:s14] =	ssyncset.done $0x0  }
0x261: {  	[sflag:s14] =	ssyncadd.s32 $0xFFFFE000  }
0x262: {  	v63 =	vld [tilespmem:s15+$0x0];
	_ =	sdelay $0x4  }
0x263: {  	(v2sf) =	vpush v63, $0x0;
	_ =	sdelay $0xb  }
0x264: {  	(v2sf) =	vpush v63, $0x1;
	_ =	sdelay $0x2  }
0x265: {  	s17 =	spop (v2sf)  }
0x266: {  	s19 =	sshll.u32 s17, $0x9  }
0x267: {  	s17 =	sshll.u32 s17, $0x7;
	s18 =	sand.u32 $0xFFFFF000, s19  }
0x268: {  	s17 =	sand.u32 $0x380, s17;
	s18 =	sadd.s32 s18, s1  }
0x269: {  	s17 =	sadd.s32 s17, s18  }
0x26a: {  	[tilespmem:s23], [sflag:$0x2] =	stream.linear.gather [spmem:s17], $0x80, $0x38;
	[tilespmem:$0xE500] =	vst v63  }
0x26b: {  	s19 =	simm.s32 $0xC900;
	s18 =	sadd.s32 $0x400, s17  }
0x26c: {  	[tilespmem:s19], [sflag:$0x2] =	stream.linear.gather [spmem:s18], $0x80, $0x38;
	[tilespmem:$0xE500] =	vst v63  }
0x26d: {  	s18 =	sadd.s32 $0x800, s17;
	s19 =	simm.s32 $0xCD00  }
0x26e: {  	(v2sf) =	vpush v63, $0x2;
	[tilespmem:s19], [sflag:$0x2] =	stream.linear.gather [spmem:s18], $0x80, $0x38;
	[tilespmem:$0xE500] =	vst v63  }
0x26f: {  	s17 =	sadd.s32 $0xC00, s17;
	s19 =	simm.s32 $0xD100  }
0x270: {  	[tilespmem:s19], [sflag:$0x2] =	stream.linear.gather [spmem:s17], $0x80, $0x38;
	[tilespmem:$0xE500] =	vst v63  }
0x271: {  	s17 =	spop (v2sf)  }
0x272: {  	s19 =	sshll.u32 s17, $0x9  }
0x273: {  	s17 =	sshll.u32 s17, $0x7;
	s18 =	sand.u32 $0xFFFFF000, s19  }
0x274: {  	s17 =	sand.u32 $0x380, s17;
	s18 =	sadd.s32 s18, s1  }
0x275: {  	s19 =	simm.s32 $0xC580;
	s17 =	sadd.s32 s17, s18  }
0x276: {  	[tilespmem:s19], [sflag:$0x2] =	stream.linear.gather [spmem:s17], $0x80, $0x38;
	[tilespmem:$0xE500] =	vst v63  }
0x277: {  	s18 =	sadd.s32 $0x400, s17;
	s19 =	simm.s32 $0xC980  }
0x278: {  	[tilespmem:s19], [sflag:$0x2] =	stream.linear.gather [spmem:s18], $0x80, $0x38;
	[tilespmem:$0xE500] =	vst v63  }
0x279: {  	s18 =	sadd.s32 $0x800, s17;
	s19 =	simm.s32 $0xCD80  }
0x27a: {  	(v2sf) =	vpush v63, $0x3;
	[tilespmem:s19], [sflag:$0x2] =	stream.linear.gather [spmem:s18], $0x80, $0x38;
	[tilespmem:$0xE500] =	vst v63  }
0x27b: {  	s17 =	sadd.s32 $0xC00, s17;
	s19 =	simm.s32 $0xD180  }
0x27c: {  	[tilespmem:s19], [sflag:$0x2] =	stream.linear.gather [spmem:s17], $0x80, $0x38;
	[tilespmem:$0xE500] =	vst v63  }
0x27d: {  	s17 =	spop (v2sf)  }
0x27e: {  	s19 =	sshll.u32 s17, $0x9  }
0x27f: {  	s17 =	sshll.u32 s17, $0x7;
	s18 =	sand.u32 $0xFFFFF000, s19  }
0x280: {  	s17 =	sand.u32 $0x380, s17;
	s18 =	sadd.s32 s18, s1  }
0x281: {  	s19 =	simm.s32 $0xC600;
	s17 =	sadd.s32 s17, s18  }
0x282: {  	[tilespmem:s19], [sflag:$0x2] =	stream.linear.gather [spmem:s17], $0x80, $0x38;
	[tilespmem:$0xE500] =	vst v63  }
0x283: {  	s18 =	sadd.s32 $0x400, s17;
	s19 =	simm.s32 $0xCA00  }
0x284: {  	[tilespmem:s19], [sflag:$0x2] =	stream.linear.gather [spmem:s18], $0x80, $0x38;
	[tilespmem:$0xE500] =	vst v63  }
0x285: {  	s18 =	sadd.s32 $0x800, s17;
	s19 =	simm.s32 $0xCE00  }
0x286: {  	(v2sf) =	vpush v63, $0x4;
	[tilespmem:s19], [sflag:$0x2] =	stream.linear.gather [spmem:s18], $0x80, $0x38;
	[tilespmem:$0xE500] =	vst v63  }
0x287: {  	s17 =	sadd.s32 $0xC00, s17;
	s19 =	simm.s32 $0xD200  }
0x288: {  	[tilespmem:s19], [sflag:$0x2] =	stream.linear.gather [spmem:s17], $0x80, $0x38;
	[tilespmem:$0xE500] =	vst v63  }
0x289: {  	s17 =	spop (v2sf)  }
0x28a: {  	s19 =	sshll.u32 s17, $0x9  }
0x28b: {  	s17 =	sshll.u32 s17, $0x7;
	s18 =	sand.u32 $0xFFFFF000, s19  }
0x28c: {  	s17 =	sand.u32 $0x380, s17;
	s18 =	sadd.s32 s18, s1  }
0x28d: {  	s19 =	simm.s32 $0xC680;
	s17 =	sadd.s32 s17, s18  }
0x28e: {  	[tilespmem:s19], [sflag:$0x2] =	stream.linear.gather [spmem:s17], $0x80, $0x38;
	[tilespmem:$0xE500] =	vst v63  }
0x28f: {  	s18 =	sadd.s32 $0x400, s17;
	s19 =	simm.s32 $0xCA80  }
0x290: {  	[tilespmem:s19], [sflag:$0x2] =	stream.linear.gather [spmem:s18], $0x80, $0x38;
	[tilespmem:$0xE500] =	vst v63  }
0x291: {  	s18 =	sadd.s32 $0x800, s17;
	s19 =	simm.s32 $0xCE80  }
0x292: {  	(v2sf) =	vpush v63, $0x5;
	[tilespmem:s19], [sflag:$0x2] =	stream.linear.gather [spmem:s18], $0x80, $0x38;
	[tilespmem:$0xE500] =	vst v63  }
0x293: {  	s17 =	sadd.s32 $0xC00, s17;
	s19 =	simm.s32 $0xD280  }
0x294: {  	[tilespmem:s19], [sflag:$0x2] =	stream.linear.gather [spmem:s17], $0x80, $0x38;
	[tilespmem:$0xE500] =	vst v63  }
0x295: {  	s17 =	spop (v2sf)  }
0x296: {  	s19 =	sshll.u32 s17, $0x9  }
0x297: {  	s17 =	sshll.u32 s17, $0x7;
	s18 =	sand.u32 $0xFFFFF000, s19  }
0x298: {  	s17 =	sand.u32 $0x380, s17;
	s18 =	sadd.s32 s18, s1  }
0x299: {  	s19 =	simm.s32 $0xC700;
	s17 =	sadd.s32 s17, s18  }
0x29a: {  	[tilespmem:s19], [sflag:$0x2] =	stream.linear.gather [spmem:s17], $0x80, $0x38;
	[tilespmem:$0xE500] =	vst v63  }
0x29b: {  	s18 =	sadd.s32 $0x400, s17;
	s19 =	simm.s32 $0xCB00  }
0x29c: {  	[tilespmem:s19], [sflag:$0x2] =	stream.linear.gather [spmem:s18], $0x80, $0x38;
	[tilespmem:$0xE500] =	vst v63  }
0x29d: {  	s18 =	sadd.s32 $0x800, s17;
	s19 =	simm.s32 $0xCF00  }
0x29e: {  	(v2sf) =	vpush v63, $0x6;
	[tilespmem:s19], [sflag:$0x2] =	stream.linear.gather [spmem:s18], $0x80, $0x38;
	[tilespmem:$0xE500] =	vst v63  }
0x29f: {  	s17 =	sadd.s32 $0xC00, s17;
	s19 =	simm.s32 $0xD300  }
0x2a0: {  	[tilespmem:s19], [sflag:$0x2] =	stream.linear.gather [spmem:s17], $0x80, $0x38;
	[tilespmem:$0xE500] =	vst v63  }
0x2a1: {  	s17 =	spop (v2sf)  }
0x2a2: {  	s19 =	sshll.u32 s17, $0x9  }
0x2a3: {  	s17 =	sshll.u32 s17, $0x7;
	s18 =	sand.u32 $0xFFFFF000, s19  }
0x2a4: {  	s17 =	sand.u32 $0x380, s17;
	s18 =	sadd.s32 s18, s1  }
0x2a5: {  	s19 =	simm.s32 $0xC780;
	s17 =	sadd.s32 s17, s18  }
0x2a6: {  	[tilespmem:s19], [sflag:$0x2] =	stream.linear.gather [spmem:s17], $0x80, $0x38;
	[tilespmem:$0xE500] =	vst v63  }
0x2a7: {  	s18 =	sadd.s32 $0x400, s17;
	s19 =	simm.s32 $0xCB80  }
0x2a8: {  	[tilespmem:s19], [sflag:$0x2] =	stream.linear.gather [spmem:s18], $0x80, $0x38;
	[tilespmem:$0xE500] =	vst v63  }
0x2a9: {  	s18 =	sadd.s32 $0x800, s17;
	s19 =	simm.s32 $0xCF80  }
0x2aa: {  	(v2sf) =	vpush v63, $0x7;
	[tilespmem:s19], [sflag:$0x2] =	stream.linear.gather [spmem:s18], $0x80, $0x38;
	[tilespmem:$0xE500] =	vst v63  }
0x2ab: {  	s17 =	sadd.s32 $0xC00, s17;
	s19 =	simm.s32 $0xD380  }
0x2ac: {  	[tilespmem:s19], [sflag:$0x2] =	stream.linear.gather [spmem:s17], $0x80, $0x38;
	[tilespmem:$0xE500] =	vst v63  }
0x2ad: {  	s17 =	spop (v2sf)  }
0x2ae: {  	s19 =	sshll.u32 s17, $0x9  }
0x2af: {  	s17 =	sshll.u32 s17, $0x7;
	s18 =	sand.u32 $0xFFFFF000, s19  }
0x2b0: {  	s17 =	sand.u32 $0x380, s17;
	s18 =	sadd.s32 s18, s1  }
0x2b1: {  	s19 =	simm.s32 $0xC800;
	s17 =	sadd.s32 s17, s18  }
0x2b2: {  	[tilespmem:s19], [sflag:$0x2] =	stream.linear.gather [spmem:s17], $0x80, $0x38;
	[tilespmem:$0xE500] =	vst v63  }
0x2b3: {  	s18 =	sadd.s32 $0x400, s17;
	s19 =	simm.s32 $0xCC00  }
0x2b4: {  	[tilespmem:s19], [sflag:$0x2] =	stream.linear.gather [spmem:s18], $0x80, $0x38;
	[tilespmem:$0xE500] =	vst v63  }
0x2b5: {  	s18 =	sadd.s32 $0x800, s17;
	s19 =	simm.s32 $0xD000  }
0x2b6: {  	(v2sf) =	vpush v63, $0x8;
	[tilespmem:s19], [sflag:$0x2] =	stream.linear.gather [spmem:s18], $0x80, $0x38;
	[tilespmem:$0xE500] =	vst v63  }
0x2b7: {  	s17 =	sadd.s32 $0xC00, s17;
	s19 =	simm.s32 $0xD400  }
0x2b8: {  	[tilespmem:s19], [sflag:$0x2] =	stream.linear.gather [spmem:s17], $0x80, $0x38;
	[tilespmem:$0xE500] =	vst v63  }
0x2b9: {  	s17 =	spop (v2sf)  }
0x2ba: {  	s19 =	sshll.u32 s17, $0x9  }
0x2bb: {  	s17 =	sshll.u32 s17, $0x7;
	s18 =	sand.u32 $0xFFFFF000, s19  }
0x2bc: {  	s17 =	sand.u32 $0x380, s17;
	s18 =	sadd.s32 s18, s1  }
0x2bd: {  	s19 =	simm.s32 $0xC880;
	s17 =	sadd.s32 s17, s18  }
0x2be: {  	[tilespmem:s19], [sflag:$0x2] =	stream.linear.gather [spmem:s17], $0x80, $0x38;
	[tilespmem:$0xE500] =	vst v63  }
0x2bf: {  	s18 =	sadd.s32 $0x400, s17;
	s19 =	simm.s32 $0xCC80  }
0x2c0: {  	[tilespmem:s19], [sflag:$0x2] =	stream.linear.gather [spmem:s18], $0x80, $0x38;
	[tilespmem:$0xE500] =	vst v63  }
0x2c1: {  	s18 =	sadd.s32 $0x800, s17;
	s19 =	simm.s32 $0xD080  }
0x2c2: {  	(v2sf) =	vpush v63, $0x9;
	[tilespmem:s19], [sflag:$0x2] =	stream.linear.gather [spmem:s18], $0x80, $0x38;
	[tilespmem:$0xE500] =	vst v63  }
0x2c3: {  	s17 =	sadd.s32 $0xC00, s17;
	s19 =	simm.s32 $0xD480  }
0x2c4: {  	[tilespmem:s19], [sflag:$0x2] =	stream.linear.gather [spmem:s17], $0x80, $0x38;
	[tilespmem:$0xE500] =	vst v63  }
0x2c5: {  	s17 =	spop (v2sf)  }
0x2c6: {  	s19 =	sshll.u32 s17, $0x9  }
0x2c7: {  	s17 =	sshll.u32 s17, $0x7;
	s18 =	sand.u32 $0xFFFFF000, s19  }
0x2c8: {  	s17 =	sand.u32 $0x380, s17;
	s18 =	sadd.s32 s18, s1  }
0x2c9: {  	s19 =	simm.s32 $0xD500;
	s17 =	sadd.s32 s17, s18  }
0x2ca: {  	[tilespmem:s19], [sflag:$0x2] =	stream.linear.gather [spmem:s17], $0x80, $0x38;
	[tilespmem:$0xE500] =	vst v63  }
0x2cb: {  	s18 =	sadd.s32 $0x400, s17;
	s19 =	simm.s32 $0xD900  }
0x2cc: {  	[tilespmem:s19], [sflag:$0x2] =	stream.linear.gather [spmem:s18], $0x80, $0x38;
	[tilespmem:$0xE500] =	vst v63  }
0x2cd: {  	s18 =	sadd.s32 $0x800, s17;
	s19 =	simm.s32 $0xDD00  }
0x2ce: {  	(v2sf) =	vpush v63, $0xA;
	[tilespmem:s19], [sflag:$0x2] =	stream.linear.gather [spmem:s18], $0x80, $0x38;
	[tilespmem:$0xE500] =	vst v63  }
0x2cf: {  	s17 =	sadd.s32 $0xC00, s17;
	s19 =	simm.s32 $0xE100  }
0x2d0: {  	[tilespmem:s19], [sflag:$0x2] =	stream.linear.gather [spmem:s17], $0x80, $0x38;
	[tilespmem:$0xE500] =	vst v63  }
0x2d1: {  	s17 =	spop (v2sf)  }
0x2d2: {  	s19 =	sshll.u32 s17, $0x9  }
0x2d3: {  	s17 =	sshll.u32 s17, $0x7;
	s18 =	sand.u32 $0xFFFFF000, s19  }
0x2d4: {  	s17 =	sand.u32 $0x380, s17;
	s18 =	sadd.s32 s18, s1  }
0x2d5: {  	s19 =	simm.s32 $0xD580;
	s17 =	sadd.s32 s17, s18  }
0x2d6: {  	[tilespmem:s19], [sflag:$0x2] =	stream.linear.gather [spmem:s17], $0x80, $0x38;
	[tilespmem:$0xE500] =	vst v63  }
0x2d7: {  	s18 =	sadd.s32 $0x400, s17;
	s19 =	simm.s32 $0xD980  }
0x2d8: {  	[tilespmem:s19], [sflag:$0x2] =	stream.linear.gather [spmem:s18], $0x80, $0x38;
	[tilespmem:$0xE500] =	vst v63  }
0x2d9: {  	s18 =	sadd.s32 $0x800, s17;
	s19 =	simm.s32 $0xDD80  }
0x2da: {  	(v2sf) =	vpush v63, $0xB;
	[tilespmem:s19], [sflag:$0x2] =	stream.linear.gather [spmem:s18], $0x80, $0x38;
	[tilespmem:$0xE500] =	vst v63  }
0x2db: {  	s17 =	sadd.s32 $0xC00, s17;
	s19 =	simm.s32 $0xE180  }
0x2dc: {  	[tilespmem:s19], [sflag:$0x2] =	stream.linear.gather [spmem:s17], $0x80, $0x38;
	[tilespmem:$0xE500] =	vst v63  }
0x2dd: {  	s17 =	spop (v2sf)  }
0x2de: {  	s19 =	sshll.u32 s17, $0x9  }
0x2df: {  	s17 =	sshll.u32 s17, $0x7;
	s18 =	sand.u32 $0xFFFFF000, s19  }
0x2e0: {  	s17 =	sand.u32 $0x380, s17;
	s18 =	sadd.s32 s18, s1  }
0x2e1: {  	s19 =	simm.s32 $0xD600;
	s17 =	sadd.s32 s17, s18  }
0x2e2: {  	[tilespmem:s19], [sflag:$0x2] =	stream.linear.gather [spmem:s17], $0x80, $0x38;
	[tilespmem:$0xE500] =	vst v63  }
0x2e3: {  	s18 =	sadd.s32 $0x400, s17;
	s19 =	simm.s32 $0xDA00  }
0x2e4: {  	[tilespmem:s19], [sflag:$0x2] =	stream.linear.gather [spmem:s18], $0x80, $0x38;
	[tilespmem:$0xE500] =	vst v63  }
0x2e5: {  	s18 =	sadd.s32 $0x800, s17;
	s19 =	simm.s32 $0xDE00  }
0x2e6: {  	(v2sf) =	vpush v63, $0xC;
	[tilespmem:s19], [sflag:$0x2] =	stream.linear.gather [spmem:s18], $0x80, $0x38;
	[tilespmem:$0xE500] =	vst v63  }
0x2e7: {  	s17 =	sadd.s32 $0xC00, s17;
	s19 =	simm.s32 $0xE200  }
0x2e8: {  	[tilespmem:s19], [sflag:$0x2] =	stream.linear.gather [spmem:s17], $0x80, $0x38;
	[tilespmem:$0xE500] =	vst v63  }
0x2e9: {  	s17 =	spop (v2sf)  }
0x2ea: {  	s19 =	sshll.u32 s17, $0x9  }
0x2eb: {  	s17 =	sshll.u32 s17, $0x7;
	s18 =	sand.u32 $0xFFFFF000, s19  }
0x2ec: {  	s17 =	sand.u32 $0x380, s17;
	s18 =	sadd.s32 s18, s1  }
0x2ed: {  	s19 =	simm.s32 $0xD680;
	s17 =	sadd.s32 s17, s18  }
0x2ee: {  	[tilespmem:s19], [sflag:$0x2] =	stream.linear.gather [spmem:s17], $0x80, $0x38;
	[tilespmem:$0xE500] =	vst v63  }
0x2ef: {  	s18 =	sadd.s32 $0x400, s17;
	s19 =	simm.s32 $0xDA80  }
0x2f0: {  	[tilespmem:s19], [sflag:$0x2] =	stream.linear.gather [spmem:s18], $0x80, $0x38;
	[tilespmem:$0xE500] =	vst v63  }
0x2f1: {  	s18 =	sadd.s32 $0x800, s17;
	s19 =	simm.s32 $0xDE80  }
0x2f2: {  	(v2sf) =	vpush v63, $0xD;
	[tilespmem:s19], [sflag:$0x2] =	stream.linear.gather [spmem:s18], $0x80, $0x38;
	[tilespmem:$0xE500] =	vst v63  }
0x2f3: {  	s17 =	sadd.s32 $0xC00, s17;
	s19 =	simm.s32 $0xE280  }
0x2f4: {  	[tilespmem:s19], [sflag:$0x2] =	stream.linear.gather [spmem:s17], $0x80, $0x38;
	[tilespmem:$0xE500] =	vst v63  }
0x2f5: {  	s17 =	spop (v2sf)  }
0x2f6: {  	s19 =	sshll.u32 s17, $0x9  }
0x2f7: {  	s17 =	sshll.u32 s17, $0x7;
	s18 =	sand.u32 $0xFFFFF000, s19  }
0x2f8: {  	s17 =	sand.u32 $0x380, s17;
	s18 =	sadd.s32 s18, s1  }
0x2f9: {  	s17 =	sadd.s32 s17, s18  }
0x2fa: {  	(v2sf) =	vpush v63, $0xE;
	[tilespmem:s20], [sflag:$0x2] =	stream.linear.gather [spmem:s17], $0x80, $0x38;
	[tilespmem:$0xE500] =	vst v63  }
0x2fb: {  	s18 =	sadd.s32 $0x400, s17  }
0x2fc: {  	[tilespmem:s21], [sflag:$0x2] =	stream.linear.gather [spmem:s18], $0x80, $0x38;
	[tilespmem:$0xE500] =	vst v63  }
0x2fd: {  	s19 =	sadd.s32 $0x800, s17  }
0x2fe: {  	[tilespmem:s22], [sflag:$0x2] =	stream.linear.gather [spmem:s19], $0x80, $0x38;
	[tilespmem:$0xE500] =	vst v63  }
0x2ff: {  	s17 =	sadd.s32 $0xC00, s17  }
0x300: {  	[tilespmem:s24], [sflag:$0x2] =	stream.linear.gather [spmem:s17], $0x80, $0x38;
	[tilespmem:$0xE500] =	vst v63  }
0x301: {  	s17 =	spop (v2sf)  }
0x302: {  	s19 =	sshll.u32 s17, $0x9  }
0x303: {  	s17 =	sshll.u32 s17, $0x7;
	s18 =	sand.u32 $0xFFFFF000, s19  }
0x304: {  	s17 =	sand.u32 $0x380, s17;
	s18 =	sadd.s32 s18, s1  }
0x305: {  	s17 =	sadd.s32 s17, s18  }
0x306: {  	[tilespmem:s25], [sflag:$0x2] =	stream.linear.gather [spmem:s17], $0x80, $0x38;
	[tilespmem:$0xE500] =	vst v63  }
0x307: {  	s18 =	sadd.s32 $0x400, s17  }
0x308: {  	(v2sf) =	vpush v63, $0xF;
	[tilespmem:s26], [sflag:$0x2] =	stream.linear.gather [spmem:s18], $0x80, $0x38;
	[tilespmem:$0xE500] =	vst v63  }
0x309: {  	s19 =	sadd.s32 $0x800, s17;
	s18 =	spop (v2sf)  }
0x30a: {  	[tilespmem:s28], [sflag:$0x2] =	stream.linear.gather [spmem:s19], $0x80, $0x38;
	[tilespmem:$0xE500] =	vst v63  }
0x30b: {  	s17 =	sadd.s32 $0xC00, s17;
	s19 =	sshll.u32 s18, $0x9  }
0x30c: {  	[tilespmem:s29], [sflag:$0x2] =	stream.linear.gather [spmem:s17], $0x80, $0x38;
	[tilespmem:$0xE500] =	vst v63  }
0x30d: {  	s18 =	sshll.u32 s18, $0x7;
	s17 =	sand.u32 $0xFFFFF000, s19  }
0x30e: {  	s18 =	sand.u32 $0x380, s18;
	s17 =	sadd.s32 s17, s1  }
0x30f: {  	s17 =	sadd.s32 s18, s17  }
0x310: {  	[tilespmem:s30], [sflag:$0x2] =	stream.linear.gather [spmem:s17], $0x80, $0x38;
	[tilespmem:$0xE500] =	vst v63  }
0x311: {  	s18 =	sadd.s32 $0x400, s17  }
0x312: {  	[tilespmem:s31], [sflag:$0x2] =	stream.linear.gather [spmem:s18], $0x80, $0x38;
	[tilespmem:$0xE500] =	vst v63  }
0x313: {  	s19 =	sadd.s32 $0x800, s17  }
0x314: {  	[tilespmem:s0], [sflag:$0x2] =	stream.linear.gather [spmem:s19], $0x80, $0x38;
	[tilespmem:$0xE500] =	vst v63  }
0x315: {  	s17 =	sadd.s32 $0xC00, s17  }
0x316: {  	[tilespmem:s9], [sflag:$0x2] =	stream.linear.gather [spmem:s17], $0x80, $0x38;
	[tilespmem:$0xE500] =	vst v63  }
0x317: {  	s17 =	spop (v2sf)  }
0x318: {  	s19 =	sshll.u32 s17, $0x9  }
0x319: {  	s17 =	sshll.u32 s17, $0x7;
	s18 =	sand.u32 $0xFFFFF000, s19  }
0x31a: {  	s17 =	sand.u32 $0x380, s17;
	s18 =	sadd.s32 s18, s1  }
0x31b: {  	s17 =	sadd.s32 s17, s18  }
0x31c: {  	[tilespmem:s3], [sflag:$0x2] =	stream.linear.gather [spmem:s17], $0x80, $0x38;
	[tilespmem:$0xE500] =	vst v63  }
0x31d: {  	s18 =	sadd.s32 $0x400, s17  }
0x31e: {  	[tilespmem:s4], [sflag:$0x2] =	stream.linear.gather [spmem:s18], $0x80, $0x38;
	[tilespmem:$0xE500] =	vst v63  }
.Ltmp3:
0x31f: {  	_ = 	snop;
	(pc) =	sbr.rel .LBB2_2-.Ltmp3, $4  }
0x320: {  	s19 =	sadd.s32 $0x800, s17  }
0x321: {  	[tilespmem:s5], [sflag:$0x2] =	stream.linear.gather [spmem:s19], $0x80, $0x38;
	[tilespmem:$0xE500] =	vst v63  }
0x322: {  	s16 =	sadd.s32 $0x800, s16;
	s15 =	sadd.s32 $0x20, s15;
	s17 =	sadd.s32 $0xC00, s17  }
0x323: {  	[tilespmem:s8], [sflag:$0x2] =	stream.linear.gather [spmem:s17], $0x80, $0x38;
	[tilespmem:$0xE500] =	vst v63  }
.LBB2_5:
0x324: {  	_ =	sfence.sel $0x180000  }
0x325: {  	[bflag:$0x0] =	sbarrier.arrive $0xFFFF  }
0x326: {  	_ =	strace $0x90000047  }
0x327: {  	[bflag:$0x2] =	sbarrier.arrive $0xFFFF  }
0x328: {  	s0 =	rddreg [dreg:$0x3]  }
0x329: {  	s0 =	sadd.s32 @!p0 $0x100000, s0  }
0x32a: {  	[sflag:s0] =	ssyncadd.tile.s32 @!p0 $0x1;
	_ =	shalt  }
.Lfunc_end2:
_tile_overlayer_lowered:
.L_overlay_start_2:
0x32b: {  	(tag) =	ssettag $0x2  }
0x32c: {  	s0 =	rddreg [dreg:$0x0];
	s2 =	stileid.u32  }
0x32d: {  	s1 =	rddreg [dreg:$0x1];
	p0 =	sne.s32 s2, $0x0  }
0x32e: {  	s3 =	rddreg [dreg:$0x2];
	[bflag:$0x3] =	sbarrier.arrive $0xFFFF;
	s2 =	simm.s32 @!p0 $0x1C05  }
0x32f: {  	[timem:s3], [sflag:s2] =	dma.local @!p0 [hbm:s0], s1  }
0x330: {  	s0 =	simm.s32 @!p0 $0x5  }
0x331: {  	_ =	swait.ge @!p0 [sflag:s0], s1  }
0x332: {  	s1 =	ssub.s32 @!p0 $0x0, s1;
	[sflag:s0] =	ssyncset.done @!p0 $0x0  }
0x333: {  	[sflag:s0] =	ssyncadd.s32 @!p0 s1  }
0x334: {  	[bflag:$0x3] =	sbarrier.arrive $0xFFFF  }
0x335: {  	_ =	shalt  }

</sc_bundles>
